<compile_context>
chip_gen: v7x
topology: tpu7x:2x2x1
jax: 0.10.2.dev20260603
libtpu: 0.0.44.dev20260713+nightly
codegen_flags: <defaults>
</compile_context>

<pallas_src>
import functools
import math

import jax
import jax.numpy as jnp
import numpy as np
from jax import lax
from jax.experimental import pallas as pl
from jax.experimental.pallas import tpu as pltpu
from jax.experimental.pallas import tpu_sc as plsc

_N = 10000
_E = 10000
_NNZ = 160000
_D = 256
_H = 8
_DH = 32
_BN = 2000
_NBLK = _N // _BN
_EBLK = _E // _BN
_TW = 144
_EP = 10016
_CH = 64
_NTILE = 16
_CPT = 159
_NP = _NTILE * _CPT * _CH
_ROWS_PER_TILE = _EP // _NTILE

_INV_SQRT_DH = 1.0 / math.sqrt(_DH)


def _ln(x, g, b, eps=1e-5):
    m = jnp.mean(x, axis=-1, keepdims=True)
    v = jnp.mean((x - m) * (x - m), axis=-1, keepdims=True)
    return (x - m) / jnp.sqrt(v + eps) * g + b


def _bmm(a, w):
    return jnp.matmul(a.astype(jnp.bfloat16), w,
                      preferred_element_type=jnp.float32)


def _stage1_body(x_ref, n1g, n1b, w11, b11, w12, b12, kw, kb, vw, vb,
                 qpe, qw1, qb1, qw2, qb2, sel, rep,
                 n2g, n2b, w2a, c2a, w22, b22,
                 bpe, bw1, bb1, bw2, bb2,
                 t0_ref, t1_ref, v_ref, r0_ref, ball_ref,
                 accA, accS):
    i = pl.program_id(0)
    xb = x_ref[:]
    xl = _ln(xb, n1g[:], n1b[:])
    x1 = xb + _bmm(jax.nn.relu(_bmm(xl, w11[:]) + b11[:]), w12[:]) + b12[:]
    kk = _bmm(x1, kw[:]) + kb[:]
    vv = _bmm(x1, vw[:]) + vb[:]

    q_all = jax.nn.relu(qpe[:] @ qw1[:] + qb1[:]) @ qw2[:] + qb2[:]
    q0 = q_all[0:1, :]
    q1 = q_all[1:2, :]

    k0 = kk[:, :_D]
    k1 = kk[:, _D:]
    l0 = ((k0 * q0) @ sel[:]) * _INV_SQRT_DH
    ar = (k1 * q1) @ sel[:]
    p = jnp.exp(jnp.where(ar >= 0, ar, 0.2 * ar))
    pv = vv * (p @ rep[:])

    zpad = jnp.zeros((_BN, _TW - _D // 2 - _H // 2), jnp.float32)
    t0_ref[:] = jnp.concatenate([pv[:, :128], p[:, :4], zpad], axis=1)
    t1_ref[:] = jnp.concatenate([pv[:, 128:], p[:, 4:], zpad], axis=1)
    v_ref[:] = vv

    e0 = jnp.exp(l0)
    contrib = jnp.sum((e0 @ rep[:]) * vv, axis=0, keepdims=True)
    scon = jnp.sum(e0, axis=0, keepdims=True)

    @pl.when(i == 0)
    def _():
        accA[:] = contrib
        accS[:] = scon

    @pl.when(i > 0)
    def _():
        accA[:] = accA[:] + contrib
        accS[:] = accS[:] + scon

    @pl.when(i == _NBLK - 1)
    def _():
        att0 = accA[:] / (accS[:] @ rep[:])
        a0l = _ln(att0, n2g[:], n2b[:])
        r0_ref[:] = att0 + _bmm(jax.nn.relu(_bmm(a0l, w2a[:]) + c2a[:]),
                                w22[:]) + b22[:]
        ball_ref[:] = (jax.nn.relu(bpe[:] @ bw1[:] + bb1[:]) @ bw2[:]
                       + bb2[:])


def _sc_body(t0_hbm, t1_hbm, idx_hbm,
             out0, out1, acc, ibp, ibr,
             rows0, rows1, rows2, sg0, sg1, sg2, ss0, ss1, ss2):
    c = lax.axis_index("c")
    s = lax.axis_index("s")
    row0 = s * _ROWS_PER_TILE
    pltpu.sync_copy(idx_hbm.at[pl.ds(s * _CPT, _CPT)], ibp)

    zv = jnp.zeros((16,), jnp.float32)

    def zrow(r, carry):
        for q in range(_TW // 16):
            rows0[r, pl.ds(q * 16, 16)] = zv
        return carry
    lax.fori_loop(0, _CH, zrow, 0)
    nfull = _ROWS_PER_TILE // _CH
    rem = _ROWS_PER_TILE - nfull * _CH
    for k in range(nfull):
        pltpu.sync_copy(rows0, acc.at[pl.ds(row0 + k * _CH, _CH)])
    pltpu.sync_copy(rows0.at[pl.ds(0, rem)],
                    acc.at[pl.ds(row0 + nfull * _CH, rem)])
    plsc.subcore_barrier()

    rows = (rows0, rows1, rows2)
    sg = (sg0, sg1, sg2)
    ss = (ss0, ss1, ss2)

    def unpack(j, b):
        for q in range(_CH // 16):
            w = ibp[j, pl.ds(q * 16, 16)]
            ibr[b, 0, pl.ds(q * 16, 16)] = lax.shift_right_logical(w, 16)
            ibr[b, 1, pl.ds(q * 16, 16)] = lax.bitwise_and(w, 0xFFFF)

    def run(t_hbm):
        def gather(j, b):
            pltpu.async_copy(t_hbm.at[ibr.at[b, 0]], rows[b], sg[b])

        def wait_gather(b):
            pltpu.make_async_copy(t_hbm.at[ibr.at[b, 0]], rows[b],
                                  sg[b]).wait()

        def scatter(b):
            pltpu.async_copy(rows[b], acc.at[ibr.at[b, 1]], ss[b], add=True)

        def wait_scatter(b):
            pltpu.make_async_copy(rows[b], acc.at[ibr.at[b, 1]],
                                  ss[b]).wait()

        unpack(0, 0)
        unpack(1, 1)
        gather(0, 0)
        gather(1, 1)

        def body(i, carry):
            for b in range(3):
                j = 3 * i + b
                bn = (b + 2) % 3
                wait_gather(b)
                scatter(b)

                @pl.when(jnp.logical_and(j >= 1, j + 2 < _CPT))
                def _():
                    wait_scatter(bn)

                @pl.when(j + 2 < _CPT)
                def _():
                    unpack(j + 2, bn)
                    gather(j + 2, bn)
            return carry
        lax.fori_loop(0, _CPT // 3, body, 0)
        for b in range(3):
            wait_scatter(b)

    @pl.when(c == 0)
    def _():
        run(t0_hbm)

    @pl.when(c == 1)
    def _():
        run(t1_hbm)

    plsc.subcore_barrier()

    @pl.when(c == 0)
    def _():
        pltpu.sync_copy(acc.at[pl.ds(row0, _ROWS_PER_TILE)],
                        out0.at[pl.ds(row0, _ROWS_PER_TILE)])

    @pl.when(c == 1)
    def _():
        pltpu.sync_copy(acc.at[pl.ds(row0, _ROWS_PER_TILE)],
                        out1.at[pl.ds(row0, _ROWS_PER_TILE)])


def _node_body(v_ref, r0, ball, n2g, n2b, w2a, c2v, w22, b22,
               n3g, n3b, w3a, c3v, w32, b32, out_ref):
    t = v_ref[:]
    u = t + _bmm(jax.nn.relu(_bmm(_ln(t, n2g[:], n2b[:]), w2a[:]) + c2v[:]),
                 w22[:]) + b22[:]
    y = r0[:] + u
    out_ref[:] = (y + _bmm(jax.nn.relu(_bmm(_ln(y, n3g[:], n3b[:]), w3a[:])
                                       + c3v[:]), w32[:]) + b32[:]
                  + ball[1:2, :])


def _edge_body(a0_ref, a1_ref, eo_ref, r0, ball, r4,
               n2g, n2b, w2a, c2v, w22, b22,
               n3g, n3b, w3a, c3tbl, w32, b32, out_ref):
    a0 = a0_ref[:]
    a1 = a1_ref[:]
    d0 = a0[:, 128:132] @ r4[:]
    d1 = a1[:, 128:132] @ r4[:]
    t = jnp.concatenate([a0[:, :128] / (d0 + 1e-16),
                         a1[:, :128] / (d1 + 1e-16)], axis=1)
    u = t + _bmm(jax.nn.relu(_bmm(_ln(t, n2g[:], n2b[:]), w2a[:]) + c2v[:]),
                 w22[:]) + b22[:]
    y = r0[:] + u
    eo = eo_ref[0, 0, :]
    oh = (eo[:, None] ==
          lax.broadcasted_iota(jnp.int32, (_BN, 4), 1)).astype(jnp.float32)
    c3 = oh @ c3tbl[:]
    be = oh @ ball[:]
    out_ref[:] = (y + _bmm(jax.nn.relu(_bmm(_ln(y, n3g[:], n3b[:]), w3a[:])
                                       + c3), w32[:]) + b32[:] + be)


def _const_spec(shape):
    nd = len(shape)
    return pl.BlockSpec(shape, lambda i: (0,) * nd)


def _row_spec(w):
    return pl.BlockSpec((_BN, w), lambda i: (i, 0))


def _stage1_call(x, args):
    n_small = len(args)
    in_specs = [_row_spec(_D)] + [_const_spec(a.shape) for a in args]
    out_shape = [
        jax.ShapeDtypeStruct((_N, _TW), jnp.float32),
        jax.ShapeDtypeStruct((_N, _TW), jnp.float32),
        jax.ShapeDtypeStruct((_N, _D), jnp.float32),
        jax.ShapeDtypeStruct((1, _D), jnp.float32),
        jax.ShapeDtypeStruct((4, _D), jnp.float32),
    ]
    out_specs = [
        _row_spec(_TW), _row_spec(_TW), _row_spec(_D),
        _const_spec((1, _D)), _const_spec((4, _D)),
    ]
    return pl.pallas_call(
        _stage1_body,
        grid=(_NBLK,),
        in_specs=in_specs,
        out_specs=out_specs,
        out_shape=out_shape,
        scratch_shapes=[pltpu.VMEM((1, _D), jnp.float32),
                        pltpu.VMEM((1, _H), jnp.float32)],
    )(x, *args)


@functools.cache
def _make_sc_segment():
    return pl.kernel(
        _sc_body,
        out_type=[jax.ShapeDtypeStruct((_EP, _TW), jnp.float32),
                  jax.ShapeDtypeStruct((_EP, _TW), jnp.float32)],
        mesh=plsc.VectorSubcoreMesh(core_axis_name="c", subcore_axis_name="s"),
        compiler_params=pltpu.CompilerParams(use_tc_tiling_on_sc=False),
        scratch_types=[
            pltpu.VMEM_SHARED((_EP, _TW), jnp.float32),
            pltpu.VMEM((_CPT, _CH), jnp.int32),
            pltpu.VMEM((3, 2, _CH), jnp.int32),
            pltpu.VMEM((_CH, _TW), jnp.float32),
            pltpu.VMEM((_CH, _TW), jnp.float32),
            pltpu.VMEM((_CH, _TW), jnp.float32),
            pltpu.SemaphoreType.DMA,
            pltpu.SemaphoreType.DMA,
            pltpu.SemaphoreType.DMA,
            pltpu.SemaphoreType.DMA,
            pltpu.SemaphoreType.DMA,
            pltpu.SemaphoreType.DMA,
        ],
    )


def _sc_segment(t0, t1, idx):
    return _make_sc_segment()(t0, t1, idx)


def _node_call(vout, args):
    in_specs = [_row_spec(_D)] + [_const_spec(a.shape) for a in args]
    return pl.pallas_call(
        _node_body,
        grid=(_NBLK,),
        in_specs=in_specs,
        out_specs=_row_spec(_D),
        out_shape=jax.ShapeDtypeStruct((_N, _D), jnp.float32),
    )(vout, *args)


def _edge_call(acc0, acc1, eo3, args):
    in_specs = [_row_spec(_TW), _row_spec(_TW),
                pl.BlockSpec((1, 1, _BN), lambda i: (i, 0, 0))]
    in_specs += [_const_spec(a.shape) for a in args]
    return pl.pallas_call(
        _edge_body,
        grid=(_EBLK,),
        in_specs=in_specs,
        out_specs=_row_spec(_D),
        out_shape=jax.ShapeDtypeStruct((_E, _D), jnp.float32),
    )(acc0, acc1, eo3, *args)


def kernel(x, incidence_indices, edge_orders, params):
    p = params
    f32 = jnp.float32

    sel = jnp.asarray(np.equal.outer(np.arange(_D) // _DH,
                                     np.arange(_H)).astype(np.float32))
    rep = sel.T
    r4 = jnp.asarray(np.equal.outer(np.arange(4),
                                    np.arange(128) // _DH).astype(np.float32))

    bf16 = jnp.bfloat16

    w2a = p['mlp2_W1'][:_D].astype(bf16)
    w2b = p['mlp2_W1'][_D:]
    c2a = (p['mlp2_b1'] + p['pe2'][0] @ w2b)[None]
    c2v = (p['mlp2_b1'] + p['pe2'][1] @ w2b)[None]
    w3a = p['mlp3_W1'][:_D].astype(bf16)
    w3b = p['mlp3_W1'][_D:]
    c3v = (p['mlp3_b1'] + p['pe3'][1] @ w3b)[None]
    c3tbl = p['mlp3_b1'][None] + p['pe3'] @ w3b

    r2 = lambda a: a[None]

    w22 = p['mlp2_W2'].astype(bf16)
    w32 = p['mlp3_W2'].astype(bf16)
    stage1_args = [
        r2(p['n1_g']), r2(p['n1_b']),
        p['mlp1_W1'].astype(bf16), r2(p['mlp1_b1']),
        p['mlp1_W2'].astype(bf16), r2(p['mlp1_b2']),
        p['k_W'].astype(bf16), r2(p['k_b']),
        p['v_W'].astype(bf16), r2(p['v_b']),
        p['q_pe'], p['q_W1'], r2(p['q_b1']), p['q_W2'], r2(p['q_b2']),
        sel, rep,
        r2(p['n2_g']), r2(p['n2_b']), w2a, c2a, w22, r2(p['mlp2_b2']),
        p['b_pe'], p['b_W1'], r2(p['b_b1']), p['b_W2'], r2(p['b_b2']),
    ]
    t0, t1, vout, r0, ball = _stage1_call(x, stage1_args)

    nidx = incidence_indices[0]
    eidx = incidence_indices[1]
    pad = _NP - _NNZ
    nidx_p = jnp.concatenate([nidx, jnp.zeros((pad,), jnp.int32)])
    eidx_p = jnp.concatenate([eidx, jnp.full((pad,), _E, jnp.int32)])
    idx_p = ((nidx_p << 16) | eidx_p).reshape(_NTILE * _CPT, _CH)

    node_args = [
        r0, ball,
        r2(p['n2_g']), r2(p['n2_b']), w2a, c2v, w22, r2(p['mlp2_b2']),
        r2(p['n3_g']), r2(p['n3_b']), w3a, c3v, w32, r2(p['mlp3_b2']),
    ]
    out_v = _node_call(vout, node_args)

    acc0, acc1 = _sc_segment(t0, t1, idx_p)

    eo3 = edge_orders.reshape(_EBLK, 1, _BN)
    edge_args = [
        r0, ball, r4,
        r2(p['n2_g']), r2(p['n2_b']), w2a, c2v, w22, r2(p['mlp2_b2']),
        r2(p['n3_g']), r2(p['n3_b']), w3a, c3tbl, w32, r2(p['mlp3_b2']),
    ]
    out_e = _edge_call(acc0, acc1, eo3, edge_args)

    return out_v, out_e

# --- scband reference (transcript-rebuilt; emitter-appended) ---
"""Pipeline reference for scband-self-attn-v2-eopt-10290741641924 (READ-ONLY COPY).

The authoritative reference and input builder live on the scoring server;
editing this copy changes nothing except your own understanding.
"""

import jax, jax.numpy as jnp
import numpy as np
import math

N = 10000
E = 10000
NNZ = 160000
D = 256
H = 8
DH = 32
PE = 128
MAXL = 3

def _ln(x, g, b, eps=1e-5):
    m = jnp.mean(x, axis=-1, keepdims=True)
    v = jnp.var(x, axis=-1, keepdims=True)
    return (x - m) / jnp.sqrt(v + eps) * g + b

def _mlp(x, W1, b1, W2, b2):
    return jax.nn.relu(x @ W1 + b1) @ W2 + b2

def setup_inputs(seed: int = 0):
    key = jax.random.key(seed)
    kit = iter(list(jax.random.split(key, 48)))
    def nrm(shape, s=0.05):
        return jax.random.normal(next(kit), shape, dtype=jnp.float32) * s
    x = jax.random.normal(next(kit), (N, D), dtype=jnp.float32)
    incidence_indices = jax.random.randint(next(kit), (2, NNZ), 0, E, dtype=jnp.int32)
    edge_orders = jax.random.randint(next(kit), (E,), 0, MAXL + 1, dtype=jnp.int32)
    params = {
        'n1_g': jnp.ones((D,), jnp.float32), 'n1_b': jnp.zeros((D,), jnp.float32),
        'n2_g': jnp.ones((D,), jnp.float32), 'n2_b': jnp.zeros((D,), jnp.float32),
        'n3_g': jnp.ones((D,), jnp.float32), 'n3_b': jnp.zeros((D,), jnp.float32),
        'mlp1_W1': nrm((D, 256)), 'mlp1_b1': jnp.zeros((256,), jnp.float32),
        'mlp1_W2': nrm((256, D)), 'mlp1_b2': jnp.zeros((D,), jnp.float32),
        'q_pe': nrm((2, PE)), 'q_W1': nrm((PE, 256)), 'q_b1': jnp.zeros((256,), jnp.float32),
        'q_W2': nrm((256, H * DH)), 'q_b2': jnp.zeros((H * DH,), jnp.float32),
        'k_W': nrm((D, 2 * 256)), 'k_b': jnp.zeros((2 * 256,), jnp.float32),
        'v_W': nrm((D, D)), 'v_b': jnp.zeros((D,), jnp.float32),
        'mlp2_W1': nrm((2 * D, 256)), 'mlp2_b1': jnp.zeros((256,), jnp.float32),
        'mlp2_W2': nrm((256, D)), 'mlp2_b2': jnp.zeros((D,), jnp.float32),
        'mlp3_W1': nrm((2 * D, 256)), 'mlp3_b1': jnp.zeros((256,), jnp.float32),
        'mlp3_W2': nrm((256, D)), 'mlp3_b2': jnp.zeros((D,), jnp.float32),
        'pe2': nrm((2, D)), 'pe3': nrm((MAXL + 1, D)),
        'b_pe': nrm((MAXL + 1, PE)), 'b_W1': nrm((PE, 256)), 'b_b1': jnp.zeros((256,), jnp.float32),
        'b_W2': nrm((256, D)), 'b_b2': jnp.zeros((D,), jnp.float32),
    }
    return {'x': x, 'incidence_indices': incidence_indices, 'edge_orders': edge_orders, 'params': params}

def _forward(x, params, incidence_indices, edge_orders):
    p = params
    x = x + _mlp(_ln(x, p['n1_g'], p['n1_b']), p['mlp1_W1'], p['mlp1_b1'], p['mlp1_W2'], p['mlp1_b2'])
    q_all = _mlp(p['q_pe'], p['q_W1'], p['q_b1'], p['q_W2'], p['q_b2'])
    q0 = q_all[0].reshape(H, DH)
    q1 = q_all[1].reshape(H, DH)
    k = x @ p['k_W'] + p['k_b']
    k0 = k[:, :H * DH].reshape(-1, H, DH)
    k1 = k[:, H * DH:].reshape(-1, H, DH)
    v = (x @ p['v_W'] + p['v_b']).reshape(-1, H, DH)
    logit0 = jnp.einsum('hd,nhd->nh', q0, k0) / math.sqrt(DH)
    alpha0 = jax.nn.softmax(logit0, axis=0)
    att0 = jnp.einsum('nh,nhd->hd', alpha0, v).reshape(1, H * DH)
    att1_v = v.reshape(-1, H * DH)
    node_idx = incidence_indices[0]
    edge_idx = incidence_indices[1]
    alpha_r = (k1 * q1[None, :, :]).sum(-1)
    a = alpha_r[node_idx]
    a = jnp.where(a >= 0, a, 0.2 * a)
    seg_max = jax.ops.segment_max(a, edge_idx, num_segments=E)
    seg_max = jnp.where(jnp.isfinite(seg_max), seg_max, 0.0)
    a = jnp.exp(a - seg_max[edge_idx])
    denom = jax.ops.segment_sum(a, edge_idx, num_segments=E)
    a = a / (denom[edge_idx] + 1e-16)
    msg = v[node_idx] * a[..., None]
    att1_e = jax.ops.segment_sum(msg, edge_idx, num_segments=E).reshape(E, H * DH)
    pe2_s0 = p['pe2'][0][None, :]
    pe2_s1 = p['pe2'][1][None, :]
    def blk2(t, pe):
        return t + _mlp(jnp.concatenate([_ln(t, p['n2_g'], p['n2_b']), jnp.broadcast_to(pe, t.shape)], -1), p['mlp2_W1'], p['mlp2_b1'], p['mlp2_W2'], p['mlp2_b2'])
    att0 = blk2(att0, pe2_s0)
    att1_v = blk2(att1_v, pe2_s1)
    att1_e = blk2(att1_e, pe2_s1)
    x_v = att0 + att1_v
    x_e = att0 + att1_e
    pe3_l1 = p['pe3'][1][None, :]
    pe3_l = p['pe3'][edge_orders]
    def blk3(t, pe):
        return t + _mlp(jnp.concatenate([_ln(t, p['n3_g'], p['n3_b']), jnp.broadcast_to(pe, t.shape)], -1), p['mlp3_W1'], p['mlp3_b1'], p['mlp3_W2'], p['mlp3_b2'])
    x_v = blk3(x_v, pe3_l1)
    x_e = blk3(x_e, pe3_l)
    b_all = _mlp(p['b_pe'], p['b_W1'], p['b_b1'], p['b_W2'], p['b_b2'])
    b_v = b_all[1][None, :]
    b_e = b_all[edge_orders]
    return x_v + b_v, x_e + b_e

def reference(x, incidence_indices, edge_orders, params):
    return _forward(x, params, incidence_indices, edge_orders)

if __name__ == "__main__":
    import jax
    _d = setup_inputs()
    print(jax.jit(kernel)(*tuple(_d.values())))

</pallas_src>

<mosaic_0001>
#map = affine_map<(d0, d1) -> (0, 0)>
module attributes {stable_mosaic.version = 14 : i64} {
  func.func @_sc_body(%arg0: i32, %arg1: i32, %arg2: memref<10000x144xf32, #tpu.memory_space<hbm>>, %arg3: memref<10000x144xf32, #tpu.memory_space<hbm>>, %arg4: memref<2544x64xi32, #tpu.memory_space<hbm>>, %arg5: memref<10016x144xf32, #tpu.memory_space<hbm>>, %arg6: memref<10016x144xf32, #tpu.memory_space<hbm>>, %arg7: memref<10016x144xf32, #tpu.memory_space<vmem_shared>>, %arg8: memref<159x64xi32, #tpu.memory_space<vmem>>, %arg9: memref<3x2x64xi32, #tpu.memory_space<vmem>>, %arg10: memref<64x144xf32, #tpu.memory_space<vmem>>, %arg11: memref<64x144xf32, #tpu.memory_space<vmem>>, %arg12: memref<64x144xf32, #tpu.memory_space<vmem>>, %arg13: memref<!tpu.dma_semaphore, #tpu.memory_space<semaphore_mem>>, %arg14: memref<!tpu.dma_semaphore, #tpu.memory_space<semaphore_mem>>, %arg15: memref<!tpu.dma_semaphore, #tpu.memory_space<semaphore_mem>>, %arg16: memref<!tpu.dma_semaphore, #tpu.memory_space<semaphore_mem>>, %arg17: memref<!tpu.dma_semaphore, #tpu.memory_space<semaphore_mem>>, %arg18: memref<!tpu.dma_semaphore, #tpu.memory_space<semaphore_mem>>) attributes {dimension_semantics = [#tpu.dimension_semantics<core_parallel>, #tpu.dimension_semantics<subcore_parallel>], iteration_bounds = array<i64: 2, 16>, scalar_prefetch = 0 : i64, scratch_operands = 12 : i64, tpu.core_type = #tpu.core_type<sc_vector_subcore>, window_params = [{transform_indices = #map}, {transform_indices = #map}, {transform_indices = #map}, {transform_indices = #map}, {transform_indices = #map}]} {
    %mul3A = arith.constant 626 : i32
    %mul3A_0 = arith.muli %arg1, %mul3A : i32
    %mul3A_1 = arith.constant 159 : i32
    %mul3A_2 = arith.muli %arg1, %mul3A_1 : i32
    "tpu.region"() ({
      %run_scoped3A = tpu.sem_alloc : memref<!tpu.dma_semaphore, #tpu.memory_space<semaphore_mem>>
      %dma_start3A = arith.constant 0 : i32
      %dma_start3A_46 = tpu.memref_slice %arg4[%mul3A_2, %dma_start3A] : memref<2544x64xi32, #tpu.memory_space<hbm>> -> memref<159x64xi32, #tpu.memory_space<hbm>>
      %dma_start3A_47 = arith.constant 0 : i32
      %dma_start3A_48 = tpu.memref_slice %arg4[%mul3A_2, %dma_start3A_47] : memref<2544x64xi32, #tpu.memory_space<hbm>> -> memref<159x64xi32, #tpu.memory_space<hbm>>
      tpu.enqueue_dma source(%dma_start3A_48 : memref<159x64xi32, #tpu.memory_space<hbm>>) target(%arg8 : memref<159x64xi32, #tpu.memory_space<vmem>>) target_semaphore(%run_scoped3A : memref<!tpu.dma_semaphore, #tpu.memory_space<semaphore_mem>>)
      %dma_wait3A = arith.constant 0 : i32
      %dma_wait3A_49 = tpu.memref_slice %arg4[%mul3A_2, %dma_wait3A] : memref<2544x64xi32, #tpu.memory_space<hbm>> -> memref<159x64xi32, #tpu.memory_space<hbm>>
      %dma_wait3A_50 = arith.constant 0 : i32
      %dma_wait3A_51 = tpu.memref_slice %arg4[%mul3A_2, %dma_wait3A_50] : memref<2544x64xi32, #tpu.memory_space<hbm>> -> memref<159x64xi32, #tpu.memory_space<hbm>>
      tpu.wait_dma2 semaphore(%run_scoped3A : memref<!tpu.dma_semaphore, #tpu.memory_space<semaphore_mem>>) src(%dma_wait3A_51 : memref<159x64xi32, #tpu.memory_space<hbm>>) dst(%arg8 : memref<159x64xi32, #tpu.memory_space<vmem>>)
      tpu.yield
    }) : () -> ()
    %broadcast_in_dim3A = arith.constant 0.000000e+00 : f32
    %broadcast_in_dim3A_3 = vector.broadcast %broadcast_in_dim3A : f32 to vector<16xf32>
    %scan3A = arith.constant 0 : i32
    %scan3A_4 = arith.constant 0 : i32
    %scan3A_5 = arith.constant 64 : i32
    %scan3A_6 = arith.addi %scan3A_4, %scan3A_5 : i32
    %scan3A_7 = arith.constant 1 : i32
    scf.for %scan3A_46 = %scan3A_4 to %scan3A_6 step %scan3A_7  : i32 {
      %swap3A = arith.index_cast %scan3A_46 : i32 to index
      %swap3A_47 = arith.constant 0 : index
      %swap3A_48 = tpu.vector_load %arg10[%swap3A, %swap3A_47] {strides = array<i32>} : memref<64x144xf32, #tpu.memory_space<vmem>>, vector<1x16xf32>,
      %swap3A_49 = vector.shape_cast %swap3A_48 : vector<1x16xf32> to vector<16xf32>
      %swap3A_50 = vector.shape_cast %broadcast_in_dim3A_3 : vector<16xf32> to vector<1x16xf32>
      tpu.vector_store %arg10[%swap3A, %swap3A_47], %swap3A_50 {strides = array<i32>} : memref<64x144xf32, #tpu.memory_space<vmem>>, vector<1x16xf32>,
      %swap3A_51 = arith.index_cast %scan3A_46 : i32 to index
      %swap3A_52 = arith.constant 16 : index
      %swap3A_53 = tpu.vector_load %arg10[%swap3A_51, %swap3A_52] {strides = array<i32>} : memref<64x144xf32, #tpu.memory_space<vmem>>, vector<1x16xf32>,
      %swap3A_54 = vector.shape_cast %swap3A_53 : vector<1x16xf32> to vector<16xf32>
      %swap3A_55 = vector.shape_cast %broadcast_in_dim3A_3 : vector<16xf32> to vector<1x16xf32>
      tpu.vector_store %arg10[%swap3A_51, %swap3A_52], %swap3A_55 {strides = array<i32>} : memref<64x144xf32, #tpu.memory_space<vmem>>, vector<1x16xf32>,
      %swap3A_56 = arith.index_cast %scan3A_46 : i32 to index
      %swap3A_57 = arith.constant 32 : index
      %swap3A_58 = tpu.vector_load %arg10[%swap3A_56, %swap3A_57] {strides = array<i32>} : memref<64x144xf32, #tpu.memory_space<vmem>>, vector<1x16xf32>,
      %swap3A_59 = vector.shape_cast %swap3A_58 : vector<1x16xf32> to vector<16xf32>
      %swap3A_60 = vector.shape_cast %broadcast_in_dim3A_3 : vector<16xf32> to vector<1x16xf32>
      tpu.vector_store %arg10[%swap3A_56, %swap3A_57], %swap3A_60 {strides = array<i32>} : memref<64x144xf32, #tpu.memory_space<vmem>>, vector<1x16xf32>,
      %swap3A_61 = arith.index_cast %scan3A_46 : i32 to index
      %swap3A_62 = arith.constant 48 : index
      %swap3A_63 = tpu.vector_load %arg10[%swap3A_61, %swap3A_62] {strides = array<i32>} : memref<64x144xf32, #tpu.memory_space<vmem>>, vector<1x16xf32>,
      %swap3A_64 = vector.shape_cast %swap3A_63 : vector<1x16xf32> to vector<16xf32>
      %swap3A_65 = vector.shape_cast %broadcast_in_dim3A_3 : vector<16xf32> to vector<1x16xf32>
      tpu.vector_store %arg10[%swap3A_61, %swap3A_62], %swap3A_65 {strides = array<i32>} : memref<64x144xf32, #tpu.memory_space<vmem>>, vector<1x16xf32>,
      %swap3A_66 = arith.index_cast %scan3A_46 : i32 to index
      %swap3A_67 = arith.constant 64 : index
      %swap3A_68 = tpu.vector_load %arg10[%swap3A_66, %swap3A_67] {strides = array<i32>} : memref<64x144xf32, #tpu.memory_space<vmem>>, vector<1x16xf32>,
      %swap3A_69 = vector.shape_cast %swap3A_68 : vector<1x16xf32> to vector<16xf32>
      %swap3A_70 = vector.shape_cast %broadcast_in_dim3A_3 : vector<16xf32> to vector<1x16xf32>
      tpu.vector_store %arg10[%swap3A_66, %swap3A_67], %swap3A_70 {strides = array<i32>} : memref<64x144xf32, #tpu.memory_space<vmem>>, vector<1x16xf32>,
      %swap3A_71 = arith.index_cast %scan3A_46 : i32 to index
      %swap3A_72 = arith.constant 80 : index
      %swap3A_73 = tpu.vector_load %arg10[%swap3A_71, %swap3A_72] {strides = array<i32>} : memref<64x144xf32, #tpu.memory_space<vmem>>, vector<1x16xf32>,
      %swap3A_74 = vector.shape_cast %swap3A_73 : vector<1x16xf32> to vector<16xf32>
      %swap3A_75 = vector.shape_cast %broadcast_in_dim3A_3 : vector<16xf32> to vector<1x16xf32>
      tpu.vector_store %arg10[%swap3A_71, %swap3A_72], %swap3A_75 {strides = array<i32>} : memref<64x144xf32, #tpu.memory_space<vmem>>, vector<1x16xf32>,
      %swap3A_76 = arith.index_cast %scan3A_46 : i32 to index
      %swap3A_77 = arith.constant 96 : index
      %swap3A_78 = tpu.vector_load %arg10[%swap3A_76, %swap3A_77] {strides = array<i32>} : memref<64x144xf32, #tpu.memory_space<vmem>>, vector<1x16xf32>,
      %swap3A_79 = vector.shape_cast %swap3A_78 : vector<1x16xf32> to vector<16xf32>
      %swap3A_80 = vector.shape_cast %broadcast_in_dim3A_3 : vector<16xf32> to vector<1x16xf32>
      tpu.vector_store %arg10[%swap3A_76, %swap3A_77], %swap3A_80 {strides = array<i32>} : memref<64x144xf32, #tpu.memory_space<vmem>>, vector<1x16xf32>,
      %swap3A_81 = arith.index_cast %scan3A_46 : i32 to index
      %swap3A_82 = arith.constant 112 : index
      %swap3A_83 = tpu.vector_load %arg10[%swap3A_81, %swap3A_82] {strides = array<i32>} : memref<64x144xf32, #tpu.memory_space<vmem>>, vector<1x16xf32>,
      %swap3A_84 = vector.shape_cast %swap3A_83 : vector<1x16xf32> to vector<16xf32>
      %swap3A_85 = vector.shape_cast %broadcast_in_dim3A_3 : vector<16xf32> to vector<1x16xf32>
      tpu.vector_store %arg10[%swap3A_81, %swap3A_82], %swap3A_85 {strides = array<i32>} : memref<64x144xf32, #tpu.memory_space<vmem>>, vector<1x16xf32>,
      %swap3A_86 = arith.index_cast %scan3A_46 : i32 to index
      %swap3A_87 = arith.constant 128 : index
      %swap3A_88 = tpu.vector_load %arg10[%swap3A_86, %swap3A_87] {strides = array<i32>} : memref<64x144xf32, #tpu.memory_space<vmem>>, vector<1x16xf32>,
      %swap3A_89 = vector.shape_cast %swap3A_88 : vector<1x16xf32> to vector<16xf32>
      %swap3A_90 = vector.shape_cast %broadcast_in_dim3A_3 : vector<16xf32> to vector<1x16xf32>
      tpu.vector_store %arg10[%swap3A_86, %swap3A_87], %swap3A_90 {strides = array<i32>} : memref<64x144xf32, #tpu.memory_space<vmem>>, vector<1x16xf32>,
    }
    %scan3A_8 = arith.constant 64 : i32
    %add3A = arith.constant 0 : i32
    %add3A_9 = arith.addi %mul3A_0, %add3A : i32
    "tpu.region"() ({
      %run_scoped3A = tpu.sem_alloc : memref<!tpu.dma_semaphore, #tpu.memory_space<semaphore_mem>>
      %dma_start3A = arith.constant 0 : i32
      %dma_start3A_46 = tpu.memref_slice %arg7[%add3A_9, %dma_start3A] : memref<10016x144xf32, #tpu.memory_space<vmem_shared>> -> memref<64x144xf32, #tpu.memory_space<vmem_shared>>
      %dma_start3A_47 = arith.constant 0 : i32
      %dma_start3A_48 = tpu.memref_slice %arg7[%add3A_9, %dma_start3A_47] : memref<10016x144xf32, #tpu.memory_space<vmem_shared>> -> memref<64x144xf32, #tpu.memory_space<vmem_shared>>
      tpu.enqueue_dma source(%arg10 : memref<64x144xf32, #tpu.memory_space<vmem>>) target(%dma_start3A_48 : memref<64x144xf32, #tpu.memory_space<vmem_shared>>) target_semaphore(%run_scoped3A : memref<!tpu.dma_semaphore, #tpu.memory_space<semaphore_mem>>)
      %dma_wait3A = arith.constant 0 : i32
      %dma_wait3A_49 = tpu.memref_slice %arg7[%add3A_9, %dma_wait3A] : memref<10016x144xf32, #tpu.memory_space<vmem_shared>> -> memref<64x144xf32, #tpu.memory_space<vmem_shared>>
      %dma_wait3A_50 = arith.constant 0 : i32
      %dma_wait3A_51 = tpu.memref_slice %arg7[%add3A_9, %dma_wait3A_50] : memref<10016x144xf32, #tpu.memory_space<vmem_shared>> -> memref<64x144xf32, #tpu.memory_space<vmem_shared>>
      tpu.wait_dma2 semaphore(%run_scoped3A : memref<!tpu.dma_semaphore, #tpu.memory_space<semaphore_mem>>) src(%arg10 : memref<64x144xf32, #tpu.memory_space<vmem>>) dst(%dma_wait3A_51 : memref<64x144xf32, #tpu.memory_space<vmem_shared>>)
      tpu.yield
    }) : () -> ()
    %add3A_10 = arith.constant 64 : i32
    %add3A_11 = arith.addi %mul3A_0, %add3A_10 : i32
    "tpu.region"() ({
      %run_scoped3A = tpu.sem_alloc : memref<!tpu.dma_semaphore, #tpu.memory_space<semaphore_mem>>
      %dma_start3A = arith.constant 0 : i32
      %dma_start3A_46 = tpu.memref_slice %arg7[%add3A_11, %dma_start3A] : memref<10016x144xf32, #tpu.memory_space<vmem_shared>> -> memref<64x144xf32, #tpu.memory_space<vmem_shared>>
      %dma_start3A_47 = arith.constant 0 : i32
      %dma_start3A_48 = tpu.memref_slice %arg7[%add3A_11, %dma_start3A_47] : memref<10016x144xf32, #tpu.memory_space<vmem_shared>> -> memref<64x144xf32, #tpu.memory_space<vmem_shared>>
      tpu.enqueue_dma source(%arg10 : memref<64x144xf32, #tpu.memory_space<vmem>>) target(%dma_start3A_48 : memref<64x144xf32, #tpu.memory_space<vmem_shared>>) target_semaphore(%run_scoped3A : memref<!tpu.dma_semaphore, #tpu.memory_space<semaphore_mem>>)
      %dma_wait3A = arith.constant 0 : i32
      %dma_wait3A_49 = tpu.memref_slice %arg7[%add3A_11, %dma_wait3A] : memref<10016x144xf32, #tpu.memory_space<vmem_shared>> -> memref<64x144xf32, #tpu.memory_space<vmem_shared>>
      %dma_wait3A_50 = arith.constant 0 : i32
      %dma_wait3A_51 = tpu.memref_slice %arg7[%add3A_11, %dma_wait3A_50] : memref<10016x144xf32, #tpu.memory_space<vmem_shared>> -> memref<64x144xf32, #tpu.memory_space<vmem_shared>>
      tpu.wait_dma2 semaphore(%run_scoped3A : memref<!tpu.dma_semaphore, #tpu.memory_space<semaphore_mem>>) src(%arg10 : memref<64x144xf32, #tpu.memory_space<vmem>>) dst(%dma_wait3A_51 : memref<64x144xf32, #tpu.memory_space<vmem_shared>>)
      tpu.yield
    }) : () -> ()
    %add3A_12 = arith.constant 128 : i32
    %add3A_13 = arith.addi %mul3A_0, %add3A_12 : i32
    "tpu.region"() ({
      %run_scoped3A = tpu.sem_alloc : memref<!tpu.dma_semaphore, #tpu.memory_space<semaphore_mem>>
      %dma_start3A = arith.constant 0 : i32
      %dma_start3A_46 = tpu.memref_slice %arg7[%add3A_13, %dma_start3A] : memref<10016x144xf32, #tpu.memory_space<vmem_shared>> -> memref<64x144xf32, #tpu.memory_space<vmem_shared>>
      %dma_start3A_47 = arith.constant 0 : i32
      %dma_start3A_48 = tpu.memref_slice %arg7[%add3A_13, %dma_start3A_47] : memref<10016x144xf32, #tpu.memory_space<vmem_shared>> -> memref<64x144xf32, #tpu.memory_space<vmem_shared>>
      tpu.enqueue_dma source(%arg10 : memref<64x144xf32, #tpu.memory_space<vmem>>) target(%dma_start3A_48 : memref<64x144xf32, #tpu.memory_space<vmem_shared>>) target_semaphore(%run_scoped3A : memref<!tpu.dma_semaphore, #tpu.memory_space<semaphore_mem>>)
      %dma_wait3A = arith.constant 0 : i32
      %dma_wait3A_49 = tpu.memref_slice %arg7[%add3A_13, %dma_wait3A] : memref<10016x144xf32, #tpu.memory_space<vmem_shared>> -> memref<64x144xf32, #tpu.memory_space<vmem_shared>>
      %dma_wait3A_50 = arith.constant 0 : i32
      %dma_wait3A_51 = tpu.memref_slice %arg7[%add3A_13, %dma_wait3A_50] : memref<10016x144xf32, #tpu.memory_space<vmem_shared>> -> memref<64x144xf32, #tpu.memory_space<vmem_shared>>
      tpu.wait_dma2 semaphore(%run_scoped3A : memref<!tpu.dma_semaphore, #tpu.memory_space<semaphore_mem>>) src(%arg10 : memref<64x144xf32, #tpu.memory_space<vmem>>) dst(%dma_wait3A_51 : memref<64x144xf32, #tpu.memory_space<vmem_shared>>)
      tpu.yield
    }) : () -> ()
    %add3A_14 = arith.constant 192 : i32
    %add3A_15 = arith.addi %mul3A_0, %add3A_14 : i32
    "tpu.region"() ({
      %run_scoped3A = tpu.sem_alloc : memref<!tpu.dma_semaphore, #tpu.memory_space<semaphore_mem>>
      %dma_start3A = arith.constant 0 : i32
      %dma_start3A_46 = tpu.memref_slice %arg7[%add3A_15, %dma_start3A] : memref<10016x144xf32, #tpu.memory_space<vmem_shared>> -> memref<64x144xf32, #tpu.memory_space<vmem_shared>>
      %dma_start3A_47 = arith.constant 0 : i32
      %dma_start3A_48 = tpu.memref_slice %arg7[%add3A_15, %dma_start3A_47] : memref<10016x144xf32, #tpu.memory_space<vmem_shared>> -> memref<64x144xf32, #tpu.memory_space<vmem_shared>>
      tpu.enqueue_dma source(%arg10 : memref<64x144xf32, #tpu.memory_space<vmem>>) target(%dma_start3A_48 : memref<64x144xf32, #tpu.memory_space<vmem_shared>>) target_semaphore(%run_scoped3A : memref<!tpu.dma_semaphore, #tpu.memory_space<semaphore_mem>>)
      %dma_wait3A = arith.constant 0 : i32
      %dma_wait3A_49 = tpu.memref_slice %arg7[%add3A_15, %dma_wait3A] : memref<10016x144xf32, #tpu.memory_space<vmem_shared>> -> memref<64x144xf32, #tpu.memory_space<vmem_shared>>
      %dma_wait3A_50 = arith.constant 0 : i32
      %dma_wait3A_51 = tpu.memref_slice %arg7[%add3A_15, %dma_wait3A_50] : memref<10016x144xf32, #tpu.memory_space<vmem_shared>> -> memref<64x144xf32, #tpu.memory_space<vmem_shared>>
      tpu.wait_dma2 semaphore(%run_scoped3A : memref<!tpu.dma_semaphore, #tpu.memory_space<semaphore_mem>>) src(%arg10 : memref<64x144xf32, #tpu.memory_space<vmem>>) dst(%dma_wait3A_51 : memref<64x144xf32, #tpu.memory_space<vmem_shared>>)
      tpu.yield
    }) : () -> ()
    %add3A_16 = arith.constant 256 : i32
    %add3A_17 = arith.addi %mul3A_0, %add3A_16 : i32
    "tpu.region"() ({
      %run_scoped3A = tpu.sem_alloc : memref<!tpu.dma_semaphore, #tpu.memory_space<semaphore_mem>>
      %dma_start3A = arith.constant 0 : i32
      %dma_start3A_46 = tpu.memref_slice %arg7[%add3A_17, %dma_start3A] : memref<10016x144xf32, #tpu.memory_space<vmem_shared>> -> memref<64x144xf32, #tpu.memory_space<vmem_shared>>
      %dma_start3A_47 = arith.constant 0 : i32
      %dma_start3A_48 = tpu.memref_slice %arg7[%add3A_17, %dma_start3A_47] : memref<10016x144xf32, #tpu.memory_space<vmem_shared>> -> memref<64x144xf32, #tpu.memory_space<vmem_shared>>
      tpu.enqueue_dma source(%arg10 : memref<64x144xf32, #tpu.memory_space<vmem>>) target(%dma_start3A_48 : memref<64x144xf32, #tpu.memory_space<vmem_shared>>) target_semaphore(%run_scoped3A : memref<!tpu.dma_semaphore, #tpu.memory_space<semaphore_mem>>)
      %dma_wait3A = arith.constant 0 : i32
      %dma_wait3A_49 = tpu.memref_slice %arg7[%add3A_17, %dma_wait3A] : memref<10016x144xf32, #tpu.memory_space<vmem_shared>> -> memref<64x144xf32, #tpu.memory_space<vmem_shared>>
      %dma_wait3A_50 = arith.constant 0 : i32
      %dma_wait3A_51 = tpu.memref_slice %arg7[%add3A_17, %dma_wait3A_50] : memref<10016x144xf32, #tpu.memory_space<vmem_shared>> -> memref<64x144xf32, #tpu.memory_space<vmem_shared>>
      tpu.wait_dma2 semaphore(%run_scoped3A : memref<!tpu.dma_semaphore, #tpu.memory_space<semaphore_mem>>) src(%arg10 : memref<64x144xf32, #tpu.memory_space<vmem>>) dst(%dma_wait3A_51 : memref<64x144xf32, #tpu.memory_space<vmem_shared>>)
      tpu.yield
    }) : () -> ()
    %add3A_18 = arith.constant 320 : i32
    %add3A_19 = arith.addi %mul3A_0, %add3A_18 : i32
    "tpu.region"() ({
      %run_scoped3A = tpu.sem_alloc : memref<!tpu.dma_semaphore, #tpu.memory_space<semaphore_mem>>
      %dma_start3A = arith.constant 0 : i32
      %dma_start3A_46 = tpu.memref_slice %arg7[%add3A_19, %dma_start3A] : memref<10016x144xf32, #tpu.memory_space<vmem_shared>> -> memref<64x144xf32, #tpu.memory_space<vmem_shared>>
      %dma_start3A_47 = arith.constant 0 : i32
      %dma_start3A_48 = tpu.memref_slice %arg7[%add3A_19, %dma_start3A_47] : memref<10016x144xf32, #tpu.memory_space<vmem_shared>> -> memref<64x144xf32, #tpu.memory_space<vmem_shared>>
      tpu.enqueue_dma source(%arg10 : memref<64x144xf32, #tpu.memory_space<vmem>>) target(%dma_start3A_48 : memref<64x144xf32, #tpu.memory_space<vmem_shared>>) target_semaphore(%run_scoped3A : memref<!tpu.dma_semaphore, #tpu.memory_space<semaphore_mem>>)
      %dma_wait3A = arith.constant 0 : i32
      %dma_wait3A_49 = tpu.memref_slice %arg7[%add3A_19, %dma_wait3A] : memref<10016x144xf32, #tpu.memory_space<vmem_shared>> -> memref<64x144xf32, #tpu.memory_space<vmem_shared>>
      %dma_wait3A_50 = arith.constant 0 : i32
      %dma_wait3A_51 = tpu.memref_slice %arg7[%add3A_19, %dma_wait3A_50] : memref<10016x144xf32, #tpu.memory_space<vmem_shared>> -> memref<64x144xf32, #tpu.memory_space<vmem_shared>>
      tpu.wait_dma2 semaphore(%run_scoped3A : memref<!tpu.dma_semaphore, #tpu.memory_space<semaphore_mem>>) src(%arg10 : memref<64x144xf32, #tpu.memory_space<vmem>>) dst(%dma_wait3A_51 : memref<64x144xf32, #tpu.memory_space<vmem_shared>>)
      tpu.yield
    }) : () -> ()
    %add3A_20 = arith.constant 384 : i32
    %add3A_21 = arith.addi %mul3A_0, %add3A_20 : i32
    "tpu.region"() ({
      %run_scoped3A = tpu.sem_alloc : memref<!tpu.dma_semaphore, #tpu.memory_space<semaphore_mem>>
      %dma_start3A = arith.constant 0 : i32
      %dma_start3A_46 = tpu.memref_slice %arg7[%add3A_21, %dma_start3A] : memref<10016x144xf32, #tpu.memory_space<vmem_shared>> -> memref<64x144xf32, #tpu.memory_space<vmem_shared>>
      %dma_start3A_47 = arith.constant 0 : i32
      %dma_start3A_48 = tpu.memref_slice %arg7[%add3A_21, %dma_start3A_47] : memref<10016x144xf32, #tpu.memory_space<vmem_shared>> -> memref<64x144xf32, #tpu.memory_space<vmem_shared>>
      tpu.enqueue_dma source(%arg10 : memref<64x144xf32, #tpu.memory_space<vmem>>) target(%dma_start3A_48 : memref<64x144xf32, #tpu.memory_space<vmem_shared>>) target_semaphore(%run_scoped3A : memref<!tpu.dma_semaphore, #tpu.memory_space<semaphore_mem>>)
      %dma_wait3A = arith.constant 0 : i32
      %dma_wait3A_49 = tpu.memref_slice %arg7[%add3A_21, %dma_wait3A] : memref<10016x144xf32, #tpu.memory_space<vmem_shared>> -> memref<64x144xf32, #tpu.memory_space<vmem_shared>>
      %dma_wait3A_50 = arith.constant 0 : i32
      %dma_wait3A_51 = tpu.memref_slice %arg7[%add3A_21, %dma_wait3A_50] : memref<10016x144xf32, #tpu.memory_space<vmem_shared>> -> memref<64x144xf32, #tpu.memory_space<vmem_shared>>
      tpu.wait_dma2 semaphore(%run_scoped3A : memref<!tpu.dma_semaphore, #tpu.memory_space<semaphore_mem>>) src(%arg10 : memref<64x144xf32, #tpu.memory_space<vmem>>) dst(%dma_wait3A_51 : memref<64x144xf32, #tpu.memory_space<vmem_shared>>)
      tpu.yield
    }) : () -> ()
    %add3A_22 = arith.constant 448 : i32
    %add3A_23 = arith.addi %mul3A_0, %add3A_22 : i32
    "tpu.region"() ({
      %run_scoped3A = tpu.sem_alloc : memref<!tpu.dma_semaphore, #tpu.memory_space<semaphore_mem>>
      %dma_start3A = arith.constant 0 : i32
      %dma_start3A_46 = tpu.memref_slice %arg7[%add3A_23, %dma_start3A] : memref<10016x144xf32, #tpu.memory_space<vmem_shared>> -> memref<64x144xf32, #tpu.memory_space<vmem_shared>>
      %dma_start3A_47 = arith.constant 0 : i32
      %dma_start3A_48 = tpu.memref_slice %arg7[%add3A_23, %dma_start3A_47] : memref<10016x144xf32, #tpu.memory_space<vmem_shared>> -> memref<64x144xf32, #tpu.memory_space<vmem_shared>>
      tpu.enqueue_dma source(%arg10 : memref<64x144xf32, #tpu.memory_space<vmem>>) target(%dma_start3A_48 : memref<64x144xf32, #tpu.memory_space<vmem_shared>>) target_semaphore(%run_scoped3A : memref<!tpu.dma_semaphore, #tpu.memory_space<semaphore_mem>>)
      %dma_wait3A = arith.constant 0 : i32
      %dma_wait3A_49 = tpu.memref_slice %arg7[%add3A_23, %dma_wait3A] : memref<10016x144xf32, #tpu.memory_space<vmem_shared>> -> memref<64x144xf32, #tpu.memory_space<vmem_shared>>
      %dma_wait3A_50 = arith.constant 0 : i32
      %dma_wait3A_51 = tpu.memref_slice %arg7[%add3A_23, %dma_wait3A_50] : memref<10016x144xf32, #tpu.memory_space<vmem_shared>> -> memref<64x144xf32, #tpu.memory_space<vmem_shared>>
      tpu.wait_dma2 semaphore(%run_scoped3A : memref<!tpu.dma_semaphore, #tpu.memory_space<semaphore_mem>>) src(%arg10 : memref<64x144xf32, #tpu.memory_space<vmem>>) dst(%dma_wait3A_51 : memref<64x144xf32, #tpu.memory_space<vmem_shared>>)
      tpu.yield
    }) : () -> ()
    %add3A_24 = arith.constant 512 : i32
    %add3A_25 = arith.addi %mul3A_0, %add3A_24 : i32
    "tpu.region"() ({
      %run_scoped3A = tpu.sem_alloc : memref<!tpu.dma_semaphore, #tpu.memory_space<semaphore_mem>>
      %dma_start3A = arith.constant 0 : i32
      %dma_start3A_46 = tpu.memref_slice %arg7[%add3A_25, %dma_start3A] : memref<10016x144xf32, #tpu.memory_space<vmem_shared>> -> memref<64x144xf32, #tpu.memory_space<vmem_shared>>
      %dma_start3A_47 = arith.constant 0 : i32
      %dma_start3A_48 = tpu.memref_slice %arg7[%add3A_25, %dma_start3A_47] : memref<10016x144xf32, #tpu.memory_space<vmem_shared>> -> memref<64x144xf32, #tpu.memory_space<vmem_shared>>
      tpu.enqueue_dma source(%arg10 : memref<64x144xf32, #tpu.memory_space<vmem>>) target(%dma_start3A_48 : memref<64x144xf32, #tpu.memory_space<vmem_shared>>) target_semaphore(%run_scoped3A : memref<!tpu.dma_semaphore, #tpu.memory_space<semaphore_mem>>)
      %dma_wait3A = arith.constant 0 : i32
      %dma_wait3A_49 = tpu.memref_slice %arg7[%add3A_25, %dma_wait3A] : memref<10016x144xf32, #tpu.memory_space<vmem_shared>> -> memref<64x144xf32, #tpu.memory_space<vmem_shared>>
      %dma_wait3A_50 = arith.constant 0 : i32
      %dma_wait3A_51 = tpu.memref_slice %arg7[%add3A_25, %dma_wait3A_50] : memref<10016x144xf32, #tpu.memory_space<vmem_shared>> -> memref<64x144xf32, #tpu.memory_space<vmem_shared>>
      tpu.wait_dma2 semaphore(%run_scoped3A : memref<!tpu.dma_semaphore, #tpu.memory_space<semaphore_mem>>) src(%arg10 : memref<64x144xf32, #tpu.memory_space<vmem>>) dst(%dma_wait3A_51 : memref<64x144xf32, #tpu.memory_space<vmem_shared>>)
      tpu.yield
    }) : () -> ()
    %add3A_26 = arith.constant 576 : i32
    %add3A_27 = arith.addi %mul3A_0, %add3A_26 : i32
    "tpu.region"() ({
      %run_scoped3A = tpu.sem_alloc : memref<!tpu.dma_semaphore, #tpu.memory_space<semaphore_mem>>
      %dma_start3A = arith.constant 0 : i32
      %dma_start3A_46 = arith.constant 0 : i32
      %dma_start3A_47 = tpu.memref_slice %arg10[%dma_start3A, %dma_start3A_46] : memref<64x144xf32, #tpu.memory_space<vmem>> -> memref<50x144xf32, #tpu.memory_space<vmem>>
      %dma_start3A_48 = arith.constant 0 : i32
      %dma_start3A_49 = tpu.memref_slice %arg7[%add3A_27, %dma_start3A_48] : memref<10016x144xf32, #tpu.memory_space<vmem_shared>> -> memref<50x144xf32, #tpu.memory_space<vmem_shared>>
      %dma_start3A_50 = arith.constant 0 : i32
      %dma_start3A_51 = tpu.memref_slice %arg7[%add3A_27, %dma_start3A_50] : memref<10016x144xf32, #tpu.memory_space<vmem_shared>> -> memref<50x144xf32, #tpu.memory_space<vmem_shared>>
      %dma_start3A_52 = arith.constant 0 : i32
      %dma_start3A_53 = arith.constant 0 : i32
      %dma_start3A_54 = tpu.memref_slice %arg10[%dma_start3A_52, %dma_start3A_53] : memref<64x144xf32, #tpu.memory_space<vmem>> -> memref<50x144xf32, #tpu.memory_space<vmem>>
      tpu.enqueue_dma source(%dma_start3A_54 : memref<50x144xf32, #tpu.memory_space<vmem>>) target(%dma_start3A_51 : memref<50x144xf32, #tpu.memory_space<vmem_shared>>) target_semaphore(%run_scoped3A : memref<!tpu.dma_semaphore, #tpu.memory_space<semaphore_mem>>)
      %dma_wait3A = arith.constant 0 : i32
      %dma_wait3A_55 = arith.constant 0 : i32
      %dma_wait3A_56 = tpu.memref_slice %arg10[%dma_wait3A, %dma_wait3A_55] : memref<64x144xf32, #tpu.memory_space<vmem>> -> memref<50x144xf32, #tpu.memory_space<vmem>>
      %dma_wait3A_57 = arith.constant 0 : i32
      %dma_wait3A_58 = tpu.memref_slice %arg7[%add3A_27, %dma_wait3A_57] : memref<10016x144xf32, #tpu.memory_space<vmem_shared>> -> memref<50x144xf32, #tpu.memory_space<vmem_shared>>
      %dma_wait3A_59 = arith.constant 0 : i32
      %dma_wait3A_60 = tpu.memref_slice %arg7[%add3A_27, %dma_wait3A_59] : memref<10016x144xf32, #tpu.memory_space<vmem_shared>> -> memref<50x144xf32, #tpu.memory_space<vmem_shared>>
      %dma_wait3A_61 = arith.constant 0 : i32
      %dma_wait3A_62 = arith.constant 0 : i32
      %dma_wait3A_63 = tpu.memref_slice %arg10[%dma_wait3A_61, %dma_wait3A_62] : memref<64x144xf32, #tpu.memory_space<vmem>> -> memref<50x144xf32, #tpu.memory_space<vmem>>
      tpu.wait_dma2 semaphore(%run_scoped3A : memref<!tpu.dma_semaphore, #tpu.memory_space<semaphore_mem>>) src(%dma_wait3A_63 : memref<50x144xf32, #tpu.memory_space<vmem>>) dst(%dma_wait3A_60 : memref<50x144xf32, #tpu.memory_space<vmem_shared>>)
      tpu.yield
    }) : () -> ()
    %barrier3A = arith.constant 0 : index
    tpu.barrier barrier_id(%barrier3A)
    %eq3A = arith.constant 0 : i32
    %eq3A_28 = arith.cmpi eq, %arg0, %eq3A : i32
    %convert_element_type3A = arith.extui %eq3A_28 : i1 to i32
    %cond3A = arith.constant 0 : i32
    %cond3A_29 = arith.cmpi ne, %convert_element_type3A, %cond3A : i32
    scf.if %cond3A_29 {
      %get3A = arith.constant 0 : i32
      %get3A_46 = arith.index_cast %get3A : i32 to index
      %get3A_47 = arith.constant 0 : index
      %get3A_48 = tpu.vector_load %arg8[%get3A_46, %get3A_47] {strides = array<i32>} : memref<159x64xi32, #tpu.memory_space<vmem>>, vector<1x16xi32>,
      %get3A_49 = vector.shape_cast %get3A_48 : vector<1x16xi32> to vector<16xi32>
      %shift_right_logical3A = arith.constant 16 : i32
      %shift_right_logical3A_50 = vector.broadcast %shift_right_logical3A : i32 to vector<16xi32>
      %shift_right_logical3A_51 = arith.shrui %get3A_49, %shift_right_logical3A_50 : vector<16xi32>
      %swap3A = arith.constant 0 : i32
      %swap3A_52 = arith.constant 0 : i32
      %swap3A_53 = arith.index_cast %swap3A : i32 to index
      %swap3A_54 = arith.index_cast %swap3A_52 : i32 to index
      %swap3A_55 = arith.constant 0 : index
      %swap3A_56 = tpu.vector_load %arg9[%swap3A_53, %swap3A_54, %swap3A_55] {strides = array<i32>} : memref<3x2x64xi32, #tpu.memory_space<vmem>>, vector<1x1x16xi32>,
      %swap3A_57 = vector.shape_cast %swap3A_56 : vector<1x1x16xi32> to vector<16xi32>
      %swap3A_58 = vector.shape_cast %shift_right_logical3A_51 : vector<16xi32> to vector<1x1x16xi32>
      tpu.vector_store %arg9[%swap3A_53, %swap3A_54, %swap3A_55], %swap3A_58 {strides = array<i32>} : memref<3x2x64xi32, #tpu.memory_space<vmem>>, vector<1x1x16xi32>,
      %and3A = arith.constant 65535 : i32
      %and3A_59 = vector.broadcast %and3A : i32 to vector<16xi32>
      %and3A_60 = arith.andi %get3A_49, %and3A_59 : vector<16xi32>
      %swap3A_61 = arith.constant 0 : i32
      %swap3A_62 = arith.constant 1 : i32
      %swap3A_63 = arith.index_cast %swap3A_61 : i32 to index
      %swap3A_64 = arith.index_cast %swap3A_62 : i32 to index
      %swap3A_65 = arith.constant 0 : index
      %swap3A_66 = tpu.vector_load %arg9[%swap3A_63, %swap3A_64, %swap3A_65] {strides = array<i32>} : memref<3x2x64xi32, #tpu.memory_space<vmem>>, vector<1x1x16xi32>,
      %swap3A_67 = vector.shape_cast %swap3A_66 : vector<1x1x16xi32> to vector<16xi32>
      %swap3A_68 = vector.shape_cast %and3A_60 : vector<16xi32> to vector<1x1x16xi32>
      tpu.vector_store %arg9[%swap3A_63, %swap3A_64, %swap3A_65], %swap3A_68 {strides = array<i32>} : memref<3x2x64xi32, #tpu.memory_space<vmem>>, vector<1x1x16xi32>,
      %get3A_69 = arith.constant 0 : i32
      %get3A_70 = arith.index_cast %get3A_69 : i32 to index
      %get3A_71 = arith.constant 16 : index
      %get3A_72 = tpu.vector_load %arg8[%get3A_70, %get3A_71] {strides = array<i32>} : memref<159x64xi32, #tpu.memory_space<vmem>>, vector<1x16xi32>,
      %get3A_73 = vector.shape_cast %get3A_72 : vector<1x16xi32> to vector<16xi32>
      %shift_right_logical3A_74 = arith.constant 16 : i32
      %shift_right_logical3A_75 = vector.broadcast %shift_right_logical3A_74 : i32 to vector<16xi32>
      %shift_right_logical3A_76 = arith.shrui %get3A_73, %shift_right_logical3A_75 : vector<16xi32>
      %swap3A_77 = arith.constant 0 : i32
      %swap3A_78 = arith.constant 0 : i32
      %swap3A_79 = arith.index_cast %swap3A_77 : i32 to index
      %swap3A_80 = arith.index_cast %swap3A_78 : i32 to index
      %swap3A_81 = arith.constant 16 : index
      %swap3A_82 = tpu.vector_load %arg9[%swap3A_79, %swap3A_80, %swap3A_81] {strides = array<i32>} : memref<3x2x64xi32, #tpu.memory_space<vmem>>, vector<1x1x16xi32>,
      %swap3A_83 = vector.shape_cast %swap3A_82 : vector<1x1x16xi32> to vector<16xi32>
      %swap3A_84 = vector.shape_cast %shift_right_logical3A_76 : vector<16xi32> to vector<1x1x16xi32>
      tpu.vector_store %arg9[%swap3A_79, %swap3A_80, %swap3A_81], %swap3A_84 {strides = array<i32>} : memref<3x2x64xi32, #tpu.memory_space<vmem>>, vector<1x1x16xi32>,
      %and3A_85 = arith.constant 65535 : i32
      %and3A_86 = vector.broadcast %and3A_85 : i32 to vector<16xi32>
      %and3A_87 = arith.andi %get3A_73, %and3A_86 : vector<16xi32>
      %swap3A_88 = arith.constant 0 : i32
      %swap3A_89 = arith.constant 1 : i32
      %swap3A_90 = arith.index_cast %swap3A_88 : i32 to index
      %swap3A_91 = arith.index_cast %swap3A_89 : i32 to index
      %swap3A_92 = arith.constant 16 : index
      %swap3A_93 = tpu.vector_load %arg9[%swap3A_90, %swap3A_91, %swap3A_92] {strides = array<i32>} : memref<3x2x64xi32, #tpu.memory_space<vmem>>, vector<1x1x16xi32>,
      %swap3A_94 = vector.shape_cast %swap3A_93 : vector<1x1x16xi32> to vector<16xi32>
      %swap3A_95 = vector.shape_cast %and3A_87 : vector<16xi32> to vector<1x1x16xi32>
      tpu.vector_store %arg9[%swap3A_90, %swap3A_91, %swap3A_92], %swap3A_95 {strides = array<i32>} : memref<3x2x64xi32, #tpu.memory_space<vmem>>, vector<1x1x16xi32>,
      %get3A_96 = arith.constant 0 : i32
      %get3A_97 = arith.index_cast %get3A_96 : i32 to index
      %get3A_98 = arith.constant 32 : index
      %get3A_99 = tpu.vector_load %arg8[%get3A_97, %get3A_98] {strides = array<i32>} : memref<159x64xi32, #tpu.memory_space<vmem>>, vector<1x16xi32>,
      %get3A_100 = vector.shape_cast %get3A_99 : vector<1x16xi32> to vector<16xi32>
      %shift_right_logical3A_101 = arith.constant 16 : i32
      %shift_right_logical3A_102 = vector.broadcast %shift_right_logical3A_101 : i32 to vector<16xi32>
      %shift_right_logical3A_103 = arith.shrui %get3A_100, %shift_right_logical3A_102 : vector<16xi32>
      %swap3A_104 = arith.constant 0 : i32
      %swap3A_105 = arith.constant 0 : i32
      %swap3A_106 = arith.index_cast %swap3A_104 : i32 to index
      %swap3A_107 = arith.index_cast %swap3A_105 : i32 to index
      %swap3A_108 = arith.constant 32 : index
      %swap3A_109 = tpu.vector_load %arg9[%swap3A_106, %swap3A_107, %swap3A_108] {strides = array<i32>} : memref<3x2x64xi32, #tpu.memory_space<vmem>>, vector<1x1x16xi32>,
      %swap3A_110 = vector.shape_cast %swap3A_109 : vector<1x1x16xi32> to vector<16xi32>
      %swap3A_111 = vector.shape_cast %shift_right_logical3A_103 : vector<16xi32> to vector<1x1x16xi32>
      tpu.vector_store %arg9[%swap3A_106, %swap3A_107, %swap3A_108], %swap3A_111 {strides = array<i32>} : memref<3x2x64xi32, #tpu.memory_space<vmem>>, vector<1x1x16xi32>,
      %and3A_112 = arith.constant 65535 : i32
      %and3A_113 = vector.broadcast %and3A_112 : i32 to vector<16xi32>
      %and3A_114 = arith.andi %get3A_100, %and3A_113 : vector<16xi32>
      %swap3A_115 = arith.constant 0 : i32
      %swap3A_116 = arith.constant 1 : i32
      %swap3A_117 = arith.index_cast %swap3A_115 : i32 to index
      %swap3A_118 = arith.index_cast %swap3A_116 : i32 to index
      %swap3A_119 = arith.constant 32 : index
      %swap3A_120 = tpu.vector_load %arg9[%swap3A_117, %swap3A_118, %swap3A_119] {strides = array<i32>} : memref<3x2x64xi32, #tpu.memory_space<vmem>>, vector<1x1x16xi32>,
      %swap3A_121 = vector.shape_cast %swap3A_120 : vector<1x1x16xi32> to vector<16xi32>
      %swap3A_122 = vector.shape_cast %and3A_114 : vector<16xi32> to vector<1x1x16xi32>
      tpu.vector_store %arg9[%swap3A_117, %swap3A_118, %swap3A_119], %swap3A_122 {strides = array<i32>} : memref<3x2x64xi32, #tpu.memory_space<vmem>>, vector<1x1x16xi32>,
      %get3A_123 = arith.constant 0 : i32
      %get3A_124 = arith.index_cast %get3A_123 : i32 to index
      %get3A_125 = arith.constant 48 : index
      %get3A_126 = tpu.vector_load %arg8[%get3A_124, %get3A_125] {strides = array<i32>} : memref<159x64xi32, #tpu.memory_space<vmem>>, vector<1x16xi32>,
      %get3A_127 = vector.shape_cast %get3A_126 : vector<1x16xi32> to vector<16xi32>
      %shift_right_logical3A_128 = arith.constant 16 : i32
      %shift_right_logical3A_129 = vector.broadcast %shift_right_logical3A_128 : i32 to vector<16xi32>
      %shift_right_logical3A_130 = arith.shrui %get3A_127, %shift_right_logical3A_129 : vector<16xi32>
      %swap3A_131 = arith.constant 0 : i32
      %swap3A_132 = arith.constant 0 : i32
      %swap3A_133 = arith.index_cast %swap3A_131 : i32 to index
      %swap3A_134 = arith.index_cast %swap3A_132 : i32 to index
      %swap3A_135 = arith.constant 48 : index
      %swap3A_136 = tpu.vector_load %arg9[%swap3A_133, %swap3A_134, %swap3A_135] {strides = array<i32>} : memref<3x2x64xi32, #tpu.memory_space<vmem>>, vector<1x1x16xi32>,
      %swap3A_137 = vector.shape_cast %swap3A_136 : vector<1x1x16xi32> to vector<16xi32>
      %swap3A_138 = vector.shape_cast %shift_right_logical3A_130 : vector<16xi32> to vector<1x1x16xi32>
      tpu.vector_store %arg9[%swap3A_133, %swap3A_134, %swap3A_135], %swap3A_138 {strides = array<i32>} : memref<3x2x64xi32, #tpu.memory_space<vmem>>, vector<1x1x16xi32>,
      %and3A_139 = arith.constant 65535 : i32
      %and3A_140 = vector.broadcast %and3A_139 : i32 to vector<16xi32>
      %and3A_141 = arith.andi %get3A_127, %and3A_140 : vector<16xi32>
      %swap3A_142 = arith.constant 0 : i32
      %swap3A_143 = arith.constant 1 : i32
      %swap3A_144 = arith.index_cast %swap3A_142 : i32 to index
      %swap3A_145 = arith.index_cast %swap3A_143 : i32 to index
      %swap3A_146 = arith.constant 48 : index
      %swap3A_147 = tpu.vector_load %arg9[%swap3A_144, %swap3A_145, %swap3A_146] {strides = array<i32>} : memref<3x2x64xi32, #tpu.memory_space<vmem>>, vector<1x1x16xi32>,
      %swap3A_148 = vector.shape_cast %swap3A_147 : vector<1x1x16xi32> to vector<16xi32>
      %swap3A_149 = vector.shape_cast %and3A_141 : vector<16xi32> to vector<1x1x16xi32>
      tpu.vector_store %arg9[%swap3A_144, %swap3A_145, %swap3A_146], %swap3A_149 {strides = array<i32>} : memref<3x2x64xi32, #tpu.memory_space<vmem>>, vector<1x1x16xi32>,
      %get3A_150 = arith.constant 1 : i32
      %get3A_151 = arith.index_cast %get3A_150 : i32 to index
      %get3A_152 = arith.constant 0 : index
      %get3A_153 = tpu.vector_load %arg8[%get3A_151, %get3A_152] {strides = array<i32>} : memref<159x64xi32, #tpu.memory_space<vmem>>, vector<1x16xi32>,
      %get3A_154 = vector.shape_cast %get3A_153 : vector<1x16xi32> to vector<16xi32>
      %shift_right_logical3A_155 = arith.constant 16 : i32
      %shift_right_logical3A_156 = vector.broadcast %shift_right_logical3A_155 : i32 to vector<16xi32>
      %shift_right_logical3A_157 = arith.shrui %get3A_154, %shift_right_logical3A_156 : vector<16xi32>
      %swap3A_158 = arith.constant 1 : i32
      %swap3A_159 = arith.constant 0 : i32
      %swap3A_160 = arith.index_cast %swap3A_158 : i32 to index
      %swap3A_161 = arith.index_cast %swap3A_159 : i32 to index
      %swap3A_162 = arith.constant 0 : index
      %swap3A_163 = tpu.vector_load %arg9[%swap3A_160, %swap3A_161, %swap3A_162] {strides = array<i32>} : memref<3x2x64xi32, #tpu.memory_space<vmem>>, vector<1x1x16xi32>,
      %swap3A_164 = vector.shape_cast %swap3A_163 : vector<1x1x16xi32> to vector<16xi32>
      %swap3A_165 = vector.shape_cast %shift_right_logical3A_157 : vector<16xi32> to vector<1x1x16xi32>
      tpu.vector_store %arg9[%swap3A_160, %swap3A_161, %swap3A_162], %swap3A_165 {strides = array<i32>} : memref<3x2x64xi32, #tpu.memory_space<vmem>>, vector<1x1x16xi32>,
      %and3A_166 = arith.constant 65535 : i32
      %and3A_167 = vector.broadcast %and3A_166 : i32 to vector<16xi32>
      %and3A_168 = arith.andi %get3A_154, %and3A_167 : vector<16xi32>
      %swap3A_169 = arith.constant 1 : i32
      %swap3A_170 = arith.constant 1 : i32
      %swap3A_171 = arith.index_cast %swap3A_169 : i32 to index
      %swap3A_172 = arith.index_cast %swap3A_170 : i32 to index
      %swap3A_173 = arith.constant 0 : index
      %swap3A_174 = tpu.vector_load %arg9[%swap3A_171, %swap3A_172, %swap3A_173] {strides = array<i32>} : memref<3x2x64xi32, #tpu.memory_space<vmem>>, vector<1x1x16xi32>,
      %swap3A_175 = vector.shape_cast %swap3A_174 : vector<1x1x16xi32> to vector<16xi32>
      %swap3A_176 = vector.shape_cast %and3A_168 : vector<16xi32> to vector<1x1x16xi32>
      tpu.vector_store %arg9[%swap3A_171, %swap3A_172, %swap3A_173], %swap3A_176 {strides = array<i32>} : memref<3x2x64xi32, #tpu.memory_space<vmem>>, vector<1x1x16xi32>,
      %get3A_177 = arith.constant 1 : i32
      %get3A_178 = arith.index_cast %get3A_177 : i32 to index
      %get3A_179 = arith.constant 16 : index
      %get3A_180 = tpu.vector_load %arg8[%get3A_178, %get3A_179] {strides = array<i32>} : memref<159x64xi32, #tpu.memory_space<vmem>>, vector<1x16xi32>,
      %get3A_181 = vector.shape_cast %get3A_180 : vector<1x16xi32> to vector<16xi32>
      %shift_right_logical3A_182 = arith.constant 16 : i32
      %shift_right_logical3A_183 = vector.broadcast %shift_right_logical3A_182 : i32 to vector<16xi32>
      %shift_right_logical3A_184 = arith.shrui %get3A_181, %shift_right_logical3A_183 : vector<16xi32>
      %swap3A_185 = arith.constant 1 : i32
      %swap3A_186 = arith.constant 0 : i32
      %swap3A_187 = arith.index_cast %swap3A_185 : i32 to index
      %swap3A_188 = arith.index_cast %swap3A_186 : i32 to index
      %swap3A_189 = arith.constant 16 : index
      %swap3A_190 = tpu.vector_load %arg9[%swap3A_187, %swap3A_188, %swap3A_189] {strides = array<i32>} : memref<3x2x64xi32, #tpu.memory_space<vmem>>, vector<1x1x16xi32>,
      %swap3A_191 = vector.shape_cast %swap3A_190 : vector<1x1x16xi32> to vector<16xi32>
      %swap3A_192 = vector.shape_cast %shift_right_logical3A_184 : vector<16xi32> to vector<1x1x16xi32>
      tpu.vector_store %arg9[%swap3A_187, %swap3A_188, %swap3A_189], %swap3A_192 {strides = array<i32>} : memref<3x2x64xi32, #tpu.memory_space<vmem>>, vector<1x1x16xi32>,
      %and3A_193 = arith.constant 65535 : i32
      %and3A_194 = vector.broadcast %and3A_193 : i32 to vector<16xi32>
      %and3A_195 = arith.andi %get3A_181, %and3A_194 : vector<16xi32>
      %swap3A_196 = arith.constant 1 : i32
      %swap3A_197 = arith.constant 1 : i32
      %swap3A_198 = arith.index_cast %swap3A_196 : i32 to index
      %swap3A_199 = arith.index_cast %swap3A_197 : i32 to index
      %swap3A_200 = arith.constant 16 : index
      %swap3A_201 = tpu.vector_load %arg9[%swap3A_198, %swap3A_199, %swap3A_200] {strides = array<i32>} : memref<3x2x64xi32, #tpu.memory_space<vmem>>, vector<1x1x16xi32>,
      %swap3A_202 = vector.shape_cast %swap3A_201 : vector<1x1x16xi32> to vector<16xi32>
      %swap3A_203 = vector.shape_cast %and3A_195 : vector<16xi32> to vector<1x1x16xi32>
      tpu.vector_store %arg9[%swap3A_198, %swap3A_199, %swap3A_200], %swap3A_203 {strides = array<i32>} : memref<3x2x64xi32, #tpu.memory_space<vmem>>, vector<1x1x16xi32>,
      %get3A_204 = arith.constant 1 : i32
      %get3A_205 = arith.index_cast %get3A_204 : i32 to index
      %get3A_206 = arith.constant 32 : index
      %get3A_207 = tpu.vector_load %arg8[%get3A_205, %get3A_206] {strides = array<i32>} : memref<159x64xi32, #tpu.memory_space<vmem>>, vector<1x16xi32>,
      %get3A_208 = vector.shape_cast %get3A_207 : vector<1x16xi32> to vector<16xi32>
      %shift_right_logical3A_209 = arith.constant 16 : i32
      %shift_right_logical3A_210 = vector.broadcast %shift_right_logical3A_209 : i32 to vector<16xi32>
      %shift_right_logical3A_211 = arith.shrui %get3A_208, %shift_right_logical3A_210 : vector<16xi32>
      %swap3A_212 = arith.constant 1 : i32
      %swap3A_213 = arith.constant 0 : i32
      %swap3A_214 = arith.index_cast %swap3A_212 : i32 to index
      %swap3A_215 = arith.index_cast %swap3A_213 : i32 to index
      %swap3A_216 = arith.constant 32 : index
      %swap3A_217 = tpu.vector_load %arg9[%swap3A_214, %swap3A_215, %swap3A_216] {strides = array<i32>} : memref<3x2x64xi32, #tpu.memory_space<vmem>>, vector<1x1x16xi32>,
      %swap3A_218 = vector.shape_cast %swap3A_217 : vector<1x1x16xi32> to vector<16xi32>
      %swap3A_219 = vector.shape_cast %shift_right_logical3A_211 : vector<16xi32> to vector<1x1x16xi32>
      tpu.vector_store %arg9[%swap3A_214, %swap3A_215, %swap3A_216], %swap3A_219 {strides = array<i32>} : memref<3x2x64xi32, #tpu.memory_space<vmem>>, vector<1x1x16xi32>,
      %and3A_220 = arith.constant 65535 : i32
      %and3A_221 = vector.broadcast %and3A_220 : i32 to vector<16xi32>
      %and3A_222 = arith.andi %get3A_208, %and3A_221 : vector<16xi32>
      %swap3A_223 = arith.constant 1 : i32
      %swap3A_224 = arith.constant 1 : i32
      %swap3A_225 = arith.index_cast %swap3A_223 : i32 to index
      %swap3A_226 = arith.index_cast %swap3A_224 : i32 to index
      %swap3A_227 = arith.constant 32 : index
      %swap3A_228 = tpu.vector_load %arg9[%swap3A_225, %swap3A_226, %swap3A_227] {strides = array<i32>} : memref<3x2x64xi32, #tpu.memory_space<vmem>>, vector<1x1x16xi32>,
      %swap3A_229 = vector.shape_cast %swap3A_228 : vector<1x1x16xi32> to vector<16xi32>
      %swap3A_230 = vector.shape_cast %and3A_222 : vector<16xi32> to vector<1x1x16xi32>
      tpu.vector_store %arg9[%swap3A_225, %swap3A_226, %swap3A_227], %swap3A_230 {strides = array<i32>} : memref<3x2x64xi32, #tpu.memory_space<vmem>>, vector<1x1x16xi32>,
      %get3A_231 = arith.constant 1 : i32
      %get3A_232 = arith.index_cast %get3A_231 : i32 to index
      %get3A_233 = arith.constant 48 : index
      %get3A_234 = tpu.vector_load %arg8[%get3A_232, %get3A_233] {strides = array<i32>} : memref<159x64xi32, #tpu.memory_space<vmem>>, vector<1x16xi32>,
      %get3A_235 = vector.shape_cast %get3A_234 : vector<1x16xi32> to vector<16xi32>
      %shift_right_logical3A_236 = arith.constant 16 : i32
      %shift_right_logical3A_237 = vector.broadcast %shift_right_logical3A_236 : i32 to vector<16xi32>
      %shift_right_logical3A_238 = arith.shrui %get3A_235, %shift_right_logical3A_237 : vector<16xi32>
      %swap3A_239 = arith.constant 1 : i32
      %swap3A_240 = arith.constant 0 : i32
      %swap3A_241 = arith.index_cast %swap3A_239 : i32 to index
      %swap3A_242 = arith.index_cast %swap3A_240 : i32 to index
      %swap3A_243 = arith.constant 48 : index
      %swap3A_244 = tpu.vector_load %arg9[%swap3A_241, %swap3A_242, %swap3A_243] {strides = array<i32>} : memref<3x2x64xi32, #tpu.memory_space<vmem>>, vector<1x1x16xi32>,
      %swap3A_245 = vector.shape_cast %swap3A_244 : vector<1x1x16xi32> to vector<16xi32>
      %swap3A_246 = vector.shape_cast %shift_right_logical3A_238 : vector<16xi32> to vector<1x1x16xi32>
      tpu.vector_store %arg9[%swap3A_241, %swap3A_242, %swap3A_243], %swap3A_246 {strides = array<i32>} : memref<3x2x64xi32, #tpu.memory_space<vmem>>, vector<1x1x16xi32>,
      %and3A_247 = arith.constant 65535 : i32
      %and3A_248 = vector.broadcast %and3A_247 : i32 to vector<16xi32>
      %and3A_249 = arith.andi %get3A_235, %and3A_248 : vector<16xi32>
      %swap3A_250 = arith.constant 1 : i32
      %swap3A_251 = arith.constant 1 : i32
      %swap3A_252 = arith.index_cast %swap3A_250 : i32 to index
      %swap3A_253 = arith.index_cast %swap3A_251 : i32 to index
      %swap3A_254 = arith.constant 48 : index
      %swap3A_255 = tpu.vector_load %arg9[%swap3A_252, %swap3A_253, %swap3A_254] {strides = array<i32>} : memref<3x2x64xi32, #tpu.memory_space<vmem>>, vector<1x1x16xi32>,
      %swap3A_256 = vector.shape_cast %swap3A_255 : vector<1x1x16xi32> to vector<16xi32>
      %swap3A_257 = vector.shape_cast %and3A_249 : vector<16xi32> to vector<1x1x16xi32>
      tpu.vector_store %arg9[%swap3A_252, %swap3A_253, %swap3A_254], %swap3A_257 {strides = array<i32>} : memref<3x2x64xi32, #tpu.memory_space<vmem>>, vector<1x1x16xi32>,
      %dma_start3A = arith.constant 0 : i32
      %dma_start3A_258 = arith.constant 0 : i32
      %dma_start3A_259 = arith.constant 0 : i32
      %dma_start3A_260 = tpu.memref_slice %arg9[%dma_start3A, %dma_start3A_258, %dma_start3A_259] : memref<3x2x64xi32, #tpu.memory_space<vmem>> -> memref<1x1x64xi32, #tpu.memory_space<vmem>>
      %dma_start3A_261 = tpu.memref_squeeze %dma_start3A_260 : memref<1x1x64xi32, #tpu.memory_space<vmem>> -> memref<64xi32, #tpu.memory_space<vmem>>
      %dma_start3A_262 = arith.constant 0 : i32
      %dma_start3A_263 = arith.constant 0 : i32
      %dma_start3A_264 = tpu.memref_slice %arg2[%dma_start3A_262, %dma_start3A_263] : memref<10000x144xf32, #tpu.memory_space<hbm>> -> memref<10000x144xf32, #tpu.memory_space<hbm>>
      tpu.enqueue_indirect_dma source(%dma_start3A_264 : memref<10000x144xf32, #tpu.memory_space<hbm>>) target(%arg10 : memref<64x144xf32, #tpu.memory_space<vmem>>) offsets(%dma_start3A_261 : memref<64xi32, #tpu.memory_space<vmem>>) semaphore(%arg13 : memref<!tpu.dma_semaphore, #tpu.memory_space<semaphore_mem>>)
      %dma_start3A_265 = arith.constant 1 : i32
      %dma_start3A_266 = arith.constant 0 : i32
      %dma_start3A_267 = arith.constant 0 : i32
      %dma_start3A_268 = tpu.memref_slice %arg9[%dma_start3A_265, %dma_start3A_266, %dma_start3A_267] : memref<3x2x64xi32, #tpu.memory_space<vmem>> -> memref<1x1x64xi32, #tpu.memory_space<vmem>>
      %dma_start3A_269 = tpu.memref_squeeze %dma_start3A_268 : memref<1x1x64xi32, #tpu.memory_space<vmem>> -> memref<64xi32, #tpu.memory_space<vmem>>
      %dma_start3A_270 = arith.constant 0 : i32
      %dma_start3A_271 = arith.constant 0 : i32
      %dma_start3A_272 = tpu.memref_slice %arg2[%dma_start3A_270, %dma_start3A_271] : memref<10000x144xf32, #tpu.memory_space<hbm>> -> memref<10000x144xf32, #tpu.memory_space<hbm>>
      tpu.enqueue_indirect_dma source(%dma_start3A_272 : memref<10000x144xf32, #tpu.memory_space<hbm>>) target(%arg11 : memref<64x144xf32, #tpu.memory_space<vmem>>) offsets(%dma_start3A_269 : memref<64xi32, #tpu.memory_space<vmem>>) semaphore(%arg14 : memref<!tpu.dma_semaphore, #tpu.memory_space<semaphore_mem>>)
      %scan3A_273 = arith.constant 0 : i32
      %scan3A_274 = arith.constant 0 : i32
      %scan3A_275 = arith.constant 53 : i32
      %scan3A_276 = arith.addi %scan3A_274, %scan3A_275 : i32
      %scan3A_277 = arith.constant 1 : i32
      scf.for %scan3A_302 = %scan3A_274 to %scan3A_276 step %scan3A_277  : i32 {
        %mul3A_303 = arith.constant 3 : i32
        %mul3A_304 = arith.muli %mul3A_303, %scan3A_302 : i32
        %add3A_305 = arith.constant 0 : i32
        %add3A_306 = arith.addi %mul3A_304, %add3A_305 : i32
        %dma_wait3A_307 = arith.constant 0 : i32
        %dma_wait3A_308 = arith.constant 0 : i32
        %dma_wait3A_309 = arith.constant 0 : i32
        %dma_wait3A_310 = tpu.memref_slice %arg9[%dma_wait3A_307, %dma_wait3A_308, %dma_wait3A_309] : memref<3x2x64xi32, #tpu.memory_space<vmem>> -> memref<1x1x64xi32, #tpu.memory_space<vmem>>
        %dma_wait3A_311 = tpu.memref_squeeze %dma_wait3A_310 : memref<1x1x64xi32, #tpu.memory_space<vmem>> -> memref<64xi32, #tpu.memory_space<vmem>>
        %dma_wait3A_312 = arith.constant 0 : i32
        %dma_wait3A_313 = arith.constant 0 : i32
        %dma_wait3A_314 = tpu.memref_slice %arg2[%dma_wait3A_312, %dma_wait3A_313] : memref<10000x144xf32, #tpu.memory_space<hbm>> -> memref<10000x144xf32, #tpu.memory_space<hbm>>
        tpu.wait_indirect_dma semaphore(%arg13 : memref<!tpu.dma_semaphore, #tpu.memory_space<semaphore_mem>>) src(%dma_wait3A_314 : memref<10000x144xf32, #tpu.memory_space<hbm>>) dst(%arg10 : memref<64x144xf32, #tpu.memory_space<vmem>>)
        %dma_start3A_315 = arith.constant 0 : i32
        %dma_start3A_316 = arith.constant 1 : i32
        %dma_start3A_317 = arith.constant 0 : i32
        %dma_start3A_318 = tpu.memref_slice %arg9[%dma_start3A_315, %dma_start3A_316, %dma_start3A_317] : memref<3x2x64xi32, #tpu.memory_space<vmem>> -> memref<1x1x64xi32, #tpu.memory_space<vmem>>
        %dma_start3A_319 = tpu.memref_squeeze %dma_start3A_318 : memref<1x1x64xi32, #tpu.memory_space<vmem>> -> memref<64xi32, #tpu.memory_space<vmem>>
        %dma_start3A_320 = arith.constant 0 : i32
        %dma_start3A_321 = arith.constant 0 : i32
        %dma_start3A_322 = tpu.memref_slice %arg7[%dma_start3A_320, %dma_start3A_321] : memref<10016x144xf32, #tpu.memory_space<vmem_shared>> -> memref<10016x144xf32, #tpu.memory_space<vmem_shared>>
        tpu.enqueue_indirect_dma source(%arg10 : memref<64x144xf32, #tpu.memory_space<vmem>>) target(%dma_start3A_322 : memref<10016x144xf32, #tpu.memory_space<vmem_shared>>) offsets(%dma_start3A_319 : memref<64xi32, #tpu.memory_space<vmem>>) semaphore(%arg16 : memref<!tpu.dma_semaphore, #tpu.memory_space<semaphore_mem>>) {add = true}
        %ge3A = arith.constant 1 : i32
        %ge3A_323 = arith.cmpi sge, %add3A_306, %ge3A : i32
        %add3A_324 = arith.constant 2 : i32
        %add3A_325 = arith.addi %add3A_306, %add3A_324 : i32
        %lt3A = arith.constant 159 : i32
        %lt3A_326 = arith.cmpi slt, %add3A_325, %lt3A : i32
        %and3A_327 = arith.andi %ge3A_323, %lt3A_326 : i1
        %convert_element_type3A_328 = arith.extui %and3A_327 : i1 to i32
        %cond3A_329 = arith.constant 0 : i32
        %cond3A_330 = arith.cmpi ne, %convert_element_type3A_328, %cond3A_329 : i32
        scf.if %cond3A_330 {
          %dma_wait3A_412 = arith.constant 2 : i32
          %dma_wait3A_413 = arith.constant 1 : i32
          %dma_wait3A_414 = arith.constant 0 : i32
          %dma_wait3A_415 = tpu.memref_slice %arg9[%dma_wait3A_412, %dma_wait3A_413, %dma_wait3A_414] : memref<3x2x64xi32, #tpu.memory_space<vmem>> -> memref<1x1x64xi32, #tpu.memory_space<vmem>>
          %dma_wait3A_416 = tpu.memref_squeeze %dma_wait3A_415 : memref<1x1x64xi32, #tpu.memory_space<vmem>> -> memref<64xi32, #tpu.memory_space<vmem>>
          %dma_wait3A_417 = arith.constant 0 : i32
          %dma_wait3A_418 = arith.constant 0 : i32
          %dma_wait3A_419 = tpu.memref_slice %arg7[%dma_wait3A_417, %dma_wait3A_418] : memref<10016x144xf32, #tpu.memory_space<vmem_shared>> -> memref<10016x144xf32, #tpu.memory_space<vmem_shared>>
          tpu.wait_indirect_dma semaphore(%arg18 : memref<!tpu.dma_semaphore, #tpu.memory_space<semaphore_mem>>) src(%arg12 : memref<64x144xf32, #tpu.memory_space<vmem>>) dst(%dma_wait3A_419 : memref<10016x144xf32, #tpu.memory_space<vmem_shared>>)
        } else {
        }
        %add3A_331 = arith.constant 2 : i32
        %add3A_332 = arith.addi %add3A_306, %add3A_331 : i32
        %lt3A_333 = arith.constant 159 : i32
        %lt3A_334 = arith.cmpi slt, %add3A_332, %lt3A_333 : i32
        %convert_element_type3A_335 = arith.extui %lt3A_334 : i1 to i32
        %cond3A_336 = arith.constant 0 : i32
        %cond3A_337 = arith.cmpi ne, %convert_element_type3A_335, %cond3A_336 : i32
        scf.if %cond3A_337 {
          %add3A_412 = arith.constant 2 : i32
          %add3A_413 = arith.addi %add3A_306, %add3A_412 : i32
          %get3A_414 = arith.index_cast %add3A_413 : i32 to index
          %get3A_415 = arith.constant 0 : index
          %get3A_416 = tpu.vector_load %arg8[%get3A_414, %get3A_415] {strides = array<i32>} : memref<159x64xi32, #tpu.memory_space<vmem>>, vector<1x16xi32>,
          %get3A_417 = vector.shape_cast %get3A_416 : vector<1x16xi32> to vector<16xi32>
          %shift_right_logical3A_418 = arith.constant 16 : i32
          %shift_right_logical3A_419 = vector.broadcast %shift_right_logical3A_418 : i32 to vector<16xi32>
          %shift_right_logical3A_420 = arith.shrui %get3A_417, %shift_right_logical3A_419 : vector<16xi32>
          %swap3A_421 = arith.constant 2 : i32
          %swap3A_422 = arith.constant 0 : i32
          %swap3A_423 = arith.index_cast %swap3A_421 : i32 to index
          %swap3A_424 = arith.index_cast %swap3A_422 : i32 to index
          %swap3A_425 = arith.constant 0 : index
          %swap3A_426 = tpu.vector_load %arg9[%swap3A_423, %swap3A_424, %swap3A_425] {strides = array<i32>} : memref<3x2x64xi32, #tpu.memory_space<vmem>>, vector<1x1x16xi32>,
          %swap3A_427 = vector.shape_cast %swap3A_426 : vector<1x1x16xi32> to vector<16xi32>
          %swap3A_428 = vector.shape_cast %shift_right_logical3A_420 : vector<16xi32> to vector<1x1x16xi32>
          tpu.vector_store %arg9[%swap3A_423, %swap3A_424, %swap3A_425], %swap3A_428 {strides = array<i32>} : memref<3x2x64xi32, #tpu.memory_space<vmem>>, vector<1x1x16xi32>,
          %and3A_429 = arith.constant 65535 : i32
          %and3A_430 = vector.broadcast %and3A_429 : i32 to vector<16xi32>
          %and3A_431 = arith.andi %get3A_417, %and3A_430 : vector<16xi32>
          %swap3A_432 = arith.constant 2 : i32
          %swap3A_433 = arith.constant 1 : i32
          %swap3A_434 = arith.index_cast %swap3A_432 : i32 to index
          %swap3A_435 = arith.index_cast %swap3A_433 : i32 to index
          %swap3A_436 = arith.constant 0 : index
          %swap3A_437 = tpu.vector_load %arg9[%swap3A_434, %swap3A_435, %swap3A_436] {strides = array<i32>} : memref<3x2x64xi32, #tpu.memory_space<vmem>>, vector<1x1x16xi32>,
          %swap3A_438 = vector.shape_cast %swap3A_437 : vector<1x1x16xi32> to vector<16xi32>
          %swap3A_439 = vector.shape_cast %and3A_431 : vector<16xi32> to vector<1x1x16xi32>
          tpu.vector_store %arg9[%swap3A_434, %swap3A_435, %swap3A_436], %swap3A_439 {strides = array<i32>} : memref<3x2x64xi32, #tpu.memory_space<vmem>>, vector<1x1x16xi32>,
          %get3A_440 = arith.index_cast %add3A_413 : i32 to index
          %get3A_441 = arith.constant 16 : index
          %get3A_442 = tpu.vector_load %arg8[%get3A_440, %get3A_441] {strides = array<i32>} : memref<159x64xi32, #tpu.memory_space<vmem>>, vector<1x16xi32>,
          %get3A_443 = vector.shape_cast %get3A_442 : vector<1x16xi32> to vector<16xi32>
          %shift_right_logical3A_444 = arith.constant 16 : i32
          %shift_right_logical3A_445 = vector.broadcast %shift_right_logical3A_444 : i32 to vector<16xi32>
          %shift_right_logical3A_446 = arith.shrui %get3A_443, %shift_right_logical3A_445 : vector<16xi32>
          %swap3A_447 = arith.constant 2 : i32
          %swap3A_448 = arith.constant 0 : i32
          %swap3A_449 = arith.index_cast %swap3A_447 : i32 to index
          %swap3A_450 = arith.index_cast %swap3A_448 : i32 to index
          %swap3A_451 = arith.constant 16 : index
          %swap3A_452 = tpu.vector_load %arg9[%swap3A_449, %swap3A_450, %swap3A_451] {strides = array<i32>} : memref<3x2x64xi32, #tpu.memory_space<vmem>>, vector<1x1x16xi32>,
          %swap3A_453 = vector.shape_cast %swap3A_452 : vector<1x1x16xi32> to vector<16xi32>
          %swap3A_454 = vector.shape_cast %shift_right_logical3A_446 : vector<16xi32> to vector<1x1x16xi32>
          tpu.vector_store %arg9[%swap3A_449, %swap3A_450, %swap3A_451], %swap3A_454 {strides = array<i32>} : memref<3x2x64xi32, #tpu.memory_space<vmem>>, vector<1x1x16xi32>,
          %and3A_455 = arith.constant 65535 : i32
          %and3A_456 = vector.broadcast %and3A_455 : i32 to vector<16xi32>
          %and3A_457 = arith.andi %get3A_443, %and3A_456 : vector<16xi32>
          %swap3A_458 = arith.constant 2 : i32
          %swap3A_459 = arith.constant 1 : i32
          %swap3A_460 = arith.index_cast %swap3A_458 : i32 to index
          %swap3A_461 = arith.index_cast %swap3A_459 : i32 to index
          %swap3A_462 = arith.constant 16 : index
          %swap3A_463 = tpu.vector_load %arg9[%swap3A_460, %swap3A_461, %swap3A_462] {strides = array<i32>} : memref<3x2x64xi32, #tpu.memory_space<vmem>>, vector<1x1x16xi32>,
          %swap3A_464 = vector.shape_cast %swap3A_463 : vector<1x1x16xi32> to vector<16xi32>
          %swap3A_465 = vector.shape_cast %and3A_457 : vector<16xi32> to vector<1x1x16xi32>
          tpu.vector_store %arg9[%swap3A_460, %swap3A_461, %swap3A_462], %swap3A_465 {strides = array<i32>} : memref<3x2x64xi32, #tpu.memory_space<vmem>>, vector<1x1x16xi32>,
          %get3A_466 = arith.index_cast %add3A_413 : i32 to index
          %get3A_467 = arith.constant 32 : index
          %get3A_468 = tpu.vector_load %arg8[%get3A_466, %get3A_467] {strides = array<i32>} : memref<159x64xi32, #tpu.memory_space<vmem>>, vector<1x16xi32>,
          %get3A_469 = vector.shape_cast %get3A_468 : vector<1x16xi32> to vector<16xi32>
          %shift_right_logical3A_470 = arith.constant 16 : i32
          %shift_right_logical3A_471 = vector.broadcast %shift_right_logical3A_470 : i32 to vector<16xi32>
          %shift_right_logical3A_472 = arith.shrui %get3A_469, %shift_right_logical3A_471 : vector<16xi32>
          %swap3A_473 = arith.constant 2 : i32
          %swap3A_474 = arith.constant 0 : i32
          %swap3A_475 = arith.index_cast %swap3A_473 : i32 to index
          %swap3A_476 = arith.index_cast %swap3A_474 : i32 to index
          %swap3A_477 = arith.constant 32 : index
          %swap3A_478 = tpu.vector_load %arg9[%swap3A_475, %swap3A_476, %swap3A_477] {strides = array<i32>} : memref<3x2x64xi32, #tpu.memory_space<vmem>>, vector<1x1x16xi32>,
          %swap3A_479 = vector.shape_cast %swap3A_478 : vector<1x1x16xi32> to vector<16xi32>
          %swap3A_480 = vector.shape_cast %shift_right_logical3A_472 : vector<16xi32> to vector<1x1x16xi32>
          tpu.vector_store %arg9[%swap3A_475, %swap3A_476, %swap3A_477], %swap3A_480 {strides = array<i32>} : memref<3x2x64xi32, #tpu.memory_space<vmem>>, vector<1x1x16xi32>,
          %and3A_481 = arith.constant 65535 : i32
          %and3A_482 = vector.broadcast %and3A_481 : i32 to vector<16xi32>
          %and3A_483 = arith.andi %get3A_469, %and3A_482 : vector<16xi32>
          %swap3A_484 = arith.constant 2 : i32
          %swap3A_485 = arith.constant 1 : i32
          %swap3A_486 = arith.index_cast %swap3A_484 : i32 to index
          %swap3A_487 = arith.index_cast %swap3A_485 : i32 to index
          %swap3A_488 = arith.constant 32 : index
          %swap3A_489 = tpu.vector_load %arg9[%swap3A_486, %swap3A_487, %swap3A_488] {strides = array<i32>} : memref<3x2x64xi32, #tpu.memory_space<vmem>>, vector<1x1x16xi32>,
          %swap3A_490 = vector.shape_cast %swap3A_489 : vector<1x1x16xi32> to vector<16xi32>
          %swap3A_491 = vector.shape_cast %and3A_483 : vector<16xi32> to vector<1x1x16xi32>
          tpu.vector_store %arg9[%swap3A_486, %swap3A_487, %swap3A_488], %swap3A_491 {strides = array<i32>} : memref<3x2x64xi32, #tpu.memory_space<vmem>>, vector<1x1x16xi32>,
          %get3A_492 = arith.index_cast %add3A_413 : i32 to index
          %get3A_493 = arith.constant 48 : index
          %get3A_494 = tpu.vector_load %arg8[%get3A_492, %get3A_493] {strides = array<i32>} : memref<159x64xi32, #tpu.memory_space<vmem>>, vector<1x16xi32>,
          %get3A_495 = vector.shape_cast %get3A_494 : vector<1x16xi32> to vector<16xi32>
          %shift_right_logical3A_496 = arith.constant 16 : i32
          %shift_right_logical3A_497 = vector.broadcast %shift_right_logical3A_496 : i32 to vector<16xi32>
          %shift_right_logical3A_498 = arith.shrui %get3A_495, %shift_right_logical3A_497 : vector<16xi32>
          %swap3A_499 = arith.constant 2 : i32
          %swap3A_500 = arith.constant 0 : i32
          %swap3A_501 = arith.index_cast %swap3A_499 : i32 to index
          %swap3A_502 = arith.index_cast %swap3A_500 : i32 to index
          %swap3A_503 = arith.constant 48 : index
          %swap3A_504 = tpu.vector_load %arg9[%swap3A_501, %swap3A_502, %swap3A_503] {strides = array<i32>} : memref<3x2x64xi32, #tpu.memory_space<vmem>>, vector<1x1x16xi32>,
          %swap3A_505 = vector.shape_cast %swap3A_504 : vector<1x1x16xi32> to vector<16xi32>
          %swap3A_506 = vector.shape_cast %shift_right_logical3A_498 : vector<16xi32> to vector<1x1x16xi32>
          tpu.vector_store %arg9[%swap3A_501, %swap3A_502, %swap3A_503], %swap3A_506 {strides = array<i32>} : memref<3x2x64xi32, #tpu.memory_space<vmem>>, vector<1x1x16xi32>,
          %and3A_507 = arith.constant 65535 : i32
          %and3A_508 = vector.broadcast %and3A_507 : i32 to vector<16xi32>
          %and3A_509 = arith.andi %get3A_495, %and3A_508 : vector<16xi32>
          %swap3A_510 = arith.constant 2 : i32
          %swap3A_511 = arith.constant 1 : i32
          %swap3A_512 = arith.index_cast %swap3A_510 : i32 to index
          %swap3A_513 = arith.index_cast %swap3A_511 : i32 to index
          %swap3A_514 = arith.constant 48 : index
          %swap3A_515 = tpu.vector_load %arg9[%swap3A_512, %swap3A_513, %swap3A_514] {strides = array<i32>} : memref<3x2x64xi32, #tpu.memory_space<vmem>>, vector<1x1x16xi32>,
          %swap3A_516 = vector.shape_cast %swap3A_515 : vector<1x1x16xi32> to vector<16xi32>
          %swap3A_517 = vector.shape_cast %and3A_509 : vector<16xi32> to vector<1x1x16xi32>
          tpu.vector_store %arg9[%swap3A_512, %swap3A_513, %swap3A_514], %swap3A_517 {strides = array<i32>} : memref<3x2x64xi32, #tpu.memory_space<vmem>>, vector<1x1x16xi32>,
          %add3A_518 = arith.constant 2 : i32
          %add3A_519 = arith.addi %add3A_306, %add3A_518 : i32
          %dma_start3A_520 = arith.constant 2 : i32
          %dma_start3A_521 = arith.constant 0 : i32
          %dma_start3A_522 = arith.constant 0 : i32
          %dma_start3A_523 = tpu.memref_slice %arg9[%dma_start3A_520, %dma_start3A_521, %dma_start3A_522] : memref<3x2x64xi32, #tpu.memory_space<vmem>> -> memref<1x1x64xi32, #tpu.memory_space<vmem>>
          %dma_start3A_524 = tpu.memref_squeeze %dma_start3A_523 : memref<1x1x64xi32, #tpu.memory_space<vmem>> -> memref<64xi32, #tpu.memory_space<vmem>>
          %dma_start3A_525 = arith.constant 0 : i32
          %dma_start3A_526 = arith.constant 0 : i32
          %dma_start3A_527 = tpu.memref_slice %arg2[%dma_start3A_525, %dma_start3A_526] : memref<10000x144xf32, #tpu.memory_space<hbm>> -> memref<10000x144xf32, #tpu.memory_space<hbm>>
          tpu.enqueue_indirect_dma source(%dma_start3A_527 : memref<10000x144xf32, #tpu.memory_space<hbm>>) target(%arg12 : memref<64x144xf32, #tpu.memory_space<vmem>>) offsets(%dma_start3A_524 : memref<64xi32, #tpu.memory_space<vmem>>) semaphore(%arg15 : memref<!tpu.dma_semaphore, #tpu.memory_space<semaphore_mem>>)
        } else {
        }
        %mul3A_338 = arith.constant 3 : i32
        %mul3A_339 = arith.muli %mul3A_338, %scan3A_302 : i32
        %add3A_340 = arith.constant 1 : i32
        %add3A_341 = arith.addi %mul3A_339, %add3A_340 : i32
        %dma_wait3A_342 = arith.constant 1 : i32
        %dma_wait3A_343 = arith.constant 0 : i32
        %dma_wait3A_344 = arith.constant 0 : i32
        %dma_wait3A_345 = tpu.memref_slice %arg9[%dma_wait3A_342, %dma_wait3A_343, %dma_wait3A_344] : memref<3x2x64xi32, #tpu.memory_space<vmem>> -> memref<1x1x64xi32, #tpu.memory_space<vmem>>
        %dma_wait3A_346 = tpu.memref_squeeze %dma_wait3A_345 : memref<1x1x64xi32, #tpu.memory_space<vmem>> -> memref<64xi32, #tpu.memory_space<vmem>>
        %dma_wait3A_347 = arith.constant 0 : i32
        %dma_wait3A_348 = arith.constant 0 : i32
        %dma_wait3A_349 = tpu.memref_slice %arg2[%dma_wait3A_347, %dma_wait3A_348] : memref<10000x144xf32, #tpu.memory_space<hbm>> -> memref<10000x144xf32, #tpu.memory_space<hbm>>
        tpu.wait_indirect_dma semaphore(%arg14 : memref<!tpu.dma_semaphore, #tpu.memory_space<semaphore_mem>>) src(%dma_wait3A_349 : memref<10000x144xf32, #tpu.memory_space<hbm>>) dst(%arg11 : memref<64x144xf32, #tpu.memory_space<vmem>>)
        %dma_start3A_350 = arith.constant 1 : i32
        %dma_start3A_351 = arith.constant 1 : i32
        %dma_start3A_352 = arith.constant 0 : i32
        %dma_start3A_353 = tpu.memref_slice %arg9[%dma_start3A_350, %dma_start3A_351, %dma_start3A_352] : memref<3x2x64xi32, #tpu.memory_space<vmem>> -> memref<1x1x64xi32, #tpu.memory_space<vmem>>
        %dma_start3A_354 = tpu.memref_squeeze %dma_start3A_353 : memref<1x1x64xi32, #tpu.memory_space<vmem>> -> memref<64xi32, #tpu.memory_space<vmem>>
        %dma_start3A_355 = arith.constant 0 : i32
        %dma_start3A_356 = arith.constant 0 : i32
        %dma_start3A_357 = tpu.memref_slice %arg7[%dma_start3A_355, %dma_start3A_356] : memref<10016x144xf32, #tpu.memory_space<vmem_shared>> -> memref<10016x144xf32, #tpu.memory_space<vmem_shared>>
        tpu.enqueue_indirect_dma source(%arg11 : memref<64x144xf32, #tpu.memory_space<vmem>>) target(%dma_start3A_357 : memref<10016x144xf32, #tpu.memory_space<vmem_shared>>) offsets(%dma_start3A_354 : memref<64xi32, #tpu.memory_space<vmem>>) semaphore(%arg17 : memref<!tpu.dma_semaphore, #tpu.memory_space<semaphore_mem>>) {add = true}
        %ge3A_358 = arith.constant 1 : i32
        %ge3A_359 = arith.cmpi sge, %add3A_341, %ge3A_358 : i32
        %add3A_360 = arith.constant 2 : i32
        %add3A_361 = arith.addi %add3A_341, %add3A_360 : i32
        %lt3A_362 = arith.constant 159 : i32
        %lt3A_363 = arith.cmpi slt, %add3A_361, %lt3A_362 : i32
        %and3A_364 = arith.andi %ge3A_359, %lt3A_363 : i1
        %convert_element_type3A_365 = arith.extui %and3A_364 : i1 to i32
        %cond3A_366 = arith.constant 0 : i32
        %cond3A_367 = arith.cmpi ne, %convert_element_type3A_365, %cond3A_366 : i32
        scf.if %cond3A_367 {
          %dma_wait3A_412 = arith.constant 0 : i32
          %dma_wait3A_413 = arith.constant 1 : i32
          %dma_wait3A_414 = arith.constant 0 : i32
          %dma_wait3A_415 = tpu.memref_slice %arg9[%dma_wait3A_412, %dma_wait3A_413, %dma_wait3A_414] : memref<3x2x64xi32, #tpu.memory_space<vmem>> -> memref<1x1x64xi32, #tpu.memory_space<vmem>>
          %dma_wait3A_416 = tpu.memref_squeeze %dma_wait3A_415 : memref<1x1x64xi32, #tpu.memory_space<vmem>> -> memref<64xi32, #tpu.memory_space<vmem>>
          %dma_wait3A_417 = arith.constant 0 : i32
          %dma_wait3A_418 = arith.constant 0 : i32
          %dma_wait3A_419 = tpu.memref_slice %arg7[%dma_wait3A_417, %dma_wait3A_418] : memref<10016x144xf32, #tpu.memory_space<vmem_shared>> -> memref<10016x144xf32, #tpu.memory_space<vmem_shared>>
          tpu.wait_indirect_dma semaphore(%arg16 : memref<!tpu.dma_semaphore, #tpu.memory_space<semaphore_mem>>) src(%arg10 : memref<64x144xf32, #tpu.memory_space<vmem>>) dst(%dma_wait3A_419 : memref<10016x144xf32, #tpu.memory_space<vmem_shared>>)
        } else {
        }
        %add3A_368 = arith.constant 2 : i32
        %add3A_369 = arith.addi %add3A_341, %add3A_368 : i32
        %lt3A_370 = arith.constant 159 : i32
        %lt3A_371 = arith.cmpi slt, %add3A_369, %lt3A_370 : i32
        %convert_element_type3A_372 = arith.extui %lt3A_371 : i1 to i32
        %cond3A_373 = arith.constant 0 : i32
        %cond3A_374 = arith.cmpi ne, %convert_element_type3A_372, %cond3A_373 : i32
        scf.if %cond3A_374 {
          %add3A_412 = arith.constant 2 : i32
          %add3A_413 = arith.addi %add3A_341, %add3A_412 : i32
          %get3A_414 = arith.index_cast %add3A_413 : i32 to index
          %get3A_415 = arith.constant 0 : index
          %get3A_416 = tpu.vector_load %arg8[%get3A_414, %get3A_415] {strides = array<i32>} : memref<159x64xi32, #tpu.memory_space<vmem>>, vector<1x16xi32>,
          %get3A_417 = vector.shape_cast %get3A_416 : vector<1x16xi32> to vector<16xi32>
          %shift_right_logical3A_418 = arith.constant 16 : i32
          %shift_right_logical3A_419 = vector.broadcast %shift_right_logical3A_418 : i32 to vector<16xi32>
          %shift_right_logical3A_420 = arith.shrui %get3A_417, %shift_right_logical3A_419 : vector<16xi32>
          %swap3A_421 = arith.constant 0 : i32
          %swap3A_422 = arith.constant 0 : i32
          %swap3A_423 = arith.index_cast %swap3A_421 : i32 to index
          %swap3A_424 = arith.index_cast %swap3A_422 : i32 to index
          %swap3A_425 = arith.constant 0 : index
          %swap3A_426 = tpu.vector_load %arg9[%swap3A_423, %swap3A_424, %swap3A_425] {strides = array<i32>} : memref<3x2x64xi32, #tpu.memory_space<vmem>>, vector<1x1x16xi32>,
          %swap3A_427 = vector.shape_cast %swap3A_426 : vector<1x1x16xi32> to vector<16xi32>
          %swap3A_428 = vector.shape_cast %shift_right_logical3A_420 : vector<16xi32> to vector<1x1x16xi32>
          tpu.vector_store %arg9[%swap3A_423, %swap3A_424, %swap3A_425], %swap3A_428 {strides = array<i32>} : memref<3x2x64xi32, #tpu.memory_space<vmem>>, vector<1x1x16xi32>,
          %and3A_429 = arith.constant 65535 : i32
          %and3A_430 = vector.broadcast %and3A_429 : i32 to vector<16xi32>
          %and3A_431 = arith.andi %get3A_417, %and3A_430 : vector<16xi32>
          %swap3A_432 = arith.constant 0 : i32
          %swap3A_433 = arith.constant 1 : i32
          %swap3A_434 = arith.index_cast %swap3A_432 : i32 to index
          %swap3A_435 = arith.index_cast %swap3A_433 : i32 to index
          %swap3A_436 = arith.constant 0 : index
          %swap3A_437 = tpu.vector_load %arg9[%swap3A_434, %swap3A_435, %swap3A_436] {strides = array<i32>} : memref<3x2x64xi32, #tpu.memory_space<vmem>>, vector<1x1x16xi32>,
          %swap3A_438 = vector.shape_cast %swap3A_437 : vector<1x1x16xi32> to vector<16xi32>
          %swap3A_439 = vector.shape_cast %and3A_431 : vector<16xi32> to vector<1x1x16xi32>
          tpu.vector_store %arg9[%swap3A_434, %swap3A_435, %swap3A_436], %swap3A_439 {strides = array<i32>} : memref<3x2x64xi32, #tpu.memory_space<vmem>>, vector<1x1x16xi32>,
          %get3A_440 = arith.index_cast %add3A_413 : i32 to index
          %get3A_441 = arith.constant 16 : index
          %get3A_442 = tpu.vector_load %arg8[%get3A_440, %get3A_441] {strides = array<i32>} : memref<159x64xi32, #tpu.memory_space<vmem>>, vector<1x16xi32>,
          %get3A_443 = vector.shape_cast %get3A_442 : vector<1x16xi32> to vector<16xi32>
          %shift_right_logical3A_444 = arith.constant 16 : i32
          %shift_right_logical3A_445 = vector.broadcast %shift_right_logical3A_444 : i32 to vector<16xi32>
          %shift_right_logical3A_446 = arith.shrui %get3A_443, %shift_right_logical3A_445 : vector<16xi32>
          %swap3A_447 = arith.constant 0 : i32
          %swap3A_448 = arith.constant 0 : i32
          %swap3A_449 = arith.index_cast %swap3A_447 : i32 to index
          %swap3A_450 = arith.index_cast %swap3A_448 : i32 to index
          %swap3A_451 = arith.constant 16 : index
          %swap3A_452 = tpu.vector_load %arg9[%swap3A_449, %swap3A_450, %swap3A_451] {strides = array<i32>} : memref<3x2x64xi32, #tpu.memory_space<vmem>>, vector<1x1x16xi32>,
          %swap3A_453 = vector.shape_cast %swap3A_452 : vector<1x1x16xi32> to vector<16xi32>
          %swap3A_454 = vector.shape_cast %shift_right_logical3A_446 : vector<16xi32> to vector<1x1x16xi32>
          tpu.vector_store %arg9[%swap3A_449, %swap3A_450, %swap3A_451], %swap3A_454 {strides = array<i32>} : memref<3x2x64xi32, #tpu.memory_space<vmem>>, vector<1x1x16xi32>,
          %and3A_455 = arith.constant 65535 : i32
          %and3A_456 = vector.broadcast %and3A_455 : i32 to vector<16xi32>
          %and3A_457 = arith.andi %get3A_443, %and3A_456 : vector<16xi32>
          %swap3A_458 = arith.constant 0 : i32
          %swap3A_459 = arith.constant 1 : i32
          %swap3A_460 = arith.index_cast %swap3A_458 : i32 to index
          %swap3A_461 = arith.index_cast %swap3A_459 : i32 to index
          %swap3A_462 = arith.constant 16 : index
          %swap3A_463 = tpu.vector_load %arg9[%swap3A_460, %swap3A_461, %swap3A_462] {strides = array<i32>} : memref<3x2x64xi32, #tpu.memory_space<vmem>>, vector<1x1x16xi32>,
          %swap3A_464 = vector.shape_cast %swap3A_463 : vector<1x1x16xi32> to vector<16xi32>
          %swap3A_465 = vector.shape_cast %and3A_457 : vector<16xi32> to vector<1x1x16xi32>
          tpu.vector_store %arg9[%swap3A_460, %swap3A_461, %swap3A_462], %swap3A_465 {strides = array<i32>} : memref<3x2x64xi32, #tpu.memory_space<vmem>>, vector<1x1x16xi32>,
          %get3A_466 = arith.index_cast %add3A_413 : i32 to index
          %get3A_467 = arith.constant 32 : index
          %get3A_468 = tpu.vector_load %arg8[%get3A_466, %get3A_467] {strides = array<i32>} : memref<159x64xi32, #tpu.memory_space<vmem>>, vector<1x16xi32>,
          %get3A_469 = vector.shape_cast %get3A_468 : vector<1x16xi32> to vector<16xi32>
          %shift_right_logical3A_470 = arith.constant 16 : i32
          %shift_right_logical3A_471 = vector.broadcast %shift_right_logical3A_470 : i32 to vector<16xi32>
          %shift_right_logical3A_472 = arith.shrui %get3A_469, %shift_right_logical3A_471 : vector<16xi32>
          %swap3A_473 = arith.constant 0 : i32
          %swap3A_474 = arith.constant 0 : i32
          %swap3A_475 = arith.index_cast %swap3A_473 : i32 to index
          %swap3A_476 = arith.index_cast %swap3A_474 : i32 to index
          %swap3A_477 = arith.constant 32 : index
          %swap3A_478 = tpu.vector_load %arg9[%swap3A_475, %swap3A_476, %swap3A_477] {strides = array<i32>} : memref<3x2x64xi32, #tpu.memory_space<vmem>>, vector<1x1x16xi32>,
          %swap3A_479 = vector.shape_cast %swap3A_478 : vector<1x1x16xi32> to vector<16xi32>
          %swap3A_480 = vector.shape_cast %shift_right_logical3A_472 : vector<16xi32> to vector<1x1x16xi32>
          tpu.vector_store %arg9[%swap3A_475, %swap3A_476, %swap3A_477], %swap3A_480 {strides = array<i32>} : memref<3x2x64xi32, #tpu.memory_space<vmem>>, vector<1x1x16xi32>,
          %and3A_481 = arith.constant 65535 : i32
          %and3A_482 = vector.broadcast %and3A_481 : i32 to vector<16xi32>
          %and3A_483 = arith.andi %get3A_469, %and3A_482 : vector<16xi32>
          %swap3A_484 = arith.constant 0 : i32
          %swap3A_485 = arith.constant 1 : i32
          %swap3A_486 = arith.index_cast %swap3A_484 : i32 to index
          %swap3A_487 = arith.index_cast %swap3A_485 : i32 to index
          %swap3A_488 = arith.constant 32 : index
          %swap3A_489 = tpu.vector_load %arg9[%swap3A_486, %swap3A_487, %swap3A_488] {strides = array<i32>} : memref<3x2x64xi32, #tpu.memory_space<vmem>>, vector<1x1x16xi32>,
          %swap3A_490 = vector.shape_cast %swap3A_489 : vector<1x1x16xi32> to vector<16xi32>
          %swap3A_491 = vector.shape_cast %and3A_483 : vector<16xi32> to vector<1x1x16xi32>
          tpu.vector_store %arg9[%swap3A_486, %swap3A_487, %swap3A_488], %swap3A_491 {strides = array<i32>} : memref<3x2x64xi32, #tpu.memory_space<vmem>>, vector<1x1x16xi32>,
          %get3A_492 = arith.index_cast %add3A_413 : i32 to index
          %get3A_493 = arith.constant 48 : index
          %get3A_494 = tpu.vector_load %arg8[%get3A_492, %get3A_493] {strides = array<i32>} : memref<159x64xi32, #tpu.memory_space<vmem>>, vector<1x16xi32>,
          %get3A_495 = vector.shape_cast %get3A_494 : vector<1x16xi32> to vector<16xi32>
          %shift_right_logical3A_496 = arith.constant 16 : i32
          %shift_right_logical3A_497 = vector.broadcast %shift_right_logical3A_496 : i32 to vector<16xi32>
          %shift_right_logical3A_498 = arith.shrui %get3A_495, %shift_right_logical3A_497 : vector<16xi32>
          %swap3A_499 = arith.constant 0 : i32
          %swap3A_500 = arith.constant 0 : i32
          %swap3A_501 = arith.index_cast %swap3A_499 : i32 to index
          %swap3A_502 = arith.index_cast %swap3A_500 : i32 to index
          %swap3A_503 = arith.constant 48 : index
          %swap3A_504 = tpu.vector_load %arg9[%swap3A_501, %swap3A_502, %swap3A_503] {strides = array<i32>} : memref<3x2x64xi32, #tpu.memory_space<vmem>>, vector<1x1x16xi32>,
          %swap3A_505 = vector.shape_cast %swap3A_504 : vector<1x1x16xi32> to vector<16xi32>
          %swap3A_506 = vector.shape_cast %shift_right_logical3A_498 : vector<16xi32> to vector<1x1x16xi32>
          tpu.vector_store %arg9[%swap3A_501, %swap3A_502, %swap3A_503], %swap3A_506 {strides = array<i32>} : memref<3x2x64xi32, #tpu.memory_space<vmem>>, vector<1x1x16xi32>,
          %and3A_507 = arith.constant 65535 : i32
          %and3A_508 = vector.broadcast %and3A_507 : i32 to vector<16xi32>
          %and3A_509 = arith.andi %get3A_495, %and3A_508 : vector<16xi32>
          %swap3A_510 = arith.constant 0 : i32
          %swap3A_511 = arith.constant 1 : i32
          %swap3A_512 = arith.index_cast %swap3A_510 : i32 to index
          %swap3A_513 = arith.index_cast %swap3A_511 : i32 to index
          %swap3A_514 = arith.constant 48 : index
          %swap3A_515 = tpu.vector_load %arg9[%swap3A_512, %swap3A_513, %swap3A_514] {strides = array<i32>} : memref<3x2x64xi32, #tpu.memory_space<vmem>>, vector<1x1x16xi32>,
          %swap3A_516 = vector.shape_cast %swap3A_515 : vector<1x1x16xi32> to vector<16xi32>
          %swap3A_517 = vector.shape_cast %and3A_509 : vector<16xi32> to vector<1x1x16xi32>
          tpu.vector_store %arg9[%swap3A_512, %swap3A_513, %swap3A_514], %swap3A_517 {strides = array<i32>} : memref<3x2x64xi32, #tpu.memory_space<vmem>>, vector<1x1x16xi32>,
          %add3A_518 = arith.constant 2 : i32
          %add3A_519 = arith.addi %add3A_341, %add3A_518 : i32
          %dma_start3A_520 = arith.constant 0 : i32
          %dma_start3A_521 = arith.constant 0 : i32
          %dma_start3A_522 = arith.constant 0 : i32
          %dma_start3A_523 = tpu.memref_slice %arg9[%dma_start3A_520, %dma_start3A_521, %dma_start3A_522] : memref<3x2x64xi32, #tpu.memory_space<vmem>> -> memref<1x1x64xi32, #tpu.memory_space<vmem>>
          %dma_start3A_524 = tpu.memref_squeeze %dma_start3A_523 : memref<1x1x64xi32, #tpu.memory_space<vmem>> -> memref<64xi32, #tpu.memory_space<vmem>>
          %dma_start3A_525 = arith.constant 0 : i32
          %dma_start3A_526 = arith.constant 0 : i32
          %dma_start3A_527 = tpu.memref_slice %arg2[%dma_start3A_525, %dma_start3A_526] : memref<10000x144xf32, #tpu.memory_space<hbm>> -> memref<10000x144xf32, #tpu.memory_space<hbm>>
          tpu.enqueue_indirect_dma source(%dma_start3A_527 : memref<10000x144xf32, #tpu.memory_space<hbm>>) target(%arg10 : memref<64x144xf32, #tpu.memory_space<vmem>>) offsets(%dma_start3A_524 : memref<64xi32, #tpu.memory_space<vmem>>) semaphore(%arg13 : memref<!tpu.dma_semaphore, #tpu.memory_space<semaphore_mem>>)
        } else {
        }
        %mul3A_375 = arith.constant 3 : i32
        %mul3A_376 = arith.muli %mul3A_375, %scan3A_302 : i32
        %add3A_377 = arith.constant 2 : i32
        %add3A_378 = arith.addi %mul3A_376, %add3A_377 : i32
        %dma_wait3A_379 = arith.constant 2 : i32
        %dma_wait3A_380 = arith.constant 0 : i32
        %dma_wait3A_381 = arith.constant 0 : i32
        %dma_wait3A_382 = tpu.memref_slice %arg9[%dma_wait3A_379, %dma_wait3A_380, %dma_wait3A_381] : memref<3x2x64xi32, #tpu.memory_space<vmem>> -> memref<1x1x64xi32, #tpu.memory_space<vmem>>
        %dma_wait3A_383 = tpu.memref_squeeze %dma_wait3A_382 : memref<1x1x64xi32, #tpu.memory_space<vmem>> -> memref<64xi32, #tpu.memory_space<vmem>>
        %dma_wait3A_384 = arith.constant 0 : i32
        %dma_wait3A_385 = arith.constant 0 : i32
        %dma_wait3A_386 = tpu.memref_slice %arg2[%dma_wait3A_384, %dma_wait3A_385] : memref<10000x144xf32, #tpu.memory_space<hbm>> -> memref<10000x144xf32, #tpu.memory_space<hbm>>
        tpu.wait_indirect_dma semaphore(%arg15 : memref<!tpu.dma_semaphore, #tpu.memory_space<semaphore_mem>>) src(%dma_wait3A_386 : memref<10000x144xf32, #tpu.memory_space<hbm>>) dst(%arg12 : memref<64x144xf32, #tpu.memory_space<vmem>>)
        %dma_start3A_387 = arith.constant 2 : i32
        %dma_start3A_388 = arith.constant 1 : i32
        %dma_start3A_389 = arith.constant 0 : i32
        %dma_start3A_390 = tpu.memref_slice %arg9[%dma_start3A_387, %dma_start3A_388, %dma_start3A_389] : memref<3x2x64xi32, #tpu.memory_space<vmem>> -> memref<1x1x64xi32, #tpu.memory_space<vmem>>
        %dma_start3A_391 = tpu.memref_squeeze %dma_start3A_390 : memref<1x1x64xi32, #tpu.memory_space<vmem>> -> memref<64xi32, #tpu.memory_space<vmem>>
        %dma_start3A_392 = arith.constant 0 : i32
        %dma_start3A_393 = arith.constant 0 : i32
        %dma_start3A_394 = tpu.memref_slice %arg7[%dma_start3A_392, %dma_start3A_393] : memref<10016x144xf32, #tpu.memory_space<vmem_shared>> -> memref<10016x144xf32, #tpu.memory_space<vmem_shared>>
        tpu.enqueue_indirect_dma source(%arg12 : memref<64x144xf32, #tpu.memory_space<vmem>>) target(%dma_start3A_394 : memref<10016x144xf32, #tpu.memory_space<vmem_shared>>) offsets(%dma_start3A_391 : memref<64xi32, #tpu.memory_space<vmem>>) semaphore(%arg18 : memref<!tpu.dma_semaphore, #tpu.memory_space<semaphore_mem>>) {add = true}
        %ge3A_395 = arith.constant 1 : i32
        %ge3A_396 = arith.cmpi sge, %add3A_378, %ge3A_395 : i32
        %add3A_397 = arith.constant 2 : i32
        %add3A_398 = arith.addi %add3A_378, %add3A_397 : i32
        %lt3A_399 = arith.constant 159 : i32
        %lt3A_400 = arith.cmpi slt, %add3A_398, %lt3A_399 : i32
        %and3A_401 = arith.andi %ge3A_396, %lt3A_400 : i1
        %convert_element_type3A_402 = arith.extui %and3A_401 : i1 to i32
        %cond3A_403 = arith.constant 0 : i32
        %cond3A_404 = arith.cmpi ne, %convert_element_type3A_402, %cond3A_403 : i32
        scf.if %cond3A_404 {
          %dma_wait3A_412 = arith.constant 1 : i32
          %dma_wait3A_413 = arith.constant 1 : i32
          %dma_wait3A_414 = arith.constant 0 : i32
          %dma_wait3A_415 = tpu.memref_slice %arg9[%dma_wait3A_412, %dma_wait3A_413, %dma_wait3A_414] : memref<3x2x64xi32, #tpu.memory_space<vmem>> -> memref<1x1x64xi32, #tpu.memory_space<vmem>>
          %dma_wait3A_416 = tpu.memref_squeeze %dma_wait3A_415 : memref<1x1x64xi32, #tpu.memory_space<vmem>> -> memref<64xi32, #tpu.memory_space<vmem>>
          %dma_wait3A_417 = arith.constant 0 : i32
          %dma_wait3A_418 = arith.constant 0 : i32
          %dma_wait3A_419 = tpu.memref_slice %arg7[%dma_wait3A_417, %dma_wait3A_418] : memref<10016x144xf32, #tpu.memory_space<vmem_shared>> -> memref<10016x144xf32, #tpu.memory_space<vmem_shared>>
          tpu.wait_indirect_dma semaphore(%arg17 : memref<!tpu.dma_semaphore, #tpu.memory_space<semaphore_mem>>) src(%arg11 : memref<64x144xf32, #tpu.memory_space<vmem>>) dst(%dma_wait3A_419 : memref<10016x144xf32, #tpu.memory_space<vmem_shared>>)
        } else {
        }
        %add3A_405 = arith.constant 2 : i32
        %add3A_406 = arith.addi %add3A_378, %add3A_405 : i32
        %lt3A_407 = arith.constant 159 : i32
        %lt3A_408 = arith.cmpi slt, %add3A_406, %lt3A_407 : i32
        %convert_element_type3A_409 = arith.extui %lt3A_408 : i1 to i32
        %cond3A_410 = arith.constant 0 : i32
        %cond3A_411 = arith.cmpi ne, %convert_element_type3A_409, %cond3A_410 : i32
        scf.if %cond3A_411 {
          %add3A_412 = arith.constant 2 : i32
          %add3A_413 = arith.addi %add3A_378, %add3A_412 : i32
          %get3A_414 = arith.index_cast %add3A_413 : i32 to index
          %get3A_415 = arith.constant 0 : index
          %get3A_416 = tpu.vector_load %arg8[%get3A_414, %get3A_415] {strides = array<i32>} : memref<159x64xi32, #tpu.memory_space<vmem>>, vector<1x16xi32>,
          %get3A_417 = vector.shape_cast %get3A_416 : vector<1x16xi32> to vector<16xi32>
          %shift_right_logical3A_418 = arith.constant 16 : i32
          %shift_right_logical3A_419 = vector.broadcast %shift_right_logical3A_418 : i32 to vector<16xi32>
          %shift_right_logical3A_420 = arith.shrui %get3A_417, %shift_right_logical3A_419 : vector<16xi32>
          %swap3A_421 = arith.constant 1 : i32
          %swap3A_422 = arith.constant 0 : i32
          %swap3A_423 = arith.index_cast %swap3A_421 : i32 to index
          %swap3A_424 = arith.index_cast %swap3A_422 : i32 to index
          %swap3A_425 = arith.constant 0 : index
          %swap3A_426 = tpu.vector_load %arg9[%swap3A_423, %swap3A_424, %swap3A_425] {strides = array<i32>} : memref<3x2x64xi32, #tpu.memory_space<vmem>>, vector<1x1x16xi32>,
          %swap3A_427 = vector.shape_cast %swap3A_426 : vector<1x1x16xi32> to vector<16xi32>
          %swap3A_428 = vector.shape_cast %shift_right_logical3A_420 : vector<16xi32> to vector<1x1x16xi32>
          tpu.vector_store %arg9[%swap3A_423, %swap3A_424, %swap3A_425], %swap3A_428 {strides = array<i32>} : memref<3x2x64xi32, #tpu.memory_space<vmem>>, vector<1x1x16xi32>,
          %and3A_429 = arith.constant 65535 : i32
          %and3A_430 = vector.broadcast %and3A_429 : i32 to vector<16xi32>
          %and3A_431 = arith.andi %get3A_417, %and3A_430 : vector<16xi32>
          %swap3A_432 = arith.constant 1 : i32
          %swap3A_433 = arith.constant 1 : i32
          %swap3A_434 = arith.index_cast %swap3A_432 : i32 to index
          %swap3A_435 = arith.index_cast %swap3A_433 : i32 to index
          %swap3A_436 = arith.constant 0 : index
          %swap3A_437 = tpu.vector_load %arg9[%swap3A_434, %swap3A_435, %swap3A_436] {strides = array<i32>} : memref<3x2x64xi32, #tpu.memory_space<vmem>>, vector<1x1x16xi32>,
          %swap3A_438 = vector.shape_cast %swap3A_437 : vector<1x1x16xi32> to vector<16xi32>
          %swap3A_439 = vector.shape_cast %and3A_431 : vector<16xi32> to vector<1x1x16xi32>
          tpu.vector_store %arg9[%swap3A_434, %swap3A_435, %swap3A_436], %swap3A_439 {strides = array<i32>} : memref<3x2x64xi32, #tpu.memory_space<vmem>>, vector<1x1x16xi32>,
          %get3A_440 = arith.index_cast %add3A_413 : i32 to index
          %get3A_441 = arith.constant 16 : index
          %get3A_442 = tpu.vector_load %arg8[%get3A_440, %get3A_441] {strides = array<i32>} : memref<159x64xi32, #tpu.memory_space<vmem>>, vector<1x16xi32>,
          %get3A_443 = vector.shape_cast %get3A_442 : vector<1x16xi32> to vector<16xi32>
          %shift_right_logical3A_444 = arith.constant 16 : i32
          %shift_right_logical3A_445 = vector.broadcast %shift_right_logical3A_444 : i32 to vector<16xi32>
          %shift_right_logical3A_446 = arith.shrui %get3A_443, %shift_right_logical3A_445 : vector<16xi32>
          %swap3A_447 = arith.constant 1 : i32
          %swap3A_448 = arith.constant 0 : i32
          %swap3A_449 = arith.index_cast %swap3A_447 : i32 to index
          %swap3A_450 = arith.index_cast %swap3A_448 : i32 to index
          %swap3A_451 = arith.constant 16 : index
          %swap3A_452 = tpu.vector_load %arg9[%swap3A_449, %swap3A_450, %swap3A_451] {strides = array<i32>} : memref<3x2x64xi32, #tpu.memory_space<vmem>>, vector<1x1x16xi32>,
          %swap3A_453 = vector.shape_cast %swap3A_452 : vector<1x1x16xi32> to vector<16xi32>
          %swap3A_454 = vector.shape_cast %shift_right_logical3A_446 : vector<16xi32> to vector<1x1x16xi32>
          tpu.vector_store %arg9[%swap3A_449, %swap3A_450, %swap3A_451], %swap3A_454 {strides = array<i32>} : memref<3x2x64xi32, #tpu.memory_space<vmem>>, vector<1x1x16xi32>,
          %and3A_455 = arith.constant 65535 : i32
          %and3A_456 = vector.broadcast %and3A_455 : i32 to vector<16xi32>
          %and3A_457 = arith.andi %get3A_443, %and3A_456 : vector<16xi32>
          %swap3A_458 = arith.constant 1 : i32
          %swap3A_459 = arith.constant 1 : i32
          %swap3A_460 = arith.index_cast %swap3A_458 : i32 to index
          %swap3A_461 = arith.index_cast %swap3A_459 : i32 to index
          %swap3A_462 = arith.constant 16 : index
          %swap3A_463 = tpu.vector_load %arg9[%swap3A_460, %swap3A_461, %swap3A_462] {strides = array<i32>} : memref<3x2x64xi32, #tpu.memory_space<vmem>>, vector<1x1x16xi32>,
          %swap3A_464 = vector.shape_cast %swap3A_463 : vector<1x1x16xi32> to vector<16xi32>
          %swap3A_465 = vector.shape_cast %and3A_457 : vector<16xi32> to vector<1x1x16xi32>
          tpu.vector_store %arg9[%swap3A_460, %swap3A_461, %swap3A_462], %swap3A_465 {strides = array<i32>} : memref<3x2x64xi32, #tpu.memory_space<vmem>>, vector<1x1x16xi32>,
          %get3A_466 = arith.index_cast %add3A_413 : i32 to index
          %get3A_467 = arith.constant 32 : index
          %get3A_468 = tpu.vector_load %arg8[%get3A_466, %get3A_467] {strides = array<i32>} : memref<159x64xi32, #tpu.memory_space<vmem>>, vector<1x16xi32>,
          %get3A_469 = vector.shape_cast %get3A_468 : vector<1x16xi32> to vector<16xi32>
          %shift_right_logical3A_470 = arith.constant 16 : i32
          %shift_right_logical3A_471 = vector.broadcast %shift_right_logical3A_470 : i32 to vector<16xi32>
          %shift_right_logical3A_472 = arith.shrui %get3A_469, %shift_right_logical3A_471 : vector<16xi32>
          %swap3A_473 = arith.constant 1 : i32
          %swap3A_474 = arith.constant 0 : i32
          %swap3A_475 = arith.index_cast %swap3A_473 : i32 to index
          %swap3A_476 = arith.index_cast %swap3A_474 : i32 to index
          %swap3A_477 = arith.constant 32 : index
          %swap3A_478 = tpu.vector_load %arg9[%swap3A_475, %swap3A_476, %swap3A_477] {strides = array<i32>} : memref<3x2x64xi32, #tpu.memory_space<vmem>>, vector<1x1x16xi32>,
          %swap3A_479 = vector.shape_cast %swap3A_478 : vector<1x1x16xi32> to vector<16xi32>
          %swap3A_480 = vector.shape_cast %shift_right_logical3A_472 : vector<16xi32> to vector<1x1x16xi32>
          tpu.vector_store %arg9[%swap3A_475, %swap3A_476, %swap3A_477], %swap3A_480 {strides = array<i32>} : memref<3x2x64xi32, #tpu.memory_space<vmem>>, vector<1x1x16xi32>,
          %and3A_481 = arith.constant 65535 : i32
          %and3A_482 = vector.broadcast %and3A_481 : i32 to vector<16xi32>
          %and3A_483 = arith.andi %get3A_469, %and3A_482 : vector<16xi32>
          %swap3A_484 = arith.constant 1 : i32
          %swap3A_485 = arith.constant 1 : i32
          %swap3A_486 = arith.index_cast %swap3A_484 : i32 to index
          %swap3A_487 = arith.index_cast %swap3A_485 : i32 to index
          %swap3A_488 = arith.constant 32 : index
          %swap3A_489 = tpu.vector_load %arg9[%swap3A_486, %swap3A_487, %swap3A_488] {strides = array<i32>} : memref<3x2x64xi32, #tpu.memory_space<vmem>>, vector<1x1x16xi32>,
          %swap3A_490 = vector.shape_cast %swap3A_489 : vector<1x1x16xi32> to vector<16xi32>
          %swap3A_491 = vector.shape_cast %and3A_483 : vector<16xi32> to vector<1x1x16xi32>
          tpu.vector_store %arg9[%swap3A_486, %swap3A_487, %swap3A_488], %swap3A_491 {strides = array<i32>} : memref<3x2x64xi32, #tpu.memory_space<vmem>>, vector<1x1x16xi32>,
          %get3A_492 = arith.index_cast %add3A_413 : i32 to index
          %get3A_493 = arith.constant 48 : index
          %get3A_494 = tpu.vector_load %arg8[%get3A_492, %get3A_493] {strides = array<i32>} : memref<159x64xi32, #tpu.memory_space<vmem>>, vector<1x16xi32>,
          %get3A_495 = vector.shape_cast %get3A_494 : vector<1x16xi32> to vector<16xi32>
          %shift_right_logical3A_496 = arith.constant 16 : i32
          %shift_right_logical3A_497 = vector.broadcast %shift_right_logical3A_496 : i32 to vector<16xi32>
          %shift_right_logical3A_498 = arith.shrui %get3A_495, %shift_right_logical3A_497 : vector<16xi32>
          %swap3A_499 = arith.constant 1 : i32
          %swap3A_500 = arith.constant 0 : i32
          %swap3A_501 = arith.index_cast %swap3A_499 : i32 to index
          %swap3A_502 = arith.index_cast %swap3A_500 : i32 to index
          %swap3A_503 = arith.constant 48 : index
          %swap3A_504 = tpu.vector_load %arg9[%swap3A_501, %swap3A_502, %swap3A_503] {strides = array<i32>} : memref<3x2x64xi32, #tpu.memory_space<vmem>>, vector<1x1x16xi32>,
          %swap3A_505 = vector.shape_cast %swap3A_504 : vector<1x1x16xi32> to vector<16xi32>
          %swap3A_506 = vector.shape_cast %shift_right_logical3A_498 : vector<16xi32> to vector<1x1x16xi32>
          tpu.vector_store %arg9[%swap3A_501, %swap3A_502, %swap3A_503], %swap3A_506 {strides = array<i32>} : memref<3x2x64xi32, #tpu.memory_space<vmem>>, vector<1x1x16xi32>,
          %and3A_507 = arith.constant 65535 : i32
          %and3A_508 = vector.broadcast %and3A_507 : i32 to vector<16xi32>
          %and3A_509 = arith.andi %get3A_495, %and3A_508 : vector<16xi32>
          %swap3A_510 = arith.constant 1 : i32
          %swap3A_511 = arith.constant 1 : i32
          %swap3A_512 = arith.index_cast %swap3A_510 : i32 to index
          %swap3A_513 = arith.index_cast %swap3A_511 : i32 to index
          %swap3A_514 = arith.constant 48 : index
          %swap3A_515 = tpu.vector_load %arg9[%swap3A_512, %swap3A_513, %swap3A_514] {strides = array<i32>} : memref<3x2x64xi32, #tpu.memory_space<vmem>>, vector<1x1x16xi32>,
          %swap3A_516 = vector.shape_cast %swap3A_515 : vector<1x1x16xi32> to vector<16xi32>
          %swap3A_517 = vector.shape_cast %and3A_509 : vector<16xi32> to vector<1x1x16xi32>
          tpu.vector_store %arg9[%swap3A_512, %swap3A_513, %swap3A_514], %swap3A_517 {strides = array<i32>} : memref<3x2x64xi32, #tpu.memory_space<vmem>>, vector<1x1x16xi32>,
          %add3A_518 = arith.constant 2 : i32
          %add3A_519 = arith.addi %add3A_378, %add3A_518 : i32
          %dma_start3A_520 = arith.constant 1 : i32
          %dma_start3A_521 = arith.constant 0 : i32
          %dma_start3A_522 = arith.constant 0 : i32
          %dma_start3A_523 = tpu.memref_slice %arg9[%dma_start3A_520, %dma_start3A_521, %dma_start3A_522] : memref<3x2x64xi32, #tpu.memory_space<vmem>> -> memref<1x1x64xi32, #tpu.memory_space<vmem>>
          %dma_start3A_524 = tpu.memref_squeeze %dma_start3A_523 : memref<1x1x64xi32, #tpu.memory_space<vmem>> -> memref<64xi32, #tpu.memory_space<vmem>>
          %dma_start3A_525 = arith.constant 0 : i32
          %dma_start3A_526 = arith.constant 0 : i32
          %dma_start3A_527 = tpu.memref_slice %arg2[%dma_start3A_525, %dma_start3A_526] : memref<10000x144xf32, #tpu.memory_space<hbm>> -> memref<10000x144xf32, #tpu.memory_space<hbm>>
          tpu.enqueue_indirect_dma source(%dma_start3A_527 : memref<10000x144xf32, #tpu.memory_space<hbm>>) target(%arg11 : memref<64x144xf32, #tpu.memory_space<vmem>>) offsets(%dma_start3A_524 : memref<64xi32, #tpu.memory_space<vmem>>) semaphore(%arg14 : memref<!tpu.dma_semaphore, #tpu.memory_space<semaphore_mem>>)
        } else {
        }
      }
      %scan3A_278 = arith.constant 53 : i32
      %dma_wait3A = arith.constant 0 : i32
      %dma_wait3A_279 = arith.constant 1 : i32
      %dma_wait3A_280 = arith.constant 0 : i32
      %dma_wait3A_281 = tpu.memref_slice %arg9[%dma_wait3A, %dma_wait3A_279, %dma_wait3A_280] : memref<3x2x64xi32, #tpu.memory_space<vmem>> -> memref<1x1x64xi32, #tpu.memory_space<vmem>>
      %dma_wait3A_282 = tpu.memref_squeeze %dma_wait3A_281 : memref<1x1x64xi32, #tpu.memory_space<vmem>> -> memref<64xi32, #tpu.memory_space<vmem>>
      %dma_wait3A_283 = arith.constant 0 : i32
      %dma_wait3A_284 = arith.constant 0 : i32
      %dma_wait3A_285 = tpu.memref_slice %arg7[%dma_wait3A_283, %dma_wait3A_284] : memref<10016x144xf32, #tpu.memory_space<vmem_shared>> -> memref<10016x144xf32, #tpu.memory_space<vmem_shared>>
      tpu.wait_indirect_dma semaphore(%arg16 : memref<!tpu.dma_semaphore, #tpu.memory_space<semaphore_mem>>) src(%arg10 : memref<64x144xf32, #tpu.memory_space<vmem>>) dst(%dma_wait3A_285 : memref<10016x144xf32, #tpu.memory_space<vmem_shared>>)
      %dma_wait3A_286 = arith.constant 1 : i32
      %dma_wait3A_287 = arith.constant 1 : i32
      %dma_wait3A_288 = arith.constant 0 : i32
      %dma_wait3A_289 = tpu.memref_slice %arg9[%dma_wait3A_286, %dma_wait3A_287, %dma_wait3A_288] : memref<3x2x64xi32, #tpu.memory_space<vmem>> -> memref<1x1x64xi32, #tpu.memory_space<vmem>>
      %dma_wait3A_290 = tpu.memref_squeeze %dma_wait3A_289 : memref<1x1x64xi32, #tpu.memory_space<vmem>> -> memref<64xi32, #tpu.memory_space<vmem>>
      %dma_wait3A_291 = arith.constant 0 : i32
      %dma_wait3A_292 = arith.constant 0 : i32
      %dma_wait3A_293 = tpu.memref_slice %arg7[%dma_wait3A_291, %dma_wait3A_292] : memref<10016x144xf32, #tpu.memory_space<vmem_shared>> -> memref<10016x144xf32, #tpu.memory_space<vmem_shared>>
      tpu.wait_indirect_dma semaphore(%arg17 : memref<!tpu.dma_semaphore, #tpu.memory_space<semaphore_mem>>) src(%arg11 : memref<64x144xf32, #tpu.memory_space<vmem>>) dst(%dma_wait3A_293 : memref<10016x144xf32, #tpu.memory_space<vmem_shared>>)
      %dma_wait3A_294 = arith.constant 2 : i32
      %dma_wait3A_295 = arith.constant 1 : i32
      %dma_wait3A_296 = arith.constant 0 : i32
      %dma_wait3A_297 = tpu.memref_slice %arg9[%dma_wait3A_294, %dma_wait3A_295, %dma_wait3A_296] : memref<3x2x64xi32, #tpu.memory_space<vmem>> -> memref<1x1x64xi32, #tpu.memory_space<vmem>>
      %dma_wait3A_298 = tpu.memref_squeeze %dma_wait3A_297 : memref<1x1x64xi32, #tpu.memory_space<vmem>> -> memref<64xi32, #tpu.memory_space<vmem>>
      %dma_wait3A_299 = arith.constant 0 : i32
      %dma_wait3A_300 = arith.constant 0 : i32
      %dma_wait3A_301 = tpu.memref_slice %arg7[%dma_wait3A_299, %dma_wait3A_300] : memref<10016x144xf32, #tpu.memory_space<vmem_shared>> -> memref<10016x144xf32, #tpu.memory_space<vmem_shared>>
      tpu.wait_indirect_dma semaphore(%arg18 : memref<!tpu.dma_semaphore, #tpu.memory_space<semaphore_mem>>) src(%arg12 : memref<64x144xf32, #tpu.memory_space<vmem>>) dst(%dma_wait3A_301 : memref<10016x144xf32, #tpu.memory_space<vmem_shared>>)
    } else {
    }
    %eq3A_30 = arith.constant 1 : i32
    %eq3A_31 = arith.cmpi eq, %arg0, %eq3A_30 : i32
    %convert_element_type3A_32 = arith.extui %eq3A_31 : i1 to i32
    %cond3A_33 = arith.constant 0 : i32
    %cond3A_34 = arith.cmpi ne, %convert_element_type3A_32, %cond3A_33 : i32
    scf.if %cond3A_34 {
      %get3A = arith.constant 0 : i32
      %get3A_46 = arith.index_cast %get3A : i32 to index
      %get3A_47 = arith.constant 0 : index
      %get3A_48 = tpu.vector_load %arg8[%get3A_46, %get3A_47] {strides = array<i32>} : memref<159x64xi32, #tpu.memory_space<vmem>>, vector<1x16xi32>,
      %get3A_49 = vector.shape_cast %get3A_48 : vector<1x16xi32> to vector<16xi32>
      %shift_right_logical3A = arith.constant 16 : i32
      %shift_right_logical3A_50 = vector.broadcast %shift_right_logical3A : i32 to vector<16xi32>
      %shift_right_logical3A_51 = arith.shrui %get3A_49, %shift_right_logical3A_50 : vector<16xi32>
      %swap3A = arith.constant 0 : i32
      %swap3A_52 = arith.constant 0 : i32
      %swap3A_53 = arith.index_cast %swap3A : i32 to index
      %swap3A_54 = arith.index_cast %swap3A_52 : i32 to index
      %swap3A_55 = arith.constant 0 : index
      %swap3A_56 = tpu.vector_load %arg9[%swap3A_53, %swap3A_54, %swap3A_55] {strides = array<i32>} : memref<3x2x64xi32, #tpu.memory_space<vmem>>, vector<1x1x16xi32>,
      %swap3A_57 = vector.shape_cast %swap3A_56 : vector<1x1x16xi32> to vector<16xi32>
      %swap3A_58 = vector.shape_cast %shift_right_logical3A_51 : vector<16xi32> to vector<1x1x16xi32>
      tpu.vector_store %arg9[%swap3A_53, %swap3A_54, %swap3A_55], %swap3A_58 {strides = array<i32>} : memref<3x2x64xi32, #tpu.memory_space<vmem>>, vector<1x1x16xi32>,
      %and3A = arith.constant 65535 : i32
      %and3A_59 = vector.broadcast %and3A : i32 to vector<16xi32>
      %and3A_60 = arith.andi %get3A_49, %and3A_59 : vector<16xi32>
      %swap3A_61 = arith.constant 0 : i32
      %swap3A_62 = arith.constant 1 : i32
      %swap3A_63 = arith.index_cast %swap3A_61 : i32 to index
      %swap3A_64 = arith.index_cast %swap3A_62 : i32 to index
      %swap3A_65 = arith.constant 0 : index
      %swap3A_66 = tpu.vector_load %arg9[%swap3A_63, %swap3A_64, %swap3A_65] {strides = array<i32>} : memref<3x2x64xi32, #tpu.memory_space<vmem>>, vector<1x1x16xi32>,
      %swap3A_67 = vector.shape_cast %swap3A_66 : vector<1x1x16xi32> to vector<16xi32>
      %swap3A_68 = vector.shape_cast %and3A_60 : vector<16xi32> to vector<1x1x16xi32>
      tpu.vector_store %arg9[%swap3A_63, %swap3A_64, %swap3A_65], %swap3A_68 {strides = array<i32>} : memref<3x2x64xi32, #tpu.memory_space<vmem>>, vector<1x1x16xi32>,
      %get3A_69 = arith.constant 0 : i32
      %get3A_70 = arith.index_cast %get3A_69 : i32 to index
      %get3A_71 = arith.constant 16 : index
      %get3A_72 = tpu.vector_load %arg8[%get3A_70, %get3A_71] {strides = array<i32>} : memref<159x64xi32, #tpu.memory_space<vmem>>, vector<1x16xi32>,
      %get3A_73 = vector.shape_cast %get3A_72 : vector<1x16xi32> to vector<16xi32>
      %shift_right_logical3A_74 = arith.constant 16 : i32
      %shift_right_logical3A_75 = vector.broadcast %shift_right_logical3A_74 : i32 to vector<16xi32>
      %shift_right_logical3A_76 = arith.shrui %get3A_73, %shift_right_logical3A_75 : vector<16xi32>
      %swap3A_77 = arith.constant 0 : i32
      %swap3A_78 = arith.constant 0 : i32
      %swap3A_79 = arith.index_cast %swap3A_77 : i32 to index
      %swap3A_80 = arith.index_cast %swap3A_78 : i32 to index
      %swap3A_81 = arith.constant 16 : index
      %swap3A_82 = tpu.vector_load %arg9[%swap3A_79, %swap3A_80, %swap3A_81] {strides = array<i32>} : memref<3x2x64xi32, #tpu.memory_space<vmem>>, vector<1x1x16xi32>,
      %swap3A_83 = vector.shape_cast %swap3A_82 : vector<1x1x16xi32> to vector<16xi32>
      %swap3A_84 = vector.shape_cast %shift_right_logical3A_76 : vector<16xi32> to vector<1x1x16xi32>
      tpu.vector_store %arg9[%swap3A_79, %swap3A_80, %swap3A_81], %swap3A_84 {strides = array<i32>} : memref<3x2x64xi32, #tpu.memory_space<vmem>>, vector<1x1x16xi32>,
      %and3A_85 = arith.constant 65535 : i32
      %and3A_86 = vector.broadcast %and3A_85 : i32 to vector<16xi32>
      %and3A_87 = arith.andi %get3A_73, %and3A_86 : vector<16xi32>
      %swap3A_88 = arith.constant 0 : i32
      %swap3A_89 = arith.constant 1 : i32
      %swap3A_90 = arith.index_cast %swap3A_88 : i32 to index
      %swap3A_91 = arith.index_cast %swap3A_89 : i32 to index
      %swap3A_92 = arith.constant 16 : index
      %swap3A_93 = tpu.vector_load %arg9[%swap3A_90, %swap3A_91, %swap3A_92] {strides = array<i32>} : memref<3x2x64xi32, #tpu.memory_space<vmem>>, vector<1x1x16xi32>,
      %swap3A_94 = vector.shape_cast %swap3A_93 : vector<1x1x16xi32> to vector<16xi32>
      %swap3A_95 = vector.shape_cast %and3A_87 : vector<16xi32> to vector<1x1x16xi32>
      tpu.vector_store %arg9[%swap3A_90, %swap3A_91, %swap3A_92], %swap3A_95 {strides = array<i32>} : memref<3x2x64xi32, #tpu.memory_space<vmem>>, vector<1x1x16xi32>,
      %get3A_96 = arith.constant 0 : i32
      %get3A_97 = arith.index_cast %get3A_96 : i32 to index
      %get3A_98 = arith.constant 32 : index
      %get3A_99 = tpu.vector_load %arg8[%get3A_97, %get3A_98] {strides = array<i32>} : memref<159x64xi32, #tpu.memory_space<vmem>>, vector<1x16xi32>,
      %get3A_100 = vector.shape_cast %get3A_99 : vector<1x16xi32> to vector<16xi32>
      %shift_right_logical3A_101 = arith.constant 16 : i32
      %shift_right_logical3A_102 = vector.broadcast %shift_right_logical3A_101 : i32 to vector<16xi32>
      %shift_right_logical3A_103 = arith.shrui %get3A_100, %shift_right_logical3A_102 : vector<16xi32>
      %swap3A_104 = arith.constant 0 : i32
      %swap3A_105 = arith.constant 0 : i32
      %swap3A_106 = arith.index_cast %swap3A_104 : i32 to index
      %swap3A_107 = arith.index_cast %swap3A_105 : i32 to index
      %swap3A_108 = arith.constant 32 : index
      %swap3A_109 = tpu.vector_load %arg9[%swap3A_106, %swap3A_107, %swap3A_108] {strides = array<i32>} : memref<3x2x64xi32, #tpu.memory_space<vmem>>, vector<1x1x16xi32>,
      %swap3A_110 = vector.shape_cast %swap3A_109 : vector<1x1x16xi32> to vector<16xi32>
      %swap3A_111 = vector.shape_cast %shift_right_logical3A_103 : vector<16xi32> to vector<1x1x16xi32>
      tpu.vector_store %arg9[%swap3A_106, %swap3A_107, %swap3A_108], %swap3A_111 {strides = array<i32>} : memref<3x2x64xi32, #tpu.memory_space<vmem>>, vector<1x1x16xi32>,
      %and3A_112 = arith.constant 65535 : i32
      %and3A_113 = vector.broadcast %and3A_112 : i32 to vector<16xi32>
      %and3A_114 = arith.andi %get3A_100, %and3A_113 : vector<16xi32>
      %swap3A_115 = arith.constant 0 : i32
      %swap3A_116 = arith.constant 1 : i32
      %swap3A_117 = arith.index_cast %swap3A_115 : i32 to index
      %swap3A_118 = arith.index_cast %swap3A_116 : i32 to index
      %swap3A_119 = arith.constant 32 : index
      %swap3A_120 = tpu.vector_load %arg9[%swap3A_117, %swap3A_118, %swap3A_119] {strides = array<i32>} : memref<3x2x64xi32, #tpu.memory_space<vmem>>, vector<1x1x16xi32>,
      %swap3A_121 = vector.shape_cast %swap3A_120 : vector<1x1x16xi32> to vector<16xi32>
      %swap3A_122 = vector.shape_cast %and3A_114 : vector<16xi32> to vector<1x1x16xi32>
      tpu.vector_store %arg9[%swap3A_117, %swap3A_118, %swap3A_119], %swap3A_122 {strides = array<i32>} : memref<3x2x64xi32, #tpu.memory_space<vmem>>, vector<1x1x16xi32>,
      %get3A_123 = arith.constant 0 : i32
      %get3A_124 = arith.index_cast %get3A_123 : i32 to index
      %get3A_125 = arith.constant 48 : index
      %get3A_126 = tpu.vector_load %arg8[%get3A_124, %get3A_125] {strides = array<i32>} : memref<159x64xi32, #tpu.memory_space<vmem>>, vector<1x16xi32>,
      %get3A_127 = vector.shape_cast %get3A_126 : vector<1x16xi32> to vector<16xi32>
      %shift_right_logical3A_128 = arith.constant 16 : i32
      %shift_right_logical3A_129 = vector.broadcast %shift_right_logical3A_128 : i32 to vector<16xi32>
      %shift_right_logical3A_130 = arith.shrui %get3A_127, %shift_right_logical3A_129 : vector<16xi32>
      %swap3A_131 = arith.constant 0 : i32
      %swap3A_132 = arith.constant 0 : i32
      %swap3A_133 = arith.index_cast %swap3A_131 : i32 to index
      %swap3A_134 = arith.index_cast %swap3A_132 : i32 to index
      %swap3A_135 = arith.constant 48 : index
      %swap3A_136 = tpu.vector_load %arg9[%swap3A_133, %swap3A_134, %swap3A_135] {strides = array<i32>} : memref<3x2x64xi32, #tpu.memory_space<vmem>>, vector<1x1x16xi32>,
      %swap3A_137 = vector.shape_cast %swap3A_136 : vector<1x1x16xi32> to vector<16xi32>
      %swap3A_138 = vector.shape_cast %shift_right_logical3A_130 : vector<16xi32> to vector<1x1x16xi32>
      tpu.vector_store %arg9[%swap3A_133, %swap3A_134, %swap3A_135], %swap3A_138 {strides = array<i32>} : memref<3x2x64xi32, #tpu.memory_space<vmem>>, vector<1x1x16xi32>,
      %and3A_139 = arith.constant 65535 : i32
      %and3A_140 = vector.broadcast %and3A_139 : i32 to vector<16xi32>
      %and3A_141 = arith.andi %get3A_127, %and3A_140 : vector<16xi32>
      %swap3A_142 = arith.constant 0 : i32
      %swap3A_143 = arith.constant 1 : i32
      %swap3A_144 = arith.index_cast %swap3A_142 : i32 to index
      %swap3A_145 = arith.index_cast %swap3A_143 : i32 to index
      %swap3A_146 = arith.constant 48 : index
      %swap3A_147 = tpu.vector_load %arg9[%swap3A_144, %swap3A_145, %swap3A_146] {strides = array<i32>} : memref<3x2x64xi32, #tpu.memory_space<vmem>>, vector<1x1x16xi32>,
      %swap3A_148 = vector.shape_cast %swap3A_147 : vector<1x1x16xi32> to vector<16xi32>
      %swap3A_149 = vector.shape_cast %and3A_141 : vector<16xi32> to vector<1x1x16xi32>
      tpu.vector_store %arg9[%swap3A_144, %swap3A_145, %swap3A_146], %swap3A_149 {strides = array<i32>} : memref<3x2x64xi32, #tpu.memory_space<vmem>>, vector<1x1x16xi32>,
      %get3A_150 = arith.constant 1 : i32
      %get3A_151 = arith.index_cast %get3A_150 : i32 to index
      %get3A_152 = arith.constant 0 : index
      %get3A_153 = tpu.vector_load %arg8[%get3A_151, %get3A_152] {strides = array<i32>} : memref<159x64xi32, #tpu.memory_space<vmem>>, vector<1x16xi32>,
      %get3A_154 = vector.shape_cast %get3A_153 : vector<1x16xi32> to vector<16xi32>
      %shift_right_logical3A_155 = arith.constant 16 : i32
      %shift_right_logical3A_156 = vector.broadcast %shift_right_logical3A_155 : i32 to vector<16xi32>
      %shift_right_logical3A_157 = arith.shrui %get3A_154, %shift_right_logical3A_156 : vector<16xi32>
      %swap3A_158 = arith.constant 1 : i32
      %swap3A_159 = arith.constant 0 : i32
      %swap3A_160 = arith.index_cast %swap3A_158 : i32 to index
      %swap3A_161 = arith.index_cast %swap3A_159 : i32 to index
      %swap3A_162 = arith.constant 0 : index
      %swap3A_163 = tpu.vector_load %arg9[%swap3A_160, %swap3A_161, %swap3A_162] {strides = array<i32>} : memref<3x2x64xi32, #tpu.memory_space<vmem>>, vector<1x1x16xi32>,
      %swap3A_164 = vector.shape_cast %swap3A_163 : vector<1x1x16xi32> to vector<16xi32>
      %swap3A_165 = vector.shape_cast %shift_right_logical3A_157 : vector<16xi32> to vector<1x1x16xi32>
      tpu.vector_store %arg9[%swap3A_160, %swap3A_161, %swap3A_162], %swap3A_165 {strides = array<i32>} : memref<3x2x64xi32, #tpu.memory_space<vmem>>, vector<1x1x16xi32>,
      %and3A_166 = arith.constant 65535 : i32
      %and3A_167 = vector.broadcast %and3A_166 : i32 to vector<16xi32>
      %and3A_168 = arith.andi %get3A_154, %and3A_167 : vector<16xi32>
      %swap3A_169 = arith.constant 1 : i32
      %swap3A_170 = arith.constant 1 : i32
      %swap3A_171 = arith.index_cast %swap3A_169 : i32 to index
      %swap3A_172 = arith.index_cast %swap3A_170 : i32 to index
      %swap3A_173 = arith.constant 0 : index
      %swap3A_174 = tpu.vector_load %arg9[%swap3A_171, %swap3A_172, %swap3A_173] {strides = array<i32>} : memref<3x2x64xi32, #tpu.memory_space<vmem>>, vector<1x1x16xi32>,
      %swap3A_175 = vector.shape_cast %swap3A_174 : vector<1x1x16xi32> to vector<16xi32>
      %swap3A_176 = vector.shape_cast %and3A_168 : vector<16xi32> to vector<1x1x16xi32>
      tpu.vector_store %arg9[%swap3A_171, %swap3A_172, %swap3A_173], %swap3A_176 {strides = array<i32>} : memref<3x2x64xi32, #tpu.memory_space<vmem>>, vector<1x1x16xi32>,
      %get3A_177 = arith.constant 1 : i32
      %get3A_178 = arith.index_cast %get3A_177 : i32 to index
      %get3A_179 = arith.constant 16 : index
      %get3A_180 = tpu.vector_load %arg8[%get3A_178, %get3A_179] {strides = array<i32>} : memref<159x64xi32, #tpu.memory_space<vmem>>, vector<1x16xi32>,
      %get3A_181 = vector.shape_cast %get3A_180 : vector<1x16xi32> to vector<16xi32>
      %shift_right_logical3A_182 = arith.constant 16 : i32
      %shift_right_logical3A_183 = vector.broadcast %shift_right_logical3A_182 : i32 to vector<16xi32>
      %shift_right_logical3A_184 = arith.shrui %get3A_181, %shift_right_logical3A_183 : vector<16xi32>
      %swap3A_185 = arith.constant 1 : i32
      %swap3A_186 = arith.constant 0 : i32
      %swap3A_187 = arith.index_cast %swap3A_185 : i32 to index
      %swap3A_188 = arith.index_cast %swap3A_186 : i32 to index
      %swap3A_189 = arith.constant 16 : index
      %swap3A_190 = tpu.vector_load %arg9[%swap3A_187, %swap3A_188, %swap3A_189] {strides = array<i32>} : memref<3x2x64xi32, #tpu.memory_space<vmem>>, vector<1x1x16xi32>,
      %swap3A_191 = vector.shape_cast %swap3A_190 : vector<1x1x16xi32> to vector<16xi32>
      %swap3A_192 = vector.shape_cast %shift_right_logical3A_184 : vector<16xi32> to vector<1x1x16xi32>
      tpu.vector_store %arg9[%swap3A_187, %swap3A_188, %swap3A_189], %swap3A_192 {strides = array<i32>} : memref<3x2x64xi32, #tpu.memory_space<vmem>>, vector<1x1x16xi32>,
      %and3A_193 = arith.constant 65535 : i32
      %and3A_194 = vector.broadcast %and3A_193 : i32 to vector<16xi32>
      %and3A_195 = arith.andi %get3A_181, %and3A_194 : vector<16xi32>
      %swap3A_196 = arith.constant 1 : i32
      %swap3A_197 = arith.constant 1 : i32
      %swap3A_198 = arith.index_cast %swap3A_196 : i32 to index
      %swap3A_199 = arith.index_cast %swap3A_197 : i32 to index
      %swap3A_200 = arith.constant 16 : index
      %swap3A_201 = tpu.vector_load %arg9[%swap3A_198, %swap3A_199, %swap3A_200] {strides = array<i32>} : memref<3x2x64xi32, #tpu.memory_space<vmem>>, vector<1x1x16xi32>,
      %swap3A_202 = vector.shape_cast %swap3A_201 : vector<1x1x16xi32> to vector<16xi32>
      %swap3A_203 = vector.shape_cast %and3A_195 : vector<16xi32> to vector<1x1x16xi32>
      tpu.vector_store %arg9[%swap3A_198, %swap3A_199, %swap3A_200], %swap3A_203 {strides = array<i32>} : memref<3x2x64xi32, #tpu.memory_space<vmem>>, vector<1x1x16xi32>,
      %get3A_204 = arith.constant 1 : i32
      %get3A_205 = arith.index_cast %get3A_204 : i32 to index
      %get3A_206 = arith.constant 32 : index
      %get3A_207 = tpu.vector_load %arg8[%get3A_205, %get3A_206] {strides = array<i32>} : memref<159x64xi32, #tpu.memory_space<vmem>>, vector<1x16xi32>,
      %get3A_208 = vector.shape_cast %get3A_207 : vector<1x16xi32> to vector<16xi32>
      %shift_right_logical3A_209 = arith.constant 16 : i32
      %shift_right_logical3A_210 = vector.broadcast %shift_right_logical3A_209 : i32 to vector<16xi32>
      %shift_right_logical3A_211 = arith.shrui %get3A_208, %shift_right_logical3A_210 : vector<16xi32>
      %swap3A_212 = arith.constant 1 : i32
      %swap3A_213 = arith.constant 0 : i32
      %swap3A_214 = arith.index_cast %swap3A_212 : i32 to index
      %swap3A_215 = arith.index_cast %swap3A_213 : i32 to index
      %swap3A_216 = arith.constant 32 : index
      %swap3A_217 = tpu.vector_load %arg9[%swap3A_214, %swap3A_215, %swap3A_216] {strides = array<i32>} : memref<3x2x64xi32, #tpu.memory_space<vmem>>, vector<1x1x16xi32>,
      %swap3A_218 = vector.shape_cast %swap3A_217 : vector<1x1x16xi32> to vector<16xi32>
      %swap3A_219 = vector.shape_cast %shift_right_logical3A_211 : vector<16xi32> to vector<1x1x16xi32>
      tpu.vector_store %arg9[%swap3A_214, %swap3A_215, %swap3A_216], %swap3A_219 {strides = array<i32>} : memref<3x2x64xi32, #tpu.memory_space<vmem>>, vector<1x1x16xi32>,
      %and3A_220 = arith.constant 65535 : i32
      %and3A_221 = vector.broadcast %and3A_220 : i32 to vector<16xi32>
      %and3A_222 = arith.andi %get3A_208, %and3A_221 : vector<16xi32>
      %swap3A_223 = arith.constant 1 : i32
      %swap3A_224 = arith.constant 1 : i32
      %swap3A_225 = arith.index_cast %swap3A_223 : i32 to index
      %swap3A_226 = arith.index_cast %swap3A_224 : i32 to index
      %swap3A_227 = arith.constant 32 : index
      %swap3A_228 = tpu.vector_load %arg9[%swap3A_225, %swap3A_226, %swap3A_227] {strides = array<i32>} : memref<3x2x64xi32, #tpu.memory_space<vmem>>, vector<1x1x16xi32>,
      %swap3A_229 = vector.shape_cast %swap3A_228 : vector<1x1x16xi32> to vector<16xi32>
      %swap3A_230 = vector.shape_cast %and3A_222 : vector<16xi32> to vector<1x1x16xi32>
      tpu.vector_store %arg9[%swap3A_225, %swap3A_226, %swap3A_227], %swap3A_230 {strides = array<i32>} : memref<3x2x64xi32, #tpu.memory_space<vmem>>, vector<1x1x16xi32>,
      %get3A_231 = arith.constant 1 : i32
      %get3A_232 = arith.index_cast %get3A_231 : i32 to index
      %get3A_233 = arith.constant 48 : index
      %get3A_234 = tpu.vector_load %arg8[%get3A_232, %get3A_233] {strides = array<i32>} : memref<159x64xi32, #tpu.memory_space<vmem>>, vector<1x16xi32>,
      %get3A_235 = vector.shape_cast %get3A_234 : vector<1x16xi32> to vector<16xi32>
      %shift_right_logical3A_236 = arith.constant 16 : i32
      %shift_right_logical3A_237 = vector.broadcast %shift_right_logical3A_236 : i32 to vector<16xi32>
      %shift_right_logical3A_238 = arith.shrui %get3A_235, %shift_right_logical3A_237 : vector<16xi32>
      %swap3A_239 = arith.constant 1 : i32
      %swap3A_240 = arith.constant 0 : i32
      %swap3A_241 = arith.index_cast %swap3A_239 : i32 to index
      %swap3A_242 = arith.index_cast %swap3A_240 : i32 to index
      %swap3A_243 = arith.constant 48 : index
      %swap3A_244 = tpu.vector_load %arg9[%swap3A_241, %swap3A_242, %swap3A_243] {strides = array<i32>} : memref<3x2x64xi32, #tpu.memory_space<vmem>>, vector<1x1x16xi32>,
      %swap3A_245 = vector.shape_cast %swap3A_244 : vector<1x1x16xi32> to vector<16xi32>
      %swap3A_246 = vector.shape_cast %shift_right_logical3A_238 : vector<16xi32> to vector<1x1x16xi32>
      tpu.vector_store %arg9[%swap3A_241, %swap3A_242, %swap3A_243], %swap3A_246 {strides = array<i32>} : memref<3x2x64xi32, #tpu.memory_space<vmem>>, vector<1x1x16xi32>,
      %and3A_247 = arith.constant 65535 : i32
      %and3A_248 = vector.broadcast %and3A_247 : i32 to vector<16xi32>
      %and3A_249 = arith.andi %get3A_235, %and3A_248 : vector<16xi32>
      %swap3A_250 = arith.constant 1 : i32
      %swap3A_251 = arith.constant 1 : i32
      %swap3A_252 = arith.index_cast %swap3A_250 : i32 to index
      %swap3A_253 = arith.index_cast %swap3A_251 : i32 to index
      %swap3A_254 = arith.constant 48 : index
      %swap3A_255 = tpu.vector_load %arg9[%swap3A_252, %swap3A_253, %swap3A_254] {strides = array<i32>} : memref<3x2x64xi32, #tpu.memory_space<vmem>>, vector<1x1x16xi32>,
      %swap3A_256 = vector.shape_cast %swap3A_255 : vector<1x1x16xi32> to vector<16xi32>
      %swap3A_257 = vector.shape_cast %and3A_249 : vector<16xi32> to vector<1x1x16xi32>
      tpu.vector_store %arg9[%swap3A_252, %swap3A_253, %swap3A_254], %swap3A_257 {strides = array<i32>} : memref<3x2x64xi32, #tpu.memory_space<vmem>>, vector<1x1x16xi32>,
      %dma_start3A = arith.constant 0 : i32
      %dma_start3A_258 = arith.constant 0 : i32
      %dma_start3A_259 = arith.constant 0 : i32
      %dma_start3A_260 = tpu.memref_slice %arg9[%dma_start3A, %dma_start3A_258, %dma_start3A_259] : memref<3x2x64xi32, #tpu.memory_space<vmem>> -> memref<1x1x64xi32, #tpu.memory_space<vmem>>
      %dma_start3A_261 = tpu.memref_squeeze %dma_start3A_260 : memref<1x1x64xi32, #tpu.memory_space<vmem>> -> memref<64xi32, #tpu.memory_space<vmem>>
      %dma_start3A_262 = arith.constant 0 : i32
      %dma_start3A_263 = arith.constant 0 : i32
      %dma_start3A_264 = tpu.memref_slice %arg3[%dma_start3A_262, %dma_start3A_263] : memref<10000x144xf32, #tpu.memory_space<hbm>> -> memref<10000x144xf32, #tpu.memory_space<hbm>>
      tpu.enqueue_indirect_dma source(%dma_start3A_264 : memref<10000x144xf32, #tpu.memory_space<hbm>>) target(%arg10 : memref<64x144xf32, #tpu.memory_space<vmem>>) offsets(%dma_start3A_261 : memref<64xi32, #tpu.memory_space<vmem>>) semaphore(%arg13 : memref<!tpu.dma_semaphore, #tpu.memory_space<semaphore_mem>>)
      %dma_start3A_265 = arith.constant 1 : i32
      %dma_start3A_266 = arith.constant 0 : i32
      %dma_start3A_267 = arith.constant 0 : i32
      %dma_start3A_268 = tpu.memref_slice %arg9[%dma_start3A_265, %dma_start3A_266, %dma_start3A_267] : memref<3x2x64xi32, #tpu.memory_space<vmem>> -> memref<1x1x64xi32, #tpu.memory_space<vmem>>
      %dma_start3A_269 = tpu.memref_squeeze %dma_start3A_268 : memref<1x1x64xi32, #tpu.memory_space<vmem>> -> memref<64xi32, #tpu.memory_space<vmem>>
      %dma_start3A_270 = arith.constant 0 : i32
      %dma_start3A_271 = arith.constant 0 : i32
      %dma_start3A_272 = tpu.memref_slice %arg3[%dma_start3A_270, %dma_start3A_271] : memref<10000x144xf32, #tpu.memory_space<hbm>> -> memref<10000x144xf32, #tpu.memory_space<hbm>>
      tpu.enqueue_indirect_dma source(%dma_start3A_272 : memref<10000x144xf32, #tpu.memory_space<hbm>>) target(%arg11 : memref<64x144xf32, #tpu.memory_space<vmem>>) offsets(%dma_start3A_269 : memref<64xi32, #tpu.memory_space<vmem>>) semaphore(%arg14 : memref<!tpu.dma_semaphore, #tpu.memory_space<semaphore_mem>>)
      %scan3A_273 = arith.constant 0 : i32
      %scan3A_274 = arith.constant 0 : i32
      %scan3A_275 = arith.constant 53 : i32
      %scan3A_276 = arith.addi %scan3A_274, %scan3A_275 : i32
      %scan3A_277 = arith.constant 1 : i32
      scf.for %scan3A_302 = %scan3A_274 to %scan3A_276 step %scan3A_277  : i32 {
        %mul3A_303 = arith.constant 3 : i32
        %mul3A_304 = arith.muli %mul3A_303, %scan3A_302 : i32
        %add3A_305 = arith.constant 0 : i32
        %add3A_306 = arith.addi %mul3A_304, %add3A_305 : i32
        %dma_wait3A_307 = arith.constant 0 : i32
        %dma_wait3A_308 = arith.constant 0 : i32
        %dma_wait3A_309 = arith.constant 0 : i32
        %dma_wait3A_310 = tpu.memref_slice %arg9[%dma_wait3A_307, %dma_wait3A_308, %dma_wait3A_309] : memref<3x2x64xi32, #tpu.memory_space<vmem>> -> memref<1x1x64xi32, #tpu.memory_space<vmem>>
        %dma_wait3A_311 = tpu.memref_squeeze %dma_wait3A_310 : memref<1x1x64xi32, #tpu.memory_space<vmem>> -> memref<64xi32, #tpu.memory_space<vmem>>
        %dma_wait3A_312 = arith.constant 0 : i32
        %dma_wait3A_313 = arith.constant 0 : i32
        %dma_wait3A_314 = tpu.memref_slice %arg3[%dma_wait3A_312, %dma_wait3A_313] : memref<10000x144xf32, #tpu.memory_space<hbm>> -> memref<10000x144xf32, #tpu.memory_space<hbm>>
        tpu.wait_indirect_dma semaphore(%arg13 : memref<!tpu.dma_semaphore, #tpu.memory_space<semaphore_mem>>) src(%dma_wait3A_314 : memref<10000x144xf32, #tpu.memory_space<hbm>>) dst(%arg10 : memref<64x144xf32, #tpu.memory_space<vmem>>)
        %dma_start3A_315 = arith.constant 0 : i32
        %dma_start3A_316 = arith.constant 1 : i32
        %dma_start3A_317 = arith.constant 0 : i32
        %dma_start3A_318 = tpu.memref_slice %arg9[%dma_start3A_315, %dma_start3A_316, %dma_start3A_317] : memref<3x2x64xi32, #tpu.memory_space<vmem>> -> memref<1x1x64xi32, #tpu.memory_space<vmem>>
        %dma_start3A_319 = tpu.memref_squeeze %dma_start3A_318 : memref<1x1x64xi32, #tpu.memory_space<vmem>> -> memref<64xi32, #tpu.memory_space<vmem>>
        %dma_start3A_320 = arith.constant 0 : i32
        %dma_start3A_321 = arith.constant 0 : i32
        %dma_start3A_322 = tpu.memref_slice %arg7[%dma_start3A_320, %dma_start3A_321] : memref<10016x144xf32, #tpu.memory_space<vmem_shared>> -> memref<10016x144xf32, #tpu.memory_space<vmem_shared>>
        tpu.enqueue_indirect_dma source(%arg10 : memref<64x144xf32, #tpu.memory_space<vmem>>) target(%dma_start3A_322 : memref<10016x144xf32, #tpu.memory_space<vmem_shared>>) offsets(%dma_start3A_319 : memref<64xi32, #tpu.memory_space<vmem>>) semaphore(%arg16 : memref<!tpu.dma_semaphore, #tpu.memory_space<semaphore_mem>>) {add = true}
        %ge3A = arith.constant 1 : i32
        %ge3A_323 = arith.cmpi sge, %add3A_306, %ge3A : i32
        %add3A_324 = arith.constant 2 : i32
        %add3A_325 = arith.addi %add3A_306, %add3A_324 : i32
        %lt3A = arith.constant 159 : i32
        %lt3A_326 = arith.cmpi slt, %add3A_325, %lt3A : i32
        %and3A_327 = arith.andi %ge3A_323, %lt3A_326 : i1
        %convert_element_type3A_328 = arith.extui %and3A_327 : i1 to i32
        %cond3A_329 = arith.constant 0 : i32
        %cond3A_330 = arith.cmpi ne, %convert_element_type3A_328, %cond3A_329 : i32
        scf.if %cond3A_330 {
          %dma_wait3A_412 = arith.constant 2 : i32
          %dma_wait3A_413 = arith.constant 1 : i32
          %dma_wait3A_414 = arith.constant 0 : i32
          %dma_wait3A_415 = tpu.memref_slice %arg9[%dma_wait3A_412, %dma_wait3A_413, %dma_wait3A_414] : memref<3x2x64xi32, #tpu.memory_space<vmem>> -> memref<1x1x64xi32, #tpu.memory_space<vmem>>
          %dma_wait3A_416 = tpu.memref_squeeze %dma_wait3A_415 : memref<1x1x64xi32, #tpu.memory_space<vmem>> -> memref<64xi32, #tpu.memory_space<vmem>>
          %dma_wait3A_417 = arith.constant 0 : i32
          %dma_wait3A_418 = arith.constant 0 : i32
          %dma_wait3A_419 = tpu.memref_slice %arg7[%dma_wait3A_417, %dma_wait3A_418] : memref<10016x144xf32, #tpu.memory_space<vmem_shared>> -> memref<10016x144xf32, #tpu.memory_space<vmem_shared>>
          tpu.wait_indirect_dma semaphore(%arg18 : memref<!tpu.dma_semaphore, #tpu.memory_space<semaphore_mem>>) src(%arg12 : memref<64x144xf32, #tpu.memory_space<vmem>>) dst(%dma_wait3A_419 : memref<10016x144xf32, #tpu.memory_space<vmem_shared>>)
        } else {
        }
        %add3A_331 = arith.constant 2 : i32
        %add3A_332 = arith.addi %add3A_306, %add3A_331 : i32
        %lt3A_333 = arith.constant 159 : i32
        %lt3A_334 = arith.cmpi slt, %add3A_332, %lt3A_333 : i32
        %convert_element_type3A_335 = arith.extui %lt3A_334 : i1 to i32
        %cond3A_336 = arith.constant 0 : i32
        %cond3A_337 = arith.cmpi ne, %convert_element_type3A_335, %cond3A_336 : i32
        scf.if %cond3A_337 {
          %add3A_412 = arith.constant 2 : i32
          %add3A_413 = arith.addi %add3A_306, %add3A_412 : i32
          %get3A_414 = arith.index_cast %add3A_413 : i32 to index
          %get3A_415 = arith.constant 0 : index
          %get3A_416 = tpu.vector_load %arg8[%get3A_414, %get3A_415] {strides = array<i32>} : memref<159x64xi32, #tpu.memory_space<vmem>>, vector<1x16xi32>,
          %get3A_417 = vector.shape_cast %get3A_416 : vector<1x16xi32> to vector<16xi32>
          %shift_right_logical3A_418 = arith.constant 16 : i32
          %shift_right_logical3A_419 = vector.broadcast %shift_right_logical3A_418 : i32 to vector<16xi32>
          %shift_right_logical3A_420 = arith.shrui %get3A_417, %shift_right_logical3A_419 : vector<16xi32>
          %swap3A_421 = arith.constant 2 : i32
          %swap3A_422 = arith.constant 0 : i32
          %swap3A_423 = arith.index_cast %swap3A_421 : i32 to index
          %swap3A_424 = arith.index_cast %swap3A_422 : i32 to index
          %swap3A_425 = arith.constant 0 : index
          %swap3A_426 = tpu.vector_load %arg9[%swap3A_423, %swap3A_424, %swap3A_425] {strides = array<i32>} : memref<3x2x64xi32, #tpu.memory_space<vmem>>, vector<1x1x16xi32>,
          %swap3A_427 = vector.shape_cast %swap3A_426 : vector<1x1x16xi32> to vector<16xi32>
          %swap3A_428 = vector.shape_cast %shift_right_logical3A_420 : vector<16xi32> to vector<1x1x16xi32>
          tpu.vector_store %arg9[%swap3A_423, %swap3A_424, %swap3A_425], %swap3A_428 {strides = array<i32>} : memref<3x2x64xi32, #tpu.memory_space<vmem>>, vector<1x1x16xi32>,
          %and3A_429 = arith.constant 65535 : i32
          %and3A_430 = vector.broadcast %and3A_429 : i32 to vector<16xi32>
          %and3A_431 = arith.andi %get3A_417, %and3A_430 : vector<16xi32>
          %swap3A_432 = arith.constant 2 : i32
          %swap3A_433 = arith.constant 1 : i32
          %swap3A_434 = arith.index_cast %swap3A_432 : i32 to index
          %swap3A_435 = arith.index_cast %swap3A_433 : i32 to index
          %swap3A_436 = arith.constant 0 : index
          %swap3A_437 = tpu.vector_load %arg9[%swap3A_434, %swap3A_435, %swap3A_436] {strides = array<i32>} : memref<3x2x64xi32, #tpu.memory_space<vmem>>, vector<1x1x16xi32>,
          %swap3A_438 = vector.shape_cast %swap3A_437 : vector<1x1x16xi32> to vector<16xi32>
          %swap3A_439 = vector.shape_cast %and3A_431 : vector<16xi32> to vector<1x1x16xi32>
          tpu.vector_store %arg9[%swap3A_434, %swap3A_435, %swap3A_436], %swap3A_439 {strides = array<i32>} : memref<3x2x64xi32, #tpu.memory_space<vmem>>, vector<1x1x16xi32>,
          %get3A_440 = arith.index_cast %add3A_413 : i32 to index
          %get3A_441 = arith.constant 16 : index
          %get3A_442 = tpu.vector_load %arg8[%get3A_440, %get3A_441] {strides = array<i32>} : memref<159x64xi32, #tpu.memory_space<vmem>>, vector<1x16xi32>,
          %get3A_443 = vector.shape_cast %get3A_442 : vector<1x16xi32> to vector<16xi32>
          %shift_right_logical3A_444 = arith.constant 16 : i32
          %shift_right_logical3A_445 = vector.broadcast %shift_right_logical3A_444 : i32 to vector<16xi32>
          %shift_right_logical3A_446 = arith.shrui %get3A_443, %shift_right_logical3A_445 : vector<16xi32>
          %swap3A_447 = arith.constant 2 : i32
          %swap3A_448 = arith.constant 0 : i32
          %swap3A_449 = arith.index_cast %swap3A_447 : i32 to index
          %swap3A_450 = arith.index_cast %swap3A_448 : i32 to index
          %swap3A_451 = arith.constant 16 : index
          %swap3A_452 = tpu.vector_load %arg9[%swap3A_449, %swap3A_450, %swap3A_451] {strides = array<i32>} : memref<3x2x64xi32, #tpu.memory_space<vmem>>, vector<1x1x16xi32>,
          %swap3A_453 = vector.shape_cast %swap3A_452 : vector<1x1x16xi32> to vector<16xi32>
          %swap3A_454 = vector.shape_cast %shift_right_logical3A_446 : vector<16xi32> to vector<1x1x16xi32>
          tpu.vector_store %arg9[%swap3A_449, %swap3A_450, %swap3A_451], %swap3A_454 {strides = array<i32>} : memref<3x2x64xi32, #tpu.memory_space<vmem>>, vector<1x1x16xi32>,
          %and3A_455 = arith.constant 65535 : i32
          %and3A_456 = vector.broadcast %and3A_455 : i32 to vector<16xi32>
          %and3A_457 = arith.andi %get3A_443, %and3A_456 : vector<16xi32>
          %swap3A_458 = arith.constant 2 : i32
          %swap3A_459 = arith.constant 1 : i32
          %swap3A_460 = arith.index_cast %swap3A_458 : i32 to index
          %swap3A_461 = arith.index_cast %swap3A_459 : i32 to index
          %swap3A_462 = arith.constant 16 : index
          %swap3A_463 = tpu.vector_load %arg9[%swap3A_460, %swap3A_461, %swap3A_462] {strides = array<i32>} : memref<3x2x64xi32, #tpu.memory_space<vmem>>, vector<1x1x16xi32>,
          %swap3A_464 = vector.shape_cast %swap3A_463 : vector<1x1x16xi32> to vector<16xi32>
          %swap3A_465 = vector.shape_cast %and3A_457 : vector<16xi32> to vector<1x1x16xi32>
          tpu.vector_store %arg9[%swap3A_460, %swap3A_461, %swap3A_462], %swap3A_465 {strides = array<i32>} : memref<3x2x64xi32, #tpu.memory_space<vmem>>, vector<1x1x16xi32>,
          %get3A_466 = arith.index_cast %add3A_413 : i32 to index
          %get3A_467 = arith.constant 32 : index
          %get3A_468 = tpu.vector_load %arg8[%get3A_466, %get3A_467] {strides = array<i32>} : memref<159x64xi32, #tpu.memory_space<vmem>>, vector<1x16xi32>,
          %get3A_469 = vector.shape_cast %get3A_468 : vector<1x16xi32> to vector<16xi32>
          %shift_right_logical3A_470 = arith.constant 16 : i32
          %shift_right_logical3A_471 = vector.broadcast %shift_right_logical3A_470 : i32 to vector<16xi32>
          %shift_right_logical3A_472 = arith.shrui %get3A_469, %shift_right_logical3A_471 : vector<16xi32>
          %swap3A_473 = arith.constant 2 : i32
          %swap3A_474 = arith.constant 0 : i32
          %swap3A_475 = arith.index_cast %swap3A_473 : i32 to index
          %swap3A_476 = arith.index_cast %swap3A_474 : i32 to index
          %swap3A_477 = arith.constant 32 : index
          %swap3A_478 = tpu.vector_load %arg9[%swap3A_475, %swap3A_476, %swap3A_477] {strides = array<i32>} : memref<3x2x64xi32, #tpu.memory_space<vmem>>, vector<1x1x16xi32>,
          %swap3A_479 = vector.shape_cast %swap3A_478 : vector<1x1x16xi32> to vector<16xi32>
          %swap3A_480 = vector.shape_cast %shift_right_logical3A_472 : vector<16xi32> to vector<1x1x16xi32>
          tpu.vector_store %arg9[%swap3A_475, %swap3A_476, %swap3A_477], %swap3A_480 {strides = array<i32>} : memref<3x2x64xi32, #tpu.memory_space<vmem>>, vector<1x1x16xi32>,
          %and3A_481 = arith.constant 65535 : i32
          %and3A_482 = vector.broadcast %and3A_481 : i32 to vector<16xi32>
          %and3A_483 = arith.andi %get3A_469, %and3A_482 : vector<16xi32>
          %swap3A_484 = arith.constant 2 : i32
          %swap3A_485 = arith.constant 1 : i32
          %swap3A_486 = arith.index_cast %swap3A_484 : i32 to index
          %swap3A_487 = arith.index_cast %swap3A_485 : i32 to index
          %swap3A_488 = arith.constant 32 : index
          %swap3A_489 = tpu.vector_load %arg9[%swap3A_486, %swap3A_487, %swap3A_488] {strides = array<i32>} : memref<3x2x64xi32, #tpu.memory_space<vmem>>, vector<1x1x16xi32>,
          %swap3A_490 = vector.shape_cast %swap3A_489 : vector<1x1x16xi32> to vector<16xi32>
          %swap3A_491 = vector.shape_cast %and3A_483 : vector<16xi32> to vector<1x1x16xi32>
          tpu.vector_store %arg9[%swap3A_486, %swap3A_487, %swap3A_488], %swap3A_491 {strides = array<i32>} : memref<3x2x64xi32, #tpu.memory_space<vmem>>, vector<1x1x16xi32>,
          %get3A_492 = arith.index_cast %add3A_413 : i32 to index
          %get3A_493 = arith.constant 48 : index
          %get3A_494 = tpu.vector_load %arg8[%get3A_492, %get3A_493] {strides = array<i32>} : memref<159x64xi32, #tpu.memory_space<vmem>>, vector<1x16xi32>,
          %get3A_495 = vector.shape_cast %get3A_494 : vector<1x16xi32> to vector<16xi32>
          %shift_right_logical3A_496 = arith.constant 16 : i32
          %shift_right_logical3A_497 = vector.broadcast %shift_right_logical3A_496 : i32 to vector<16xi32>
          %shift_right_logical3A_498 = arith.shrui %get3A_495, %shift_right_logical3A_497 : vector<16xi32>
          %swap3A_499 = arith.constant 2 : i32
          %swap3A_500 = arith.constant 0 : i32
          %swap3A_501 = arith.index_cast %swap3A_499 : i32 to index
          %swap3A_502 = arith.index_cast %swap3A_500 : i32 to index
          %swap3A_503 = arith.constant 48 : index
          %swap3A_504 = tpu.vector_load %arg9[%swap3A_501, %swap3A_502, %swap3A_503] {strides = array<i32>} : memref<3x2x64xi32, #tpu.memory_space<vmem>>, vector<1x1x16xi32>,
          %swap3A_505 = vector.shape_cast %swap3A_504 : vector<1x1x16xi32> to vector<16xi32>
          %swap3A_506 = vector.shape_cast %shift_right_logical3A_498 : vector<16xi32> to vector<1x1x16xi32>
          tpu.vector_store %arg9[%swap3A_501, %swap3A_502, %swap3A_503], %swap3A_506 {strides = array<i32>} : memref<3x2x64xi32, #tpu.memory_space<vmem>>, vector<1x1x16xi32>,
          %and3A_507 = arith.constant 65535 : i32
          %and3A_508 = vector.broadcast %and3A_507 : i32 to vector<16xi32>
          %and3A_509 = arith.andi %get3A_495, %and3A_508 : vector<16xi32>
          %swap3A_510 = arith.constant 2 : i32
          %swap3A_511 = arith.constant 1 : i32
          %swap3A_512 = arith.index_cast %swap3A_510 : i32 to index
          %swap3A_513 = arith.index_cast %swap3A_511 : i32 to index
          %swap3A_514 = arith.constant 48 : index
          %swap3A_515 = tpu.vector_load %arg9[%swap3A_512, %swap3A_513, %swap3A_514] {strides = array<i32>} : memref<3x2x64xi32, #tpu.memory_space<vmem>>, vector<1x1x16xi32>,
          %swap3A_516 = vector.shape_cast %swap3A_515 : vector<1x1x16xi32> to vector<16xi32>
          %swap3A_517 = vector.shape_cast %and3A_509 : vector<16xi32> to vector<1x1x16xi32>
          tpu.vector_store %arg9[%swap3A_512, %swap3A_513, %swap3A_514], %swap3A_517 {strides = array<i32>} : memref<3x2x64xi32, #tpu.memory_space<vmem>>, vector<1x1x16xi32>,
          %add3A_518 = arith.constant 2 : i32
          %add3A_519 = arith.addi %add3A_306, %add3A_518 : i32
          %dma_start3A_520 = arith.constant 2 : i32
          %dma_start3A_521 = arith.constant 0 : i32
          %dma_start3A_522 = arith.constant 0 : i32
          %dma_start3A_523 = tpu.memref_slice %arg9[%dma_start3A_520, %dma_start3A_521, %dma_start3A_522] : memref<3x2x64xi32, #tpu.memory_space<vmem>> -> memref<1x1x64xi32, #tpu.memory_space<vmem>>
          %dma_start3A_524 = tpu.memref_squeeze %dma_start3A_523 : memref<1x1x64xi32, #tpu.memory_space<vmem>> -> memref<64xi32, #tpu.memory_space<vmem>>
          %dma_start3A_525 = arith.constant 0 : i32
          %dma_start3A_526 = arith.constant 0 : i32
          %dma_start3A_527 = tpu.memref_slice %arg3[%dma_start3A_525, %dma_start3A_526] : memref<10000x144xf32, #tpu.memory_space<hbm>> -> memref<10000x144xf32, #tpu.memory_space<hbm>>
          tpu.enqueue_indirect_dma source(%dma_start3A_527 : memref<10000x144xf32, #tpu.memory_space<hbm>>) target(%arg12 : memref<64x144xf32, #tpu.memory_space<vmem>>) offsets(%dma_start3A_524 : memref<64xi32, #tpu.memory_space<vmem>>) semaphore(%arg15 : memref<!tpu.dma_semaphore, #tpu.memory_space<semaphore_mem>>)
        } else {
        }
        %mul3A_338 = arith.constant 3 : i32
        %mul3A_339 = arith.muli %mul3A_338, %scan3A_302 : i32
        %add3A_340 = arith.constant 1 : i32
        %add3A_341 = arith.addi %mul3A_339, %add3A_340 : i32
        %dma_wait3A_342 = arith.constant 1 : i32
        %dma_wait3A_343 = arith.constant 0 : i32
        %dma_wait3A_344 = arith.constant 0 : i32
        %dma_wait3A_345 = tpu.memref_slice %arg9[%dma_wait3A_342, %dma_wait3A_343, %dma_wait3A_344] : memref<3x2x64xi32, #tpu.memory_space<vmem>> -> memref<1x1x64xi32, #tpu.memory_space<vmem>>
        %dma_wait3A_346 = tpu.memref_squeeze %dma_wait3A_345 : memref<1x1x64xi32, #tpu.memory_space<vmem>> -> memref<64xi32, #tpu.memory_space<vmem>>
        %dma_wait3A_347 = arith.constant 0 : i32
        %dma_wait3A_348 = arith.constant 0 : i32
        %dma_wait3A_349 = tpu.memref_slice %arg3[%dma_wait3A_347, %dma_wait3A_348] : memref<10000x144xf32, #tpu.memory_space<hbm>> -> memref<10000x144xf32, #tpu.memory_space<hbm>>
        tpu.wait_indirect_dma semaphore(%arg14 : memref<!tpu.dma_semaphore, #tpu.memory_space<semaphore_mem>>) src(%dma_wait3A_349 : memref<10000x144xf32, #tpu.memory_space<hbm>>) dst(%arg11 : memref<64x144xf32, #tpu.memory_space<vmem>>)
        %dma_start3A_350 = arith.constant 1 : i32
        %dma_start3A_351 = arith.constant 1 : i32
        %dma_start3A_352 = arith.constant 0 : i32
        %dma_start3A_353 = tpu.memref_slice %arg9[%dma_start3A_350, %dma_start3A_351, %dma_start3A_352] : memref<3x2x64xi32, #tpu.memory_space<vmem>> -> memref<1x1x64xi32, #tpu.memory_space<vmem>>
        %dma_start3A_354 = tpu.memref_squeeze %dma_start3A_353 : memref<1x1x64xi32, #tpu.memory_space<vmem>> -> memref<64xi32, #tpu.memory_space<vmem>>
        %dma_start3A_355 = arith.constant 0 : i32
        %dma_start3A_356 = arith.constant 0 : i32
        %dma_start3A_357 = tpu.memref_slice %arg7[%dma_start3A_355, %dma_start3A_356] : memref<10016x144xf32, #tpu.memory_space<vmem_shared>> -> memref<10016x144xf32, #tpu.memory_space<vmem_shared>>
        tpu.enqueue_indirect_dma source(%arg11 : memref<64x144xf32, #tpu.memory_space<vmem>>) target(%dma_start3A_357 : memref<10016x144xf32, #tpu.memory_space<vmem_shared>>) offsets(%dma_start3A_354 : memref<64xi32, #tpu.memory_space<vmem>>) semaphore(%arg17 : memref<!tpu.dma_semaphore, #tpu.memory_space<semaphore_mem>>) {add = true}
        %ge3A_358 = arith.constant 1 : i32
        %ge3A_359 = arith.cmpi sge, %add3A_341, %ge3A_358 : i32
        %add3A_360 = arith.constant 2 : i32
        %add3A_361 = arith.addi %add3A_341, %add3A_360 : i32
        %lt3A_362 = arith.constant 159 : i32
        %lt3A_363 = arith.cmpi slt, %add3A_361, %lt3A_362 : i32
        %and3A_364 = arith.andi %ge3A_359, %lt3A_363 : i1
        %convert_element_type3A_365 = arith.extui %and3A_364 : i1 to i32
        %cond3A_366 = arith.constant 0 : i32
        %cond3A_367 = arith.cmpi ne, %convert_element_type3A_365, %cond3A_366 : i32
        scf.if %cond3A_367 {
          %dma_wait3A_412 = arith.constant 0 : i32
          %dma_wait3A_413 = arith.constant 1 : i32
          %dma_wait3A_414 = arith.constant 0 : i32
          %dma_wait3A_415 = tpu.memref_slice %arg9[%dma_wait3A_412, %dma_wait3A_413, %dma_wait3A_414] : memref<3x2x64xi32, #tpu.memory_space<vmem>> -> memref<1x1x64xi32, #tpu.memory_space<vmem>>
          %dma_wait3A_416 = tpu.memref_squeeze %dma_wait3A_415 : memref<1x1x64xi32, #tpu.memory_space<vmem>> -> memref<64xi32, #tpu.memory_space<vmem>>
          %dma_wait3A_417 = arith.constant 0 : i32
          %dma_wait3A_418 = arith.constant 0 : i32
          %dma_wait3A_419 = tpu.memref_slice %arg7[%dma_wait3A_417, %dma_wait3A_418] : memref<10016x144xf32, #tpu.memory_space<vmem_shared>> -> memref<10016x144xf32, #tpu.memory_space<vmem_shared>>
          tpu.wait_indirect_dma semaphore(%arg16 : memref<!tpu.dma_semaphore, #tpu.memory_space<semaphore_mem>>) src(%arg10 : memref<64x144xf32, #tpu.memory_space<vmem>>) dst(%dma_wait3A_419 : memref<10016x144xf32, #tpu.memory_space<vmem_shared>>)
        } else {
        }
        %add3A_368 = arith.constant 2 : i32
        %add3A_369 = arith.addi %add3A_341, %add3A_368 : i32
        %lt3A_370 = arith.constant 159 : i32
        %lt3A_371 = arith.cmpi slt, %add3A_369, %lt3A_370 : i32
        %convert_element_type3A_372 = arith.extui %lt3A_371 : i1 to i32
        %cond3A_373 = arith.constant 0 : i32
        %cond3A_374 = arith.cmpi ne, %convert_element_type3A_372, %cond3A_373 : i32
        scf.if %cond3A_374 {
          %add3A_412 = arith.constant 2 : i32
          %add3A_413 = arith.addi %add3A_341, %add3A_412 : i32
          %get3A_414 = arith.index_cast %add3A_413 : i32 to index
          %get3A_415 = arith.constant 0 : index
          %get3A_416 = tpu.vector_load %arg8[%get3A_414, %get3A_415] {strides = array<i32>} : memref<159x64xi32, #tpu.memory_space<vmem>>, vector<1x16xi32>,
          %get3A_417 = vector.shape_cast %get3A_416 : vector<1x16xi32> to vector<16xi32>
          %shift_right_logical3A_418 = arith.constant 16 : i32
          %shift_right_logical3A_419 = vector.broadcast %shift_right_logical3A_418 : i32 to vector<16xi32>
          %shift_right_logical3A_420 = arith.shrui %get3A_417, %shift_right_logical3A_419 : vector<16xi32>
          %swap3A_421 = arith.constant 0 : i32
          %swap3A_422 = arith.constant 0 : i32
          %swap3A_423 = arith.index_cast %swap3A_421 : i32 to index
          %swap3A_424 = arith.index_cast %swap3A_422 : i32 to index
          %swap3A_425 = arith.constant 0 : index
          %swap3A_426 = tpu.vector_load %arg9[%swap3A_423, %swap3A_424, %swap3A_425] {strides = array<i32>} : memref<3x2x64xi32, #tpu.memory_space<vmem>>, vector<1x1x16xi32>,
          %swap3A_427 = vector.shape_cast %swap3A_426 : vector<1x1x16xi32> to vector<16xi32>
          %swap3A_428 = vector.shape_cast %shift_right_logical3A_420 : vector<16xi32> to vector<1x1x16xi32>
          tpu.vector_store %arg9[%swap3A_423, %swap3A_424, %swap3A_425], %swap3A_428 {strides = array<i32>} : memref<3x2x64xi32, #tpu.memory_space<vmem>>, vector<1x1x16xi32>,
          %and3A_429 = arith.constant 65535 : i32
          %and3A_430 = vector.broadcast %and3A_429 : i32 to vector<16xi32>
          %and3A_431 = arith.andi %get3A_417, %and3A_430 : vector<16xi32>
          %swap3A_432 = arith.constant 0 : i32
          %swap3A_433 = arith.constant 1 : i32
          %swap3A_434 = arith.index_cast %swap3A_432 : i32 to index
          %swap3A_435 = arith.index_cast %swap3A_433 : i32 to index
          %swap3A_436 = arith.constant 0 : index
          %swap3A_437 = tpu.vector_load %arg9[%swap3A_434, %swap3A_435, %swap3A_436] {strides = array<i32>} : memref<3x2x64xi32, #tpu.memory_space<vmem>>, vector<1x1x16xi32>,
          %swap3A_438 = vector.shape_cast %swap3A_437 : vector<1x1x16xi32> to vector<16xi32>
          %swap3A_439 = vector.shape_cast %and3A_431 : vector<16xi32> to vector<1x1x16xi32>
          tpu.vector_store %arg9[%swap3A_434, %swap3A_435, %swap3A_436], %swap3A_439 {strides = array<i32>} : memref<3x2x64xi32, #tpu.memory_space<vmem>>, vector<1x1x16xi32>,
          %get3A_440 = arith.index_cast %add3A_413 : i32 to index
          %get3A_441 = arith.constant 16 : index
          %get3A_442 = tpu.vector_load %arg8[%get3A_440, %get3A_441] {strides = array<i32>} : memref<159x64xi32, #tpu.memory_space<vmem>>, vector<1x16xi32>,
          %get3A_443 = vector.shape_cast %get3A_442 : vector<1x16xi32> to vector<16xi32>
          %shift_right_logical3A_444 = arith.constant 16 : i32
          %shift_right_logical3A_445 = vector.broadcast %shift_right_logical3A_444 : i32 to vector<16xi32>
          %shift_right_logical3A_446 = arith.shrui %get3A_443, %shift_right_logical3A_445 : vector<16xi32>
          %swap3A_447 = arith.constant 0 : i32
          %swap3A_448 = arith.constant 0 : i32
          %swap3A_449 = arith.index_cast %swap3A_447 : i32 to index
          %swap3A_450 = arith.index_cast %swap3A_448 : i32 to index
          %swap3A_451 = arith.constant 16 : index
          %swap3A_452 = tpu.vector_load %arg9[%swap3A_449, %swap3A_450, %swap3A_451] {strides = array<i32>} : memref<3x2x64xi32, #tpu.memory_space<vmem>>, vector<1x1x16xi32>,
          %swap3A_453 = vector.shape_cast %swap3A_452 : vector<1x1x16xi32> to vector<16xi32>
          %swap3A_454 = vector.shape_cast %shift_right_logical3A_446 : vector<16xi32> to vector<1x1x16xi32>
          tpu.vector_store %arg9[%swap3A_449, %swap3A_450, %swap3A_451], %swap3A_454 {strides = array<i32>} : memref<3x2x64xi32, #tpu.memory_space<vmem>>, vector<1x1x16xi32>,
          %and3A_455 = arith.constant 65535 : i32
          %and3A_456 = vector.broadcast %and3A_455 : i32 to vector<16xi32>
          %and3A_457 = arith.andi %get3A_443, %and3A_456 : vector<16xi32>
          %swap3A_458 = arith.constant 0 : i32
          %swap3A_459 = arith.constant 1 : i32
          %swap3A_460 = arith.index_cast %swap3A_458 : i32 to index
          %swap3A_461 = arith.index_cast %swap3A_459 : i32 to index
          %swap3A_462 = arith.constant 16 : index
          %swap3A_463 = tpu.vector_load %arg9[%swap3A_460, %swap3A_461, %swap3A_462] {strides = array<i32>} : memref<3x2x64xi32, #tpu.memory_space<vmem>>, vector<1x1x16xi32>,
          %swap3A_464 = vector.shape_cast %swap3A_463 : vector<1x1x16xi32> to vector<16xi32>
          %swap3A_465 = vector.shape_cast %and3A_457 : vector<16xi32> to vector<1x1x16xi32>
          tpu.vector_store %arg9[%swap3A_460, %swap3A_461, %swap3A_462], %swap3A_465 {strides = array<i32>} : memref<3x2x64xi32, #tpu.memory_space<vmem>>, vector<1x1x16xi32>,
          %get3A_466 = arith.index_cast %add3A_413 : i32 to index
          %get3A_467 = arith.constant 32 : index
          %get3A_468 = tpu.vector_load %arg8[%get3A_466, %get3A_467] {strides = array<i32>} : memref<159x64xi32, #tpu.memory_space<vmem>>, vector<1x16xi32>,
          %get3A_469 = vector.shape_cast %get3A_468 : vector<1x16xi32> to vector<16xi32>
          %shift_right_logical3A_470 = arith.constant 16 : i32
          %shift_right_logical3A_471 = vector.broadcast %shift_right_logical3A_470 : i32 to vector<16xi32>
          %shift_right_logical3A_472 = arith.shrui %get3A_469, %shift_right_logical3A_471 : vector<16xi32>
          %swap3A_473 = arith.constant 0 : i32
          %swap3A_474 = arith.constant 0 : i32
          %swap3A_475 = arith.index_cast %swap3A_473 : i32 to index
          %swap3A_476 = arith.index_cast %swap3A_474 : i32 to index
          %swap3A_477 = arith.constant 32 : index
          %swap3A_478 = tpu.vector_load %arg9[%swap3A_475, %swap3A_476, %swap3A_477] {strides = array<i32>} : memref<3x2x64xi32, #tpu.memory_space<vmem>>, vector<1x1x16xi32>,
          %swap3A_479 = vector.shape_cast %swap3A_478 : vector<1x1x16xi32> to vector<16xi32>
          %swap3A_480 = vector.shape_cast %shift_right_logical3A_472 : vector<16xi32> to vector<1x1x16xi32>
          tpu.vector_store %arg9[%swap3A_475, %swap3A_476, %swap3A_477], %swap3A_480 {strides = array<i32>} : memref<3x2x64xi32, #tpu.memory_space<vmem>>, vector<1x1x16xi32>,
          %and3A_481 = arith.constant 65535 : i32
          %and3A_482 = vector.broadcast %and3A_481 : i32 to vector<16xi32>
          %and3A_483 = arith.andi %get3A_469, %and3A_482 : vector<16xi32>
          %swap3A_484 = arith.constant 0 : i32
          %swap3A_485 = arith.constant 1 : i32
          %swap3A_486 = arith.index_cast %swap3A_484 : i32 to index
          %swap3A_487 = arith.index_cast %swap3A_485 : i32 to index
          %swap3A_488 = arith.constant 32 : index
          %swap3A_489 = tpu.vector_load %arg9[%swap3A_486, %swap3A_487, %swap3A_488] {strides = array<i32>} : memref<3x2x64xi32, #tpu.memory_space<vmem>>, vector<1x1x16xi32>,
          %swap3A_490 = vector.shape_cast %swap3A_489 : vector<1x1x16xi32> to vector<16xi32>
          %swap3A_491 = vector.shape_cast %and3A_483 : vector<16xi32> to vector<1x1x16xi32>
          tpu.vector_store %arg9[%swap3A_486, %swap3A_487, %swap3A_488], %swap3A_491 {strides = array<i32>} : memref<3x2x64xi32, #tpu.memory_space<vmem>>, vector<1x1x16xi32>,
          %get3A_492 = arith.index_cast %add3A_413 : i32 to index
          %get3A_493 = arith.constant 48 : index
          %get3A_494 = tpu.vector_load %arg8[%get3A_492, %get3A_493] {strides = array<i32>} : memref<159x64xi32, #tpu.memory_space<vmem>>, vector<1x16xi32>,
          %get3A_495 = vector.shape_cast %get3A_494 : vector<1x16xi32> to vector<16xi32>
          %shift_right_logical3A_496 = arith.constant 16 : i32
          %shift_right_logical3A_497 = vector.broadcast %shift_right_logical3A_496 : i32 to vector<16xi32>
          %shift_right_logical3A_498 = arith.shrui %get3A_495, %shift_right_logical3A_497 : vector<16xi32>
          %swap3A_499 = arith.constant 0 : i32
          %swap3A_500 = arith.constant 0 : i32
          %swap3A_501 = arith.index_cast %swap3A_499 : i32 to index
          %swap3A_502 = arith.index_cast %swap3A_500 : i32 to index
          %swap3A_503 = arith.constant 48 : index
          %swap3A_504 = tpu.vector_load %arg9[%swap3A_501, %swap3A_502, %swap3A_503] {strides = array<i32>} : memref<3x2x64xi32, #tpu.memory_space<vmem>>, vector<1x1x16xi32>,
          %swap3A_505 = vector.shape_cast %swap3A_504 : vector<1x1x16xi32> to vector<16xi32>
          %swap3A_506 = vector.shape_cast %shift_right_logical3A_498 : vector<16xi32> to vector<1x1x16xi32>
          tpu.vector_store %arg9[%swap3A_501, %swap3A_502, %swap3A_503], %swap3A_506 {strides = array<i32>} : memref<3x2x64xi32, #tpu.memory_space<vmem>>, vector<1x1x16xi32>,
          %and3A_507 = arith.constant 65535 : i32
          %and3A_508 = vector.broadcast %and3A_507 : i32 to vector<16xi32>
          %and3A_509 = arith.andi %get3A_495, %and3A_508 : vector<16xi32>
          %swap3A_510 = arith.constant 0 : i32
          %swap3A_511 = arith.constant 1 : i32
          %swap3A_512 = arith.index_cast %swap3A_510 : i32 to index
          %swap3A_513 = arith.index_cast %swap3A_511 : i32 to index
          %swap3A_514 = arith.constant 48 : index
          %swap3A_515 = tpu.vector_load %arg9[%swap3A_512, %swap3A_513, %swap3A_514] {strides = array<i32>} : memref<3x2x64xi32, #tpu.memory_space<vmem>>, vector<1x1x16xi32>,
          %swap3A_516 = vector.shape_cast %swap3A_515 : vector<1x1x16xi32> to vector<16xi32>
          %swap3A_517 = vector.shape_cast %and3A_509 : vector<16xi32> to vector<1x1x16xi32>
          tpu.vector_store %arg9[%swap3A_512, %swap3A_513, %swap3A_514], %swap3A_517 {strides = array<i32>} : memref<3x2x64xi32, #tpu.memory_space<vmem>>, vector<1x1x16xi32>,
          %add3A_518 = arith.constant 2 : i32
          %add3A_519 = arith.addi %add3A_341, %add3A_518 : i32
          %dma_start3A_520 = arith.constant 0 : i32
          %dma_start3A_521 = arith.constant 0 : i32
          %dma_start3A_522 = arith.constant 0 : i32
          %dma_start3A_523 = tpu.memref_slice %arg9[%dma_start3A_520, %dma_start3A_521, %dma_start3A_522] : memref<3x2x64xi32, #tpu.memory_space<vmem>> -> memref<1x1x64xi32, #tpu.memory_space<vmem>>
          %dma_start3A_524 = tpu.memref_squeeze %dma_start3A_523 : memref<1x1x64xi32, #tpu.memory_space<vmem>> -> memref<64xi32, #tpu.memory_space<vmem>>
          %dma_start3A_525 = arith.constant 0 : i32
          %dma_start3A_526 = arith.constant 0 : i32
          %dma_start3A_527 = tpu.memref_slice %arg3[%dma_start3A_525, %dma_start3A_526] : memref<10000x144xf32, #tpu.memory_space<hbm>> -> memref<10000x144xf32, #tpu.memory_space<hbm>>
          tpu.enqueue_indirect_dma source(%dma_start3A_527 : memref<10000x144xf32, #tpu.memory_space<hbm>>) target(%arg10 : memref<64x144xf32, #tpu.memory_space<vmem>>) offsets(%dma_start3A_524 : memref<64xi32, #tpu.memory_space<vmem>>) semaphore(%arg13 : memref<!tpu.dma_semaphore, #tpu.memory_space<semaphore_mem>>)
        } else {
        }
        %mul3A_375 = arith.constant 3 : i32
        %mul3A_376 = arith.muli %mul3A_375, %scan3A_302 : i32
        %add3A_377 = arith.constant 2 : i32
        %add3A_378 = arith.addi %mul3A_376, %add3A_377 : i32
        %dma_wait3A_379 = arith.constant 2 : i32
        %dma_wait3A_380 = arith.constant 0 : i32
        %dma_wait3A_381 = arith.constant 0 : i32
        %dma_wait3A_382 = tpu.memref_slice %arg9[%dma_wait3A_379, %dma_wait3A_380, %dma_wait3A_381] : memref<3x2x64xi32, #tpu.memory_space<vmem>> -> memref<1x1x64xi32, #tpu.memory_space<vmem>>
        %dma_wait3A_383 = tpu.memref_squeeze %dma_wait3A_382 : memref<1x1x64xi32, #tpu.memory_space<vmem>> -> memref<64xi32, #tpu.memory_space<vmem>>
        %dma_wait3A_384 = arith.constant 0 : i32
        %dma_wait3A_385 = arith.constant 0 : i32
        %dma_wait3A_386 = tpu.memref_slice %arg3[%dma_wait3A_384, %dma_wait3A_385] : memref<10000x144xf32, #tpu.memory_space<hbm>> -> memref<10000x144xf32, #tpu.memory_space<hbm>>
        tpu.wait_indirect_dma semaphore(%arg15 : memref<!tpu.dma_semaphore, #tpu.memory_space<semaphore_mem>>) src(%dma_wait3A_386 : memref<10000x144xf32, #tpu.memory_space<hbm>>) dst(%arg12 : memref<64x144xf32, #tpu.memory_space<vmem>>)
        %dma_start3A_387 = arith.constant 2 : i32
        %dma_start3A_388 = arith.constant 1 : i32
        %dma_start3A_389 = arith.constant 0 : i32
        %dma_start3A_390 = tpu.memref_slice %arg9[%dma_start3A_387, %dma_start3A_388, %dma_start3A_389] : memref<3x2x64xi32, #tpu.memory_space<vmem>> -> memref<1x1x64xi32, #tpu.memory_space<vmem>>
        %dma_start3A_391 = tpu.memref_squeeze %dma_start3A_390 : memref<1x1x64xi32, #tpu.memory_space<vmem>> -> memref<64xi32, #tpu.memory_space<vmem>>
        %dma_start3A_392 = arith.constant 0 : i32
        %dma_start3A_393 = arith.constant 0 : i32
        %dma_start3A_394 = tpu.memref_slice %arg7[%dma_start3A_392, %dma_start3A_393] : memref<10016x144xf32, #tpu.memory_space<vmem_shared>> -> memref<10016x144xf32, #tpu.memory_space<vmem_shared>>
        tpu.enqueue_indirect_dma source(%arg12 : memref<64x144xf32, #tpu.memory_space<vmem>>) target(%dma_start3A_394 : memref<10016x144xf32, #tpu.memory_space<vmem_shared>>) offsets(%dma_start3A_391 : memref<64xi32, #tpu.memory_space<vmem>>) semaphore(%arg18 : memref<!tpu.dma_semaphore, #tpu.memory_space<semaphore_mem>>) {add = true}
        %ge3A_395 = arith.constant 1 : i32
        %ge3A_396 = arith.cmpi sge, %add3A_378, %ge3A_395 : i32
        %add3A_397 = arith.constant 2 : i32
        %add3A_398 = arith.addi %add3A_378, %add3A_397 : i32
        %lt3A_399 = arith.constant 159 : i32
        %lt3A_400 = arith.cmpi slt, %add3A_398, %lt3A_399 : i32
        %and3A_401 = arith.andi %ge3A_396, %lt3A_400 : i1
        %convert_element_type3A_402 = arith.extui %and3A_401 : i1 to i32
        %cond3A_403 = arith.constant 0 : i32
        %cond3A_404 = arith.cmpi ne, %convert_element_type3A_402, %cond3A_403 : i32
        scf.if %cond3A_404 {
          %dma_wait3A_412 = arith.constant 1 : i32
          %dma_wait3A_413 = arith.constant 1 : i32
          %dma_wait3A_414 = arith.constant 0 : i32
          %dma_wait3A_415 = tpu.memref_slice %arg9[%dma_wait3A_412, %dma_wait3A_413, %dma_wait3A_414] : memref<3x2x64xi32, #tpu.memory_space<vmem>> -> memref<1x1x64xi32, #tpu.memory_space<vmem>>
          %dma_wait3A_416 = tpu.memref_squeeze %dma_wait3A_415 : memref<1x1x64xi32, #tpu.memory_space<vmem>> -> memref<64xi32, #tpu.memory_space<vmem>>
          %dma_wait3A_417 = arith.constant 0 : i32
          %dma_wait3A_418 = arith.constant 0 : i32
          %dma_wait3A_419 = tpu.memref_slice %arg7[%dma_wait3A_417, %dma_wait3A_418] : memref<10016x144xf32, #tpu.memory_space<vmem_shared>> -> memref<10016x144xf32, #tpu.memory_space<vmem_shared>>
          tpu.wait_indirect_dma semaphore(%arg17 : memref<!tpu.dma_semaphore, #tpu.memory_space<semaphore_mem>>) src(%arg11 : memref<64x144xf32, #tpu.memory_space<vmem>>) dst(%dma_wait3A_419 : memref<10016x144xf32, #tpu.memory_space<vmem_shared>>)
        } else {
        }
        %add3A_405 = arith.constant 2 : i32
        %add3A_406 = arith.addi %add3A_378, %add3A_405 : i32
        %lt3A_407 = arith.constant 159 : i32
        %lt3A_408 = arith.cmpi slt, %add3A_406, %lt3A_407 : i32
        %convert_element_type3A_409 = arith.extui %lt3A_408 : i1 to i32
        %cond3A_410 = arith.constant 0 : i32
        %cond3A_411 = arith.cmpi ne, %convert_element_type3A_409, %cond3A_410 : i32
        scf.if %cond3A_411 {
          %add3A_412 = arith.constant 2 : i32
          %add3A_413 = arith.addi %add3A_378, %add3A_412 : i32
          %get3A_414 = arith.index_cast %add3A_413 : i32 to index
          %get3A_415 = arith.constant 0 : index
          %get3A_416 = tpu.vector_load %arg8[%get3A_414, %get3A_415] {strides = array<i32>} : memref<159x64xi32, #tpu.memory_space<vmem>>, vector<1x16xi32>,
          %get3A_417 = vector.shape_cast %get3A_416 : vector<1x16xi32> to vector<16xi32>
          %shift_right_logical3A_418 = arith.constant 16 : i32
          %shift_right_logical3A_419 = vector.broadcast %shift_right_logical3A_418 : i32 to vector<16xi32>
          %shift_right_logical3A_420 = arith.shrui %get3A_417, %shift_right_logical3A_419 : vector<16xi32>
          %swap3A_421 = arith.constant 1 : i32
          %swap3A_422 = arith.constant 0 : i32
          %swap3A_423 = arith.index_cast %swap3A_421 : i32 to index
          %swap3A_424 = arith.index_cast %swap3A_422 : i32 to index
          %swap3A_425 = arith.constant 0 : index
          %swap3A_426 = tpu.vector_load %arg9[%swap3A_423, %swap3A_424, %swap3A_425] {strides = array<i32>} : memref<3x2x64xi32, #tpu.memory_space<vmem>>, vector<1x1x16xi32>,
          %swap3A_427 = vector.shape_cast %swap3A_426 : vector<1x1x16xi32> to vector<16xi32>
          %swap3A_428 = vector.shape_cast %shift_right_logical3A_420 : vector<16xi32> to vector<1x1x16xi32>
          tpu.vector_store %arg9[%swap3A_423, %swap3A_424, %swap3A_425], %swap3A_428 {strides = array<i32>} : memref<3x2x64xi32, #tpu.memory_space<vmem>>, vector<1x1x16xi32>,
          %and3A_429 = arith.constant 65535 : i32
          %and3A_430 = vector.broadcast %and3A_429 : i32 to vector<16xi32>
          %and3A_431 = arith.andi %get3A_417, %and3A_430 : vector<16xi32>
          %swap3A_432 = arith.constant 1 : i32
          %swap3A_433 = arith.constant 1 : i32
          %swap3A_434 = arith.index_cast %swap3A_432 : i32 to index
          %swap3A_435 = arith.index_cast %swap3A_433 : i32 to index
          %swap3A_436 = arith.constant 0 : index
          %swap3A_437 = tpu.vector_load %arg9[%swap3A_434, %swap3A_435, %swap3A_436] {strides = array<i32>} : memref<3x2x64xi32, #tpu.memory_space<vmem>>, vector<1x1x16xi32>,
          %swap3A_438 = vector.shape_cast %swap3A_437 : vector<1x1x16xi32> to vector<16xi32>
          %swap3A_439 = vector.shape_cast %and3A_431 : vector<16xi32> to vector<1x1x16xi32>
          tpu.vector_store %arg9[%swap3A_434, %swap3A_435, %swap3A_436], %swap3A_439 {strides = array<i32>} : memref<3x2x64xi32, #tpu.memory_space<vmem>>, vector<1x1x16xi32>,
          %get3A_440 = arith.index_cast %add3A_413 : i32 to index
          %get3A_441 = arith.constant 16 : index
          %get3A_442 = tpu.vector_load %arg8[%get3A_440, %get3A_441] {strides = array<i32>} : memref<159x64xi32, #tpu.memory_space<vmem>>, vector<1x16xi32>,
          %get3A_443 = vector.shape_cast %get3A_442 : vector<1x16xi32> to vector<16xi32>
          %shift_right_logical3A_444 = arith.constant 16 : i32
          %shift_right_logical3A_445 = vector.broadcast %shift_right_logical3A_444 : i32 to vector<16xi32>
          %shift_right_logical3A_446 = arith.shrui %get3A_443, %shift_right_logical3A_445 : vector<16xi32>
          %swap3A_447 = arith.constant 1 : i32
          %swap3A_448 = arith.constant 0 : i32
          %swap3A_449 = arith.index_cast %swap3A_447 : i32 to index
          %swap3A_450 = arith.index_cast %swap3A_448 : i32 to index
          %swap3A_451 = arith.constant 16 : index
          %swap3A_452 = tpu.vector_load %arg9[%swap3A_449, %swap3A_450, %swap3A_451] {strides = array<i32>} : memref<3x2x64xi32, #tpu.memory_space<vmem>>, vector<1x1x16xi32>,
          %swap3A_453 = vector.shape_cast %swap3A_452 : vector<1x1x16xi32> to vector<16xi32>
          %swap3A_454 = vector.shape_cast %shift_right_logical3A_446 : vector<16xi32> to vector<1x1x16xi32>
          tpu.vector_store %arg9[%swap3A_449, %swap3A_450, %swap3A_451], %swap3A_454 {strides = array<i32>} : memref<3x2x64xi32, #tpu.memory_space<vmem>>, vector<1x1x16xi32>,
          %and3A_455 = arith.constant 65535 : i32
          %and3A_456 = vector.broadcast %and3A_455 : i32 to vector<16xi32>
          %and3A_457 = arith.andi %get3A_443, %and3A_456 : vector<16xi32>
          %swap3A_458 = arith.constant 1 : i32
          %swap3A_459 = arith.constant 1 : i32
          %swap3A_460 = arith.index_cast %swap3A_458 : i32 to index
          %swap3A_461 = arith.index_cast %swap3A_459 : i32 to index
          %swap3A_462 = arith.constant 16 : index
          %swap3A_463 = tpu.vector_load %arg9[%swap3A_460, %swap3A_461, %swap3A_462] {strides = array<i32>} : memref<3x2x64xi32, #tpu.memory_space<vmem>>, vector<1x1x16xi32>,
          %swap3A_464 = vector.shape_cast %swap3A_463 : vector<1x1x16xi32> to vector<16xi32>
          %swap3A_465 = vector.shape_cast %and3A_457 : vector<16xi32> to vector<1x1x16xi32>
          tpu.vector_store %arg9[%swap3A_460, %swap3A_461, %swap3A_462], %swap3A_465 {strides = array<i32>} : memref<3x2x64xi32, #tpu.memory_space<vmem>>, vector<1x1x16xi32>,
          %get3A_466 = arith.index_cast %add3A_413 : i32 to index
          %get3A_467 = arith.constant 32 : index
          %get3A_468 = tpu.vector_load %arg8[%get3A_466, %get3A_467] {strides = array<i32>} : memref<159x64xi32, #tpu.memory_space<vmem>>, vector<1x16xi32>,
          %get3A_469 = vector.shape_cast %get3A_468 : vector<1x16xi32> to vector<16xi32>
          %shift_right_logical3A_470 = arith.constant 16 : i32
          %shift_right_logical3A_471 = vector.broadcast %shift_right_logical3A_470 : i32 to vector<16xi32>
          %shift_right_logical3A_472 = arith.shrui %get3A_469, %shift_right_logical3A_471 : vector<16xi32>
          %swap3A_473 = arith.constant 1 : i32
          %swap3A_474 = arith.constant 0 : i32
          %swap3A_475 = arith.index_cast %swap3A_473 : i32 to index
          %swap3A_476 = arith.index_cast %swap3A_474 : i32 to index
          %swap3A_477 = arith.constant 32 : index
          %swap3A_478 = tpu.vector_load %arg9[%swap3A_475, %swap3A_476, %swap3A_477] {strides = array<i32>} : memref<3x2x64xi32, #tpu.memory_space<vmem>>, vector<1x1x16xi32>,
          %swap3A_479 = vector.shape_cast %swap3A_478 : vector<1x1x16xi32> to vector<16xi32>
          %swap3A_480 = vector.shape_cast %shift_right_logical3A_472 : vector<16xi32> to vector<1x1x16xi32>
          tpu.vector_store %arg9[%swap3A_475, %swap3A_476, %swap3A_477], %swap3A_480 {strides = array<i32>} : memref<3x2x64xi32, #tpu.memory_space<vmem>>, vector<1x1x16xi32>,
          %and3A_481 = arith.constant 65535 : i32
          %and3A_482 = vector.broadcast %and3A_481 : i32 to vector<16xi32>
          %and3A_483 = arith.andi %get3A_469, %and3A_482 : vector<16xi32>
          %swap3A_484 = arith.constant 1 : i32
          %swap3A_485 = arith.constant 1 : i32
          %swap3A_486 = arith.index_cast %swap3A_484 : i32 to index
          %swap3A_487 = arith.index_cast %swap3A_485 : i32 to index
          %swap3A_488 = arith.constant 32 : index
          %swap3A_489 = tpu.vector_load %arg9[%swap3A_486, %swap3A_487, %swap3A_488] {strides = array<i32>} : memref<3x2x64xi32, #tpu.memory_space<vmem>>, vector<1x1x16xi32>,
          %swap3A_490 = vector.shape_cast %swap3A_489 : vector<1x1x16xi32> to vector<16xi32>
          %swap3A_491 = vector.shape_cast %and3A_483 : vector<16xi32> to vector<1x1x16xi32>
          tpu.vector_store %arg9[%swap3A_486, %swap3A_487, %swap3A_488], %swap3A_491 {strides = array<i32>} : memref<3x2x64xi32, #tpu.memory_space<vmem>>, vector<1x1x16xi32>,
          %get3A_492 = arith.index_cast %add3A_413 : i32 to index
          %get3A_493 = arith.constant 48 : index
          %get3A_494 = tpu.vector_load %arg8[%get3A_492, %get3A_493] {strides = array<i32>} : memref<159x64xi32, #tpu.memory_space<vmem>>, vector<1x16xi32>,
          %get3A_495 = vector.shape_cast %get3A_494 : vector<1x16xi32> to vector<16xi32>
          %shift_right_logical3A_496 = arith.constant 16 : i32
          %shift_right_logical3A_497 = vector.broadcast %shift_right_logical3A_496 : i32 to vector<16xi32>
          %shift_right_logical3A_498 = arith.shrui %get3A_495, %shift_right_logical3A_497 : vector<16xi32>
          %swap3A_499 = arith.constant 1 : i32
          %swap3A_500 = arith.constant 0 : i32
          %swap3A_501 = arith.index_cast %swap3A_499 : i32 to index
          %swap3A_502 = arith.index_cast %swap3A_500 : i32 to index
          %swap3A_503 = arith.constant 48 : index
          %swap3A_504 = tpu.vector_load %arg9[%swap3A_501, %swap3A_502, %swap3A_503] {strides = array<i32>} : memref<3x2x64xi32, #tpu.memory_space<vmem>>, vector<1x1x16xi32>,
          %swap3A_505 = vector.shape_cast %swap3A_504 : vector<1x1x16xi32> to vector<16xi32>
          %swap3A_506 = vector.shape_cast %shift_right_logical3A_498 : vector<16xi32> to vector<1x1x16xi32>
          tpu.vector_store %arg9[%swap3A_501, %swap3A_502, %swap3A_503], %swap3A_506 {strides = array<i32>} : memref<3x2x64xi32, #tpu.memory_space<vmem>>, vector<1x1x16xi32>,
          %and3A_507 = arith.constant 65535 : i32
          %and3A_508 = vector.broadcast %and3A_507 : i32 to vector<16xi32>
          %and3A_509 = arith.andi %get3A_495, %and3A_508 : vector<16xi32>
          %swap3A_510 = arith.constant 1 : i32
          %swap3A_511 = arith.constant 1 : i32
          %swap3A_512 = arith.index_cast %swap3A_510 : i32 to index
          %swap3A_513 = arith.index_cast %swap3A_511 : i32 to index
          %swap3A_514 = arith.constant 48 : index
          %swap3A_515 = tpu.vector_load %arg9[%swap3A_512, %swap3A_513, %swap3A_514] {strides = array<i32>} : memref<3x2x64xi32, #tpu.memory_space<vmem>>, vector<1x1x16xi32>,
          %swap3A_516 = vector.shape_cast %swap3A_515 : vector<1x1x16xi32> to vector<16xi32>
          %swap3A_517 = vector.shape_cast %and3A_509 : vector<16xi32> to vector<1x1x16xi32>
          tpu.vector_store %arg9[%swap3A_512, %swap3A_513, %swap3A_514], %swap3A_517 {strides = array<i32>} : memref<3x2x64xi32, #tpu.memory_space<vmem>>, vector<1x1x16xi32>,
          %add3A_518 = arith.constant 2 : i32
          %add3A_519 = arith.addi %add3A_378, %add3A_518 : i32
          %dma_start3A_520 = arith.constant 1 : i32
          %dma_start3A_521 = arith.constant 0 : i32
          %dma_start3A_522 = arith.constant 0 : i32
          %dma_start3A_523 = tpu.memref_slice %arg9[%dma_start3A_520, %dma_start3A_521, %dma_start3A_522] : memref<3x2x64xi32, #tpu.memory_space<vmem>> -> memref<1x1x64xi32, #tpu.memory_space<vmem>>
          %dma_start3A_524 = tpu.memref_squeeze %dma_start3A_523 : memref<1x1x64xi32, #tpu.memory_space<vmem>> -> memref<64xi32, #tpu.memory_space<vmem>>
          %dma_start3A_525 = arith.constant 0 : i32
          %dma_start3A_526 = arith.constant 0 : i32
          %dma_start3A_527 = tpu.memref_slice %arg3[%dma_start3A_525, %dma_start3A_526] : memref<10000x144xf32, #tpu.memory_space<hbm>> -> memref<10000x144xf32, #tpu.memory_space<hbm>>
          tpu.enqueue_indirect_dma source(%dma_start3A_527 : memref<10000x144xf32, #tpu.memory_space<hbm>>) target(%arg11 : memref<64x144xf32, #tpu.memory_space<vmem>>) offsets(%dma_start3A_524 : memref<64xi32, #tpu.memory_space<vmem>>) semaphore(%arg14 : memref<!tpu.dma_semaphore, #tpu.memory_space<semaphore_mem>>)
        } else {
        }
      }
      %scan3A_278 = arith.constant 53 : i32
      %dma_wait3A = arith.constant 0 : i32
      %dma_wait3A_279 = arith.constant 1 : i32
      %dma_wait3A_280 = arith.constant 0 : i32
      %dma_wait3A_281 = tpu.memref_slice %arg9[%dma_wait3A, %dma_wait3A_279, %dma_wait3A_280] : memref<3x2x64xi32, #tpu.memory_space<vmem>> -> memref<1x1x64xi32, #tpu.memory_space<vmem>>
      %dma_wait3A_282 = tpu.memref_squeeze %dma_wait3A_281 : memref<1x1x64xi32, #tpu.memory_space<vmem>> -> memref<64xi32, #tpu.memory_space<vmem>>
      %dma_wait3A_283 = arith.constant 0 : i32
      %dma_wait3A_284 = arith.constant 0 : i32
      %dma_wait3A_285 = tpu.memref_slice %arg7[%dma_wait3A_283, %dma_wait3A_284] : memref<10016x144xf32, #tpu.memory_space<vmem_shared>> -> memref<10016x144xf32, #tpu.memory_space<vmem_shared>>
      tpu.wait_indirect_dma semaphore(%arg16 : memref<!tpu.dma_semaphore, #tpu.memory_space<semaphore_mem>>) src(%arg10 : memref<64x144xf32, #tpu.memory_space<vmem>>) dst(%dma_wait3A_285 : memref<10016x144xf32, #tpu.memory_space<vmem_shared>>)
      %dma_wait3A_286 = arith.constant 1 : i32
      %dma_wait3A_287 = arith.constant 1 : i32
      %dma_wait3A_288 = arith.constant 0 : i32
      %dma_wait3A_289 = tpu.memref_slice %arg9[%dma_wait3A_286, %dma_wait3A_287, %dma_wait3A_288] : memref<3x2x64xi32, #tpu.memory_space<vmem>> -> memref<1x1x64xi32, #tpu.memory_space<vmem>>
      %dma_wait3A_290 = tpu.memref_squeeze %dma_wait3A_289 : memref<1x1x64xi32, #tpu.memory_space<vmem>> -> memref<64xi32, #tpu.memory_space<vmem>>
      %dma_wait3A_291 = arith.constant 0 : i32
      %dma_wait3A_292 = arith.constant 0 : i32
      %dma_wait3A_293 = tpu.memref_slice %arg7[%dma_wait3A_291, %dma_wait3A_292] : memref<10016x144xf32, #tpu.memory_space<vmem_shared>> -> memref<10016x144xf32, #tpu.memory_space<vmem_shared>>
      tpu.wait_indirect_dma semaphore(%arg17 : memref<!tpu.dma_semaphore, #tpu.memory_space<semaphore_mem>>) src(%arg11 : memref<64x144xf32, #tpu.memory_space<vmem>>) dst(%dma_wait3A_293 : memref<10016x144xf32, #tpu.memory_space<vmem_shared>>)
      %dma_wait3A_294 = arith.constant 2 : i32
      %dma_wait3A_295 = arith.constant 1 : i32
      %dma_wait3A_296 = arith.constant 0 : i32
      %dma_wait3A_297 = tpu.memref_slice %arg9[%dma_wait3A_294, %dma_wait3A_295, %dma_wait3A_296] : memref<3x2x64xi32, #tpu.memory_space<vmem>> -> memref<1x1x64xi32, #tpu.memory_space<vmem>>
      %dma_wait3A_298 = tpu.memref_squeeze %dma_wait3A_297 : memref<1x1x64xi32, #tpu.memory_space<vmem>> -> memref<64xi32, #tpu.memory_space<vmem>>
      %dma_wait3A_299 = arith.constant 0 : i32
      %dma_wait3A_300 = arith.constant 0 : i32
      %dma_wait3A_301 = tpu.memref_slice %arg7[%dma_wait3A_299, %dma_wait3A_300] : memref<10016x144xf32, #tpu.memory_space<vmem_shared>> -> memref<10016x144xf32, #tpu.memory_space<vmem_shared>>
      tpu.wait_indirect_dma semaphore(%arg18 : memref<!tpu.dma_semaphore, #tpu.memory_space<semaphore_mem>>) src(%arg12 : memref<64x144xf32, #tpu.memory_space<vmem>>) dst(%dma_wait3A_301 : memref<10016x144xf32, #tpu.memory_space<vmem_shared>>)
    } else {
    }
    %barrier3A_35 = arith.constant 0 : index
    tpu.barrier barrier_id(%barrier3A_35)
    %eq3A_36 = arith.constant 0 : i32
    %eq3A_37 = arith.cmpi eq, %arg0, %eq3A_36 : i32
    %convert_element_type3A_38 = arith.extui %eq3A_37 : i1 to i32
    %cond3A_39 = arith.constant 0 : i32
    %cond3A_40 = arith.cmpi ne, %convert_element_type3A_38, %cond3A_39 : i32
    scf.if %cond3A_40 {
      "tpu.region"() ({
        %run_scoped3A = tpu.sem_alloc : memref<!tpu.dma_semaphore, #tpu.memory_space<semaphore_mem>>
        %dma_start3A = arith.constant 0 : i32
        %dma_start3A_46 = tpu.memref_slice %arg5[%mul3A_0, %dma_start3A] : memref<10016x144xf32, #tpu.memory_space<hbm>> -> memref<626x144xf32, #tpu.memory_space<hbm>>
        %dma_start3A_47 = arith.constant 0 : i32
        %dma_start3A_48 = tpu.memref_slice %arg7[%mul3A_0, %dma_start3A_47] : memref<10016x144xf32, #tpu.memory_space<vmem_shared>> -> memref<626x144xf32, #tpu.memory_space<vmem_shared>>
        tpu.enqueue_dma source(%dma_start3A_48 : memref<626x144xf32, #tpu.memory_space<vmem_shared>>) target(%dma_start3A_46 : memref<626x144xf32, #tpu.memory_space<hbm>>) target_semaphore(%run_scoped3A : memref<!tpu.dma_semaphore, #tpu.memory_space<semaphore_mem>>)
        %dma_wait3A = arith.constant 0 : i32
        %dma_wait3A_49 = tpu.memref_slice %arg5[%mul3A_0, %dma_wait3A] : memref<10016x144xf32, #tpu.memory_space<hbm>> -> memref<626x144xf32, #tpu.memory_space<hbm>>
        %dma_wait3A_50 = arith.constant 0 : i32
        %dma_wait3A_51 = tpu.memref_slice %arg7[%mul3A_0, %dma_wait3A_50] : memref<10016x144xf32, #tpu.memory_space<vmem_shared>> -> memref<626x144xf32, #tpu.memory_space<vmem_shared>>
        tpu.wait_dma2 semaphore(%run_scoped3A : memref<!tpu.dma_semaphore, #tpu.memory_space<semaphore_mem>>) src(%dma_wait3A_51 : memref<626x144xf32, #tpu.memory_space<vmem_shared>>) dst(%dma_wait3A_49 : memref<626x144xf32, #tpu.memory_space<hbm>>)
        tpu.yield
      }) : () -> ()
    } else {
    }
    %eq3A_41 = arith.constant 1 : i32
    %eq3A_42 = arith.cmpi eq, %arg0, %eq3A_41 : i32
    %convert_element_type3A_43 = arith.extui %eq3A_42 : i1 to i32
    %cond3A_44 = arith.constant 0 : i32
    %cond3A_45 = arith.cmpi ne, %convert_element_type3A_43, %cond3A_44 : i32
    scf.if %cond3A_45 {
      "tpu.region"() ({
        %run_scoped3A = tpu.sem_alloc : memref<!tpu.dma_semaphore, #tpu.memory_space<semaphore_mem>>
        %dma_start3A = arith.constant 0 : i32
        %dma_start3A_46 = tpu.memref_slice %arg6[%mul3A_0, %dma_start3A] : memref<10016x144xf32, #tpu.memory_space<hbm>> -> memref<626x144xf32, #tpu.memory_space<hbm>>
        %dma_start3A_47 = arith.constant 0 : i32
        %dma_start3A_48 = tpu.memref_slice %arg7[%mul3A_0, %dma_start3A_47] : memref<10016x144xf32, #tpu.memory_space<vmem_shared>> -> memref<626x144xf32, #tpu.memory_space<vmem_shared>>
        tpu.enqueue_dma source(%dma_start3A_48 : memref<626x144xf32, #tpu.memory_space<vmem_shared>>) target(%dma_start3A_46 : memref<626x144xf32, #tpu.memory_space<hbm>>) target_semaphore(%run_scoped3A : memref<!tpu.dma_semaphore, #tpu.memory_space<semaphore_mem>>)
        %dma_wait3A = arith.constant 0 : i32
        %dma_wait3A_49 = tpu.memref_slice %arg6[%mul3A_0, %dma_wait3A] : memref<10016x144xf32, #tpu.memory_space<hbm>> -> memref<626x144xf32, #tpu.memory_space<hbm>>
        %dma_wait3A_50 = arith.constant 0 : i32
        %dma_wait3A_51 = tpu.memref_slice %arg7[%mul3A_0, %dma_wait3A_50] : memref<10016x144xf32, #tpu.memory_space<vmem_shared>> -> memref<626x144xf32, #tpu.memory_space<vmem_shared>>
        tpu.wait_dma2 semaphore(%run_scoped3A : memref<!tpu.dma_semaphore, #tpu.memory_space<semaphore_mem>>) src(%dma_wait3A_51 : memref<626x144xf32, #tpu.memory_space<vmem_shared>>) dst(%dma_wait3A_49 : memref<626x144xf32, #tpu.memory_space<hbm>>)
        tpu.yield
      }) : () -> ()
    } else {
    }
    return
  }
}

module attributes {stable_mosaic.version = 14 : i64} {
  func.func @_stage1_body(%arg0: i32, %arg1: memref<2000x256xf32, #tpu.memory_space<vmem>>, %arg2: memref<1x256xf32, #tpu.memory_space<vmem>>, %arg3: memref<1x256xf32, #tpu.memory_space<vmem>>, %arg4: memref<256x256xbf16, #tpu.memory_space<vmem>>, %arg5: memref<1x256xf32, #tpu.memory_space<vmem>>, %arg6: memref<256x256xbf16, #tpu.memory_space<vmem>>, %arg7: memref<1x256xf32, #tpu.memory_space<vmem>>, %arg8: memref<256x512xbf16, #tpu.memory_space<vmem>>, %arg9: memref<1x512xf32, #tpu.memory_space<vmem>>, %arg10: memref<256x256xbf16, #tpu.memory_space<vmem>>, %arg11: memref<1x256xf32, #tpu.memory_space<vmem>>, %arg12: memref<2x128xf32, #tpu.memory_space<vmem>>, %arg13: memref<128x256xf32, #tpu.memory_space<vmem>>, %arg14: memref<1x256xf32, #tpu.memory_space<vmem>>, %arg15: memref<256x256xf32, #tpu.memory_space<vmem>>, %arg16: memref<1x256xf32, #tpu.memory_space<vmem>>, %arg17: memref<256x8xf32, #tpu.memory_space<vmem>>, %arg18: memref<8x256xf32, #tpu.memory_space<vmem>>, %arg19: memref<1x256xf32, #tpu.memory_space<vmem>>, %arg20: memref<1x256xf32, #tpu.memory_space<vmem>>, %arg21: memref<256x256xbf16, #tpu.memory_space<vmem>>, %arg22: memref<1x256xf32, #tpu.memory_space<vmem>>, %arg23: memref<256x256xbf16, #tpu.memory_space<vmem>>, %arg24: memref<1x256xf32, #tpu.memory_space<vmem>>, %arg25: memref<4x128xf32, #tpu.memory_space<vmem>>, %arg26: memref<128x256xf32, #tpu.memory_space<vmem>>, %arg27: memref<1x256xf32, #tpu.memory_space<vmem>>, %arg28: memref<256x256xf32, #tpu.memory_space<vmem>>, %arg29: memref<1x256xf32, #tpu.memory_space<vmem>>, %arg30: memref<2000x144xf32, #tpu.memory_space<vmem>>, %arg31: memref<2000x144xf32, #tpu.memory_space<vmem>>, %arg32: memref<2000x256xf32, #tpu.memory_space<vmem>>, %arg33: memref<1x256xf32, #tpu.memory_space<vmem>>, %arg34: memref<4x256xf32, #tpu.memory_space<vmem>>, %arg35: memref<1x256xf32, #tpu.memory_space<vmem>>, %arg36: memref<1x8xf32, #tpu.memory_space<vmem>>) attributes {dimension_semantics = [#tpu.dimension_semantics<arbitrary>], iteration_bounds = array<i64: 5>, scalar_prefetch = 0 : i64, scratch_operands = 2 : i64, tpu.core_type = #tpu.core_type<tc>, window_params = [{transform_indices = @transform_0, window_bounds = array<i64: 2000, 256>}, {pipeline_mode = #tpu.pipeline_mode<synchronous>, transform_indices = @transform_1, window_bounds = array<i64: 1, 256>}, {pipeline_mode = #tpu.pipeline_mode<synchronous>, transform_indices = @transform_2, window_bounds = array<i64: 1, 256>}, {pipeline_mode = #tpu.pipeline_mode<synchronous>, transform_indices = @transform_3, window_bounds = array<i64: 256, 256>}, {pipeline_mode = #tpu.pipeline_mode<synchronous>, transform_indices = @transform_4, window_bounds = array<i64: 1, 256>}, {pipeline_mode = #tpu.pipeline_mode<synchronous>, transform_indices = @transform_5, window_bounds = array<i64: 256, 256>}, {pipeline_mode = #tpu.pipeline_mode<synchronous>, transform_indices = @transform_6, window_bounds = array<i64: 1, 256>}, {pipeline_mode = #tpu.pipeline_mode<synchronous>, transform_indices = @transform_7, window_bounds = array<i64: 256, 512>}, {pipeline_mode = #tpu.pipeline_mode<synchronous>, transform_indices = @transform_8, window_bounds = array<i64: 1, 512>}, {pipeline_mode = #tpu.pipeline_mode<synchronous>, transform_indices = @transform_9, window_bounds = array<i64: 256, 256>}, {pipeline_mode = #tpu.pipeline_mode<synchronous>, transform_indices = @transform_10, window_bounds = array<i64: 1, 256>}, {pipeline_mode = #tpu.pipeline_mode<synchronous>, transform_indices = @transform_11, window_bounds = array<i64: 2, 128>}, {pipeline_mode = #tpu.pipeline_mode<synchronous>, transform_indices = @transform_12, window_bounds = array<i64: 128, 256>}, {pipeline_mode = #tpu.pipeline_mode<synchronous>, transform_indices = @transform_13, window_bounds = array<i64: 1, 256>}, {pipeline_mode = #tpu.pipeline_mode<synchronous>, transform_indices = @transform_14, window_bounds = array<i64: 256, 256>}, {pipeline_mode = #tpu.pipeline_mode<synchronous>, transform_indices = @transform_15, window_bounds = array<i64: 1, 256>}, {pipeline_mode = #tpu.pipeline_mode<synchronous>, transform_indices = @transform_16, window_bounds = array<i64: 256, 8>}, {pipeline_mode = #tpu.pipeline_mode<synchronous>, transform_indices = @transform_17, window_bounds = array<i64: 8, 256>}, {pipeline_mode = #tpu.pipeline_mode<synchronous>, transform_indices = @transform_18, window_bounds = array<i64: 1, 256>}, {pipeline_mode = #tpu.pipeline_mode<synchronous>, transform_indices = @transform_19, window_bounds = array<i64: 1, 256>}, {pipeline_mode = #tpu.pipeline_mode<synchronous>, transform_indices = @transform_20, window_bounds = array<i64: 256, 256>}, {pipeline_mode = #tpu.pipeline_mode<synchronous>, transform_indices = @transform_21, window_bounds = array<i64: 1, 256>}, {pipeline_mode = #tpu.pipeline_mode<synchronous>, transform_indices = @transform_22, window_bounds = array<i64: 256, 256>}, {pipeline_mode = #tpu.pipeline_mode<synchronous>, transform_indices = @transform_23, window_bounds = array<i64: 1, 256>}, {pipeline_mode = #tpu.pipeline_mode<synchronous>, transform_indices = @transform_24, window_bounds = array<i64: 4, 128>}, {pipeline_mode = #tpu.pipeline_mode<synchronous>, transform_indices = @transform_25, window_bounds = array<i64: 128, 256>}, {pipeline_mode = #tpu.pipeline_mode<synchronous>, transform_indices = @transform_26, window_bounds = array<i64: 1, 256>}, {pipeline_mode = #tpu.pipeline_mode<synchronous>, transform_indices = @transform_27, window_bounds = array<i64: 256, 256>}, {pipeline_mode = #tpu.pipeline_mode<synchronous>, transform_indices = @transform_28, window_bounds = array<i64: 1, 256>}, {transform_indices = @transform_29, window_bounds = array<i64: 2000, 144>}, {transform_indices = @transform_30, window_bounds = array<i64: 2000, 144>}, {transform_indices = @transform_31, window_bounds = array<i64: 2000, 256>}, {pipeline_mode = #tpu.pipeline_mode<synchronous>, transform_indices = @transform_32, window_bounds = array<i64: 1, 256>}, {pipeline_mode = #tpu.pipeline_mode<synchronous>, transform_indices = @transform_33, window_bounds = array<i64: 4, 256>}]} {
    %get3A = arith.constant 0 : index
    %get3A_0 = arith.constant 0 : index
    %get3A_1 = vector.load %arg1[%get3A, %get3A_0] : memref<2000x256xf32, #tpu.memory_space<vmem>>, vector<2000x256xf32>
    %get3A_2 = arith.constant 0 : index
    %get3A_3 = arith.constant 0 : index
    %get3A_4 = vector.load %arg2[%get3A_2, %get3A_3] : memref<1x256xf32, #tpu.memory_space<vmem>>, vector<1x256xf32>
    %get3A_5 = arith.constant 0 : index
    %get3A_6 = arith.constant 0 : index
    %get3A_7 = vector.load %arg3[%get3A_5, %get3A_6] : memref<1x256xf32, #tpu.memory_space<vmem>>, vector<1x256xf32>
    %reduce_sum3A = arith.constant dense<0.000000e+00> : vector<2000xf32>
    %reduce_sum3A_8 = vector.multi_reduction <add>, %get3A_1, %reduce_sum3A [1] : vector<2000x256xf32> to vector<2000xf32>
    %broadcast_in_dim3A = vector.shape_cast %reduce_sum3A_8 : vector<2000xf32> to vector<2000x1xf32>
    %div3A = arith.constant 2.560000e+02 : f32
    %div3A_9 = vector.broadcast %div3A : f32 to vector<2000x1xf32>
    %div3A_10 = arith.divf %broadcast_in_dim3A, %div3A_9 : vector<2000x1xf32>
    %jit3A = arith.constant 0 : i32
    %reduce_sum3A_11 = arith.constant dense<0.000000e+00> : vector<2000xf32>
    %reduce_sum3A_12 = vector.multi_reduction <add>, %get3A_1, %reduce_sum3A_11 [1] : vector<2000x256xf32> to vector<2000xf32>
    %broadcast_in_dim3A_13 = vector.shape_cast %reduce_sum3A_12 : vector<2000xf32> to vector<2000x1xf32>
    %div3A_14 = arith.constant 2.560000e+02 : f32
    %div3A_15 = vector.broadcast %div3A_14 : f32 to vector<2000x1xf32>
    %div3A_16 = arith.divf %broadcast_in_dim3A_13, %div3A_15 : vector<2000x1xf32>
    %sub3A = vector.broadcast %div3A_16 : vector<2000x1xf32> to vector<2000x256xf32>
    %sub3A_17 = arith.subf %get3A_1, %sub3A : vector<2000x256xf32>
    %square3A = arith.mulf %sub3A_17, %sub3A_17 : vector<2000x256xf32>
    %convert_element_type3A = arith.sitofp %jit3A : i32 to f32
    %sub3A_18 = arith.constant 2.560000e+02 : f32
    %sub3A_19 = arith.subf %sub3A_18, %convert_element_type3A : f32
    %reduce_sum3A_20 = arith.constant dense<0.000000e+00> : vector<2000xf32>
    %reduce_sum3A_21 = vector.multi_reduction <add>, %square3A, %reduce_sum3A_20 [1] : vector<2000x256xf32> to vector<2000xf32>
    %broadcast_in_dim3A_22 = vector.shape_cast %reduce_sum3A_21 : vector<2000xf32> to vector<2000x1xf32>
    %div3A_23 = vector.broadcast %sub3A_19 : f32 to vector<2000x1xf32>
    %div3A_24 = arith.divf %broadcast_in_dim3A_22, %div3A_23 : vector<2000x1xf32>
    %gt3A = arith.constant 0.000000e+00 : f32
    %gt3A_25 = arith.cmpf ogt, %sub3A_19, %gt3A : f32
    %jit3A_26 = arith.constant 0x7FC00000 : f32
    %broadcast_in_dim3A_27 = vector.broadcast %jit3A_26 : f32 to vector<2000x1xf32>
    %select_n3A = arith.select %gt3A_25, %div3A_24, %broadcast_in_dim3A_27 : vector<2000x1xf32>
    %sub3A_28 = vector.broadcast %div3A_10 : vector<2000x1xf32> to vector<2000x256xf32>
    %sub3A_29 = arith.subf %get3A_1, %sub3A_28 : vector<2000x256xf32>
    %add3A = arith.constant 9.99999974E-6 : f32
    %add3A_30 = vector.broadcast %add3A : f32 to vector<2000x1xf32>
    %add3A_31 = arith.addf %select_n3A, %add3A_30 : vector<2000x1xf32>
    %sqrt3A = math.sqrt %add3A_31 : vector<2000x1xf32>
    %div3A_32 = vector.broadcast %sqrt3A : vector<2000x1xf32> to vector<2000x256xf32>
    %div3A_33 = arith.divf %sub3A_29, %div3A_32 : vector<2000x256xf32>
    %mul3A = vector.broadcast %get3A_4 : vector<1x256xf32> to vector<2000x256xf32>
    %mul3A_34 = arith.mulf %div3A_33, %mul3A : vector<2000x256xf32>
    %add3A_35 = vector.broadcast %get3A_7 : vector<1x256xf32> to vector<2000x256xf32>
    %add3A_36 = arith.addf %mul3A_34, %add3A_35 : vector<2000x256xf32>
    %get3A_37 = arith.constant 0 : index
    %get3A_38 = arith.constant 0 : index
    %get3A_39 = vector.load %arg4[%get3A_37, %get3A_38] : memref<256x256xbf16, #tpu.memory_space<vmem>>, vector<256x256xbf16>
    %convert_element_type3A_40 = arith.truncf %add3A_36 : vector<2000x256xf32> to vector<2000x256xbf16>
    %dot_general3A = arith.constant dense<0.000000e+00> : vector<2000x256xf32>
    %dot_general3A_41 = tpu.matmul %convert_element_type3A_40, %get3A_39, %dot_general3A {dimension_numbers = #tpu.dot_dimension_numbers<[1], [0], [0], [1], [0, 0, 1, 1], [], []>, transpose_lhs_hint = false} : vector<2000x256xbf16>, vector<256x256xbf16>, vector<2000x256xf32> -> vector<2000x256xf32>
    %get3A_42 = arith.constant 0 : index
    %get3A_43 = arith.constant 0 : index
    %get3A_44 = vector.load %arg5[%get3A_42, %get3A_43] : memref<1x256xf32, #tpu.memory_space<vmem>>, vector<1x256xf32>
    %add3A_45 = vector.broadcast %get3A_44 : vector<1x256xf32> to vector<2000x256xf32>
    %add3A_46 = arith.addf %dot_general3A_41, %add3A_45 : vector<2000x256xf32>
    %max3A = arith.constant 0.000000e+00 : f32
    %max3A_47 = vector.broadcast %max3A : f32 to vector<2000x256xf32>
    %max3A_48 = arith.maximumf %add3A_46, %max3A_47 : vector<2000x256xf32>
    %get3A_49 = arith.constant 0 : index
    %get3A_50 = arith.constant 0 : index
    %get3A_51 = vector.load %arg6[%get3A_49, %get3A_50] : memref<256x256xbf16, #tpu.memory_space<vmem>>, vector<256x256xbf16>
    %convert_element_type3A_52 = arith.truncf %max3A_48 : vector<2000x256xf32> to vector<2000x256xbf16>
    %dot_general3A_53 = arith.constant dense<0.000000e+00> : vector<2000x256xf32>
    %dot_general3A_54 = tpu.matmul %convert_element_type3A_52, %get3A_51, %dot_general3A_53 {dimension_numbers = #tpu.dot_dimension_numbers<[1], [0], [0], [1], [0, 0, 1, 1], [], []>, transpose_lhs_hint = false} : vector<2000x256xbf16>, vector<256x256xbf16>, vector<2000x256xf32> -> vector<2000x256xf32>
    %add3A_55 = arith.addf %get3A_1, %dot_general3A_54 : vector<2000x256xf32>
    %get3A_56 = arith.constant 0 : index
    %get3A_57 = arith.constant 0 : index
    %get3A_58 = vector.load %arg7[%get3A_56, %get3A_57] : memref<1x256xf32, #tpu.memory_space<vmem>>, vector<1x256xf32>
    %add3A_59 = vector.broadcast %get3A_58 : vector<1x256xf32> to vector<2000x256xf32>
    %add3A_60 = arith.addf %add3A_55, %add3A_59 : vector<2000x256xf32>
    %get3A_61 = arith.constant 0 : index
    %get3A_62 = arith.constant 0 : index
    %get3A_63 = vector.load %arg8[%get3A_61, %get3A_62] : memref<256x512xbf16, #tpu.memory_space<vmem>>, vector<256x512xbf16>
    %convert_element_type3A_64 = arith.truncf %add3A_60 : vector<2000x256xf32> to vector<2000x256xbf16>
    %dot_general3A_65 = arith.constant dense<0.000000e+00> : vector<2000x512xf32>
    %dot_general3A_66 = tpu.matmul %convert_element_type3A_64, %get3A_63, %dot_general3A_65 {dimension_numbers = #tpu.dot_dimension_numbers<[1], [0], [0], [1], [0, 0, 1, 1], [], []>, transpose_lhs_hint = false} : vector<2000x256xbf16>, vector<256x512xbf16>, vector<2000x512xf32> -> vector<2000x512xf32>
    %get3A_67 = arith.constant 0 : index
    %get3A_68 = arith.constant 0 : index
    %get3A_69 = vector.load %arg9[%get3A_67, %get3A_68] : memref<1x512xf32, #tpu.memory_space<vmem>>, vector<1x512xf32>
    %add3A_70 = vector.broadcast %get3A_69 : vector<1x512xf32> to vector<2000x512xf32>
    %add3A_71 = arith.addf %dot_general3A_66, %add3A_70 : vector<2000x512xf32>
    %get3A_72 = arith.constant 0 : index
    %get3A_73 = arith.constant 0 : index
    %get3A_74 = vector.load %arg10[%get3A_72, %get3A_73] : memref<256x256xbf16, #tpu.memory_space<vmem>>, vector<256x256xbf16>
    %convert_element_type3A_75 = arith.truncf %add3A_60 : vector<2000x256xf32> to vector<2000x256xbf16>
    %dot_general3A_76 = arith.constant dense<0.000000e+00> : vector<2000x256xf32>
    %dot_general3A_77 = tpu.matmul %convert_element_type3A_75, %get3A_74, %dot_general3A_76 {dimension_numbers = #tpu.dot_dimension_numbers<[1], [0], [0], [1], [0, 0, 1, 1], [], []>, transpose_lhs_hint = false} : vector<2000x256xbf16>, vector<256x256xbf16>, vector<2000x256xf32> -> vector<2000x256xf32>
    %get3A_78 = arith.constant 0 : index
    %get3A_79 = arith.constant 0 : index
    %get3A_80 = vector.load %arg11[%get3A_78, %get3A_79] : memref<1x256xf32, #tpu.memory_space<vmem>>, vector<1x256xf32>
    %add3A_81 = vector.broadcast %get3A_80 : vector<1x256xf32> to vector<2000x256xf32>
    %add3A_82 = arith.addf %dot_general3A_77, %add3A_81 : vector<2000x256xf32>
    %get3A_83 = arith.constant 0 : index
    %get3A_84 = arith.constant 0 : index
    %get3A_85 = vector.load %arg12[%get3A_83, %get3A_84] : memref<2x128xf32, #tpu.memory_space<vmem>>, vector<2x128xf32>
    %get3A_86 = arith.constant 0 : index
    %get3A_87 = arith.constant 0 : index
    %get3A_88 = vector.load %arg13[%get3A_86, %get3A_87] : memref<128x256xf32, #tpu.memory_space<vmem>>, vector<128x256xf32>
    %dot_general3A_89 = arith.constant dense<0.000000e+00> : vector<2x256xf32>
    %dot_general3A_90 = tpu.matmul %get3A_85, %get3A_88, %dot_general3A_89 {dimension_numbers = #tpu.dot_dimension_numbers<[1], [0], [0], [1], [0, 0, 1, 1], [], []>, transpose_lhs_hint = false} : vector<2x128xf32>, vector<128x256xf32>, vector<2x256xf32> -> vector<2x256xf32>
    %get3A_91 = arith.constant 0 : index
    %get3A_92 = arith.constant 0 : index
    %get3A_93 = vector.load %arg14[%get3A_91, %get3A_92] : memref<1x256xf32, #tpu.memory_space<vmem>>, vector<1x256xf32>
    %add3A_94 = vector.broadcast %get3A_93 : vector<1x256xf32> to vector<2x256xf32>
    %add3A_95 = arith.addf %dot_general3A_90, %add3A_94 : vector<2x256xf32>
    %max3A_96 = arith.constant 0.000000e+00 : f32
    %max3A_97 = vector.broadcast %max3A_96 : f32 to vector<2x256xf32>
    %max3A_98 = arith.maximumf %add3A_95, %max3A_97 : vector<2x256xf32>
    %get3A_99 = arith.constant 0 : index
    %get3A_100 = arith.constant 0 : index
    %get3A_101 = vector.load %arg15[%get3A_99, %get3A_100] : memref<256x256xf32, #tpu.memory_space<vmem>>, vector<256x256xf32>
    %dot_general3A_102 = arith.constant dense<0.000000e+00> : vector<2x256xf32>
    %dot_general3A_103 = tpu.matmul %max3A_98, %get3A_101, %dot_general3A_102 {dimension_numbers = #tpu.dot_dimension_numbers<[1], [0], [0], [1], [0, 0, 1, 1], [], []>, transpose_lhs_hint = false} : vector<2x256xf32>, vector<256x256xf32>, vector<2x256xf32> -> vector<2x256xf32>
    %get3A_104 = arith.constant 0 : index
    %get3A_105 = arith.constant 0 : index
    %get3A_106 = vector.load %arg16[%get3A_104, %get3A_105] : memref<1x256xf32, #tpu.memory_space<vmem>>, vector<1x256xf32>
    %add3A_107 = vector.broadcast %get3A_106 : vector<1x256xf32> to vector<2x256xf32>
    %add3A_108 = arith.addf %dot_general3A_103, %add3A_107 : vector<2x256xf32>
    %slice3A = vector.extract_strided_slice %add3A_108 {offsets = [0, 0], sizes = [1, 256], strides = [1, 1]} : vector<2x256xf32> to vector<1x256xf32>
    %slice3A_109 = vector.extract_strided_slice %add3A_108 {offsets = [1, 0], sizes = [1, 256], strides = [1, 1]} : vector<2x256xf32> to vector<1x256xf32>
    %slice3A_110 = vector.extract_strided_slice %add3A_71 {offsets = [0, 0], sizes = [2000, 256], strides = [1, 1]} : vector<2000x512xf32> to vector<2000x256xf32>
    %slice3A_111 = vector.extract_strided_slice %add3A_71 {offsets = [0, 256], sizes = [2000, 256], strides = [1, 1]} : vector<2000x512xf32> to vector<2000x256xf32>
    %mul3A_112 = vector.broadcast %slice3A : vector<1x256xf32> to vector<2000x256xf32>
    %mul3A_113 = arith.mulf %slice3A_110, %mul3A_112 : vector<2000x256xf32>
    %get3A_114 = arith.constant 0 : index
    %get3A_115 = arith.constant 0 : index
    %get3A_116 = vector.load %arg17[%get3A_114, %get3A_115] : memref<256x8xf32, #tpu.memory_space<vmem>>, vector<256x8xf32>
    %dot_general3A_117 = arith.constant dense<0.000000e+00> : vector<2000x8xf32>
    %dot_general3A_118 = tpu.matmul %mul3A_113, %get3A_116, %dot_general3A_117 {dimension_numbers = #tpu.dot_dimension_numbers<[1], [0], [0], [1], [0, 0, 1, 1], [], []>, transpose_lhs_hint = false} : vector<2000x256xf32>, vector<256x8xf32>, vector<2000x8xf32> -> vector<2000x8xf32>
    %mul3A_119 = arith.constant 0.176776692 : f32
    %mul3A_120 = vector.broadcast %mul3A_119 : f32 to vector<2000x8xf32>
    %mul3A_121 = arith.mulf %dot_general3A_118, %mul3A_120 : vector<2000x8xf32>
    %mul3A_122 = vector.broadcast %slice3A_109 : vector<1x256xf32> to vector<2000x256xf32>
    %mul3A_123 = arith.mulf %slice3A_111, %mul3A_122 : vector<2000x256xf32>
    %get3A_124 = arith.constant 0 : index
    %get3A_125 = arith.constant 0 : index
    %get3A_126 = vector.load %arg17[%get3A_124, %get3A_125] : memref<256x8xf32, #tpu.memory_space<vmem>>, vector<256x8xf32>
    %dot_general3A_127 = arith.constant dense<0.000000e+00> : vector<2000x8xf32>
    %dot_general3A_128 = tpu.matmul %mul3A_123, %get3A_126, %dot_general3A_127 {dimension_numbers = #tpu.dot_dimension_numbers<[1], [0], [0], [1], [0, 0, 1, 1], [], []>, transpose_lhs_hint = false} : vector<2000x256xf32>, vector<256x8xf32>, vector<2000x8xf32> -> vector<2000x8xf32>
    %ge3A = arith.constant 0.000000e+00 : f32
    %ge3A_129 = vector.broadcast %ge3A : f32 to vector<2000x8xf32>
    %ge3A_130 = arith.cmpf oge, %dot_general3A_128, %ge3A_129 : vector<2000x8xf32>
    %mul3A_131 = arith.constant 2.000000e-01 : f32
    %mul3A_132 = vector.broadcast %mul3A_131 : f32 to vector<2000x8xf32>
    %mul3A_133 = arith.mulf %mul3A_132, %dot_general3A_128 : vector<2000x8xf32>
    %select_n3A_134 = arith.select %ge3A_130, %dot_general3A_128, %mul3A_133 : vector<2000x8xi1>, vector<2000x8xf32>
    %exp3A = math.exp %select_n3A_134 : vector<2000x8xf32>
    %get3A_135 = arith.constant 0 : index
    %get3A_136 = arith.constant 0 : index
    %get3A_137 = vector.load %arg18[%get3A_135, %get3A_136] : memref<8x256xf32, #tpu.memory_space<vmem>>, vector<8x256xf32>
    %dot_general3A_138 = arith.constant dense<0.000000e+00> : vector<2000x256xf32>
    %dot_general3A_139 = tpu.matmul %exp3A, %get3A_137, %dot_general3A_138 {dimension_numbers = #tpu.dot_dimension_numbers<[1], [0], [0], [1], [0, 0, 1, 1], [], []>, transpose_lhs_hint = false} : vector<2000x8xf32>, vector<8x256xf32>, vector<2000x256xf32> -> vector<2000x256xf32>
    %mul3A_140 = arith.mulf %add3A_82, %dot_general3A_139 : vector<2000x256xf32>
    %broadcast_in_dim3A_141 = arith.constant 0.000000e+00 : f32
    %broadcast_in_dim3A_142 = vector.broadcast %broadcast_in_dim3A_141 : f32 to vector<2000x12xf32>
    %slice3A_143 = vector.extract_strided_slice %mul3A_140 {offsets = [0, 0], sizes = [2000, 128], strides = [1, 1]} : vector<2000x256xf32> to vector<2000x128xf32>
    %slice3A_144 = vector.extract_strided_slice %exp3A {offsets = [0, 0], sizes = [2000, 4], strides = [1, 1]} : vector<2000x8xf32> to vector<2000x4xf32>
    %concatenate3A = tpu.concatenate %slice3A_143, %slice3A_144, %broadcast_in_dim3A_142 in 1 : vector<2000x128xf32>, vector<2000x4xf32>, vector<2000x12xf32> -> vector<2000x144xf32>
    %swap3A = arith.constant 0 : index
    %swap3A_145 = arith.constant 0 : index
    %swap3A_146 = vector.load %arg30[%swap3A, %swap3A_145] : memref<2000x144xf32, #tpu.memory_space<vmem>>, vector<2000x144xf32>
    tpu.vector_store %arg30[%swap3A, %swap3A_145], %concatenate3A {strides = array<i32>} : memref<2000x144xf32, #tpu.memory_space<vmem>>, vector<2000x144xf32>,
    %slice3A_147 = vector.extract_strided_slice %mul3A_140 {offsets = [0, 128], sizes = [2000, 128], strides = [1, 1]} : vector<2000x256xf32> to vector<2000x128xf32>
    %slice3A_148 = vector.extract_strided_slice %exp3A {offsets = [0, 4], sizes = [2000, 4], strides = [1, 1]} : vector<2000x8xf32> to vector<2000x4xf32>
    %concatenate3A_149 = tpu.concatenate %slice3A_147, %slice3A_148, %broadcast_in_dim3A_142 in 1 : vector<2000x128xf32>, vector<2000x4xf32>, vector<2000x12xf32> -> vector<2000x144xf32>
    %swap3A_150 = arith.constant 0 : index
    %swap3A_151 = arith.constant 0 : index
    %swap3A_152 = vector.load %arg31[%swap3A_150, %swap3A_151] : memref<2000x144xf32, #tpu.memory_space<vmem>>, vector<2000x144xf32>
    tpu.vector_store %arg31[%swap3A_150, %swap3A_151], %concatenate3A_149 {strides = array<i32>} : memref<2000x144xf32, #tpu.memory_space<vmem>>, vector<2000x144xf32>,
    %swap3A_153 = arith.constant 0 : index
    %swap3A_154 = arith.constant 0 : index
    %swap3A_155 = vector.load %arg32[%swap3A_153, %swap3A_154] : memref<2000x256xf32, #tpu.memory_space<vmem>>, vector<2000x256xf32>
    tpu.vector_store %arg32[%swap3A_153, %swap3A_154], %add3A_82 {strides = array<i32>} : memref<2000x256xf32, #tpu.memory_space<vmem>>, vector<2000x256xf32>,
    %exp3A_156 = math.exp %mul3A_121 : vector<2000x8xf32>
    %get3A_157 = arith.constant 0 : index
    %get3A_158 = arith.constant 0 : index
    %get3A_159 = vector.load %arg18[%get3A_157, %get3A_158] : memref<8x256xf32, #tpu.memory_space<vmem>>, vector<8x256xf32>
    %dot_general3A_160 = arith.constant dense<0.000000e+00> : vector<2000x256xf32>
    %dot_general3A_161 = tpu.matmul %exp3A_156, %get3A_159, %dot_general3A_160 {dimension_numbers = #tpu.dot_dimension_numbers<[1], [0], [0], [1], [0, 0, 1, 1], [], []>, transpose_lhs_hint = false} : vector<2000x8xf32>, vector<8x256xf32>, vector<2000x256xf32> -> vector<2000x256xf32>
    %mul3A_162 = arith.mulf %dot_general3A_161, %add3A_82 : vector<2000x256xf32>
    %reduce_sum3A_163 = arith.constant dense<0.000000e+00> : vector<256xf32>
    %reduce_sum3A_164 = vector.multi_reduction <add>, %mul3A_162, %reduce_sum3A_163 [0] : vector<2000x256xf32> to vector<256xf32>
    %broadcast_in_dim3A_165 = vector.shape_cast %reduce_sum3A_164 : vector<256xf32> to vector<1x256xf32>
    %reduce_sum3A_166 = arith.constant dense<0.000000e+00> : vector<8xf32>
    %reduce_sum3A_167 = vector.multi_reduction <add>, %exp3A_156, %reduce_sum3A_166 [0] : vector<2000x8xf32> to vector<8xf32>
    %broadcast_in_dim3A_168 = vector.shape_cast %reduce_sum3A_167 : vector<8xf32> to vector<1x8xf32>
    %eq3A = arith.constant 0 : i32
    %eq3A_169 = arith.cmpi eq, %arg0, %eq3A : i32
    %convert_element_type3A_170 = arith.extui %eq3A_169 : i1 to i32
    %cond3A = arith.constant 0 : i32
    %cond3A_171 = arith.cmpi ne, %convert_element_type3A_170, %cond3A : i32
    scf.if %cond3A_171 {
      %swap3A_182 = arith.constant 0 : index
      %swap3A_183 = arith.constant 0 : index
      %swap3A_184 = vector.load %arg35[%swap3A_182, %swap3A_183] : memref<1x256xf32, #tpu.memory_space<vmem>>, vector<1x256xf32>
      tpu.vector_store %arg35[%swap3A_182, %swap3A_183], %broadcast_in_dim3A_165 {strides = array<i32>} : memref<1x256xf32, #tpu.memory_space<vmem>>, vector<1x256xf32>,
      %swap3A_185 = arith.constant 0 : index
      %swap3A_186 = arith.constant 0 : index
      %swap3A_187 = vector.load %arg36[%swap3A_185, %swap3A_186] : memref<1x8xf32, #tpu.memory_space<vmem>>, vector<1x8xf32>
      tpu.vector_store %arg36[%swap3A_185, %swap3A_186], %broadcast_in_dim3A_168 {strides = array<i32>} : memref<1x8xf32, #tpu.memory_space<vmem>>, vector<1x8xf32>,
    } else {
    }
    %gt3A_172 = arith.constant 0 : i32
    %gt3A_173 = arith.cmpi sgt, %arg0, %gt3A_172 : i32
    %convert_element_type3A_174 = arith.extui %gt3A_173 : i1 to i32
    %cond3A_175 = arith.constant 0 : i32
    %cond3A_176 = arith.cmpi ne, %convert_element_type3A_174, %cond3A_175 : i32
    scf.if %cond3A_176 {
      %get3A_182 = arith.constant 0 : index
      %get3A_183 = arith.constant 0 : index
      %get3A_184 = vector.load %arg35[%get3A_182, %get3A_183] : memref<1x256xf32, #tpu.memory_space<vmem>>, vector<1x256xf32>
      %add3A_185 = arith.addf %get3A_184, %broadcast_in_dim3A_165 : vector<1x256xf32>
      %swap3A_186 = arith.constant 0 : index
      %swap3A_187 = arith.constant 0 : index
      %swap3A_188 = vector.load %arg35[%swap3A_186, %swap3A_187] : memref<1x256xf32, #tpu.memory_space<vmem>>, vector<1x256xf32>
      tpu.vector_store %arg35[%swap3A_186, %swap3A_187], %add3A_185 {strides = array<i32>} : memref<1x256xf32, #tpu.memory_space<vmem>>, vector<1x256xf32>,
      %get3A_189 = arith.constant 0 : index
      %get3A_190 = arith.constant 0 : index
      %get3A_191 = vector.load %arg36[%get3A_189, %get3A_190] : memref<1x8xf32, #tpu.memory_space<vmem>>, vector<1x8xf32>
      %add3A_192 = arith.addf %get3A_191, %broadcast_in_dim3A_168 : vector<1x8xf32>
      %swap3A_193 = arith.constant 0 : index
      %swap3A_194 = arith.constant 0 : index
      %swap3A_195 = vector.load %arg36[%swap3A_193, %swap3A_194] : memref<1x8xf32, #tpu.memory_space<vmem>>, vector<1x8xf32>
      tpu.vector_store %arg36[%swap3A_193, %swap3A_194], %add3A_192 {strides = array<i32>} : memref<1x8xf32, #tpu.memory_space<vmem>>, vector<1x8xf32>,
    } else {
    }
    %eq3A_177 = arith.constant 4 : i32
    %eq3A_178 = arith.cmpi eq, %arg0, %eq3A_177 : i32
    %convert_element_type3A_179 = arith.extui %eq3A_178 : i1 to i32
    %cond3A_180 = arith.constant 0 : i32
    %cond3A_181 = arith.cmpi ne, %convert_element_type3A_179, %cond3A_180 : i32
    scf.if %cond3A_181 {
      %get3A_182 = arith.constant 0 : index
      %get3A_183 = arith.constant 0 : index
      %get3A_184 = vector.load %arg35[%get3A_182, %get3A_183] : memref<1x256xf32, #tpu.memory_space<vmem>>, vector<1x256xf32>
      %get3A_185 = arith.constant 0 : index
      %get3A_186 = arith.constant 0 : index
      %get3A_187 = vector.load %arg36[%get3A_185, %get3A_186] : memref<1x8xf32, #tpu.memory_space<vmem>>, vector<1x8xf32>
      %get3A_188 = arith.constant 0 : index
      %get3A_189 = arith.constant 0 : index
      %get3A_190 = vector.load %arg18[%get3A_188, %get3A_189] : memref<8x256xf32, #tpu.memory_space<vmem>>, vector<8x256xf32>
      %dot_general3A_191 = arith.constant dense<0.000000e+00> : vector<1x256xf32>
      %dot_general3A_192 = tpu.matmul %get3A_187, %get3A_190, %dot_general3A_191 {dimension_numbers = #tpu.dot_dimension_numbers<[1], [0], [0], [1], [0, 0, 1, 1], [], []>, transpose_lhs_hint = false} : vector<1x8xf32>, vector<8x256xf32>, vector<1x256xf32> -> vector<1x256xf32>
      %div3A_193 = arith.divf %get3A_184, %dot_general3A_192 : vector<1x256xf32>
      %get3A_194 = arith.constant 0 : index
      %get3A_195 = arith.constant 0 : index
      %get3A_196 = vector.load %arg19[%get3A_194, %get3A_195] : memref<1x256xf32, #tpu.memory_space<vmem>>, vector<1x256xf32>
      %get3A_197 = arith.constant 0 : index
      %get3A_198 = arith.constant 0 : index
      %get3A_199 = vector.load %arg20[%get3A_197, %get3A_198] : memref<1x256xf32, #tpu.memory_space<vmem>>, vector<1x256xf32>
      %reduce_sum3A_200 = arith.constant dense<0.000000e+00> : vector<1xf32>
      %reduce_sum3A_201 = vector.multi_reduction <add>, %div3A_193, %reduce_sum3A_200 [1] : vector<1x256xf32> to vector<1xf32>
      %broadcast_in_dim3A_202 = vector.shape_cast %reduce_sum3A_201 : vector<1xf32> to vector<1x1xf32>
      %div3A_203 = arith.constant 2.560000e+02 : f32
      %div3A_204 = vector.broadcast %div3A_203 : f32 to vector<1x1xf32>
      %div3A_205 = arith.divf %broadcast_in_dim3A_202, %div3A_204 : vector<1x1xf32>
      %jit3A_206 = arith.constant 0 : i32
      %reduce_sum3A_207 = arith.constant dense<0.000000e+00> : vector<1xf32>
      %reduce_sum3A_208 = vector.multi_reduction <add>, %div3A_193, %reduce_sum3A_207 [1] : vector<1x256xf32> to vector<1xf32>
      %broadcast_in_dim3A_209 = vector.shape_cast %reduce_sum3A_208 : vector<1xf32> to vector<1x1xf32>
      %div3A_210 = arith.constant 2.560000e+02 : f32
      %div3A_211 = vector.broadcast %div3A_210 : f32 to vector<1x1xf32>
      %div3A_212 = arith.divf %broadcast_in_dim3A_209, %div3A_211 : vector<1x1xf32>
      %sub3A_213 = vector.broadcast %div3A_212 : vector<1x1xf32> to vector<1x256xf32>
      %sub3A_214 = arith.subf %div3A_193, %sub3A_213 : vector<1x256xf32>
      %square3A_215 = arith.mulf %sub3A_214, %sub3A_214 : vector<1x256xf32>
      %convert_element_type3A_216 = arith.sitofp %jit3A_206 : i32 to f32
      %sub3A_217 = arith.constant 2.560000e+02 : f32
      %sub3A_218 = arith.subf %sub3A_217, %convert_element_type3A_216 : f32
      %reduce_sum3A_219 = arith.constant dense<0.000000e+00> : vector<1xf32>
      %reduce_sum3A_220 = vector.multi_reduction <add>, %square3A_215, %reduce_sum3A_219 [1] : vector<1x256xf32> to vector<1xf32>
      %broadcast_in_dim3A_221 = vector.shape_cast %reduce_sum3A_220 : vector<1xf32> to vector<1x1xf32>
      %div3A_222 = vector.broadcast %sub3A_218 : f32 to vector<1x1xf32>
      %div3A_223 = arith.divf %broadcast_in_dim3A_221, %div3A_222 : vector<1x1xf32>
      %gt3A_224 = arith.constant 0.000000e+00 : f32
      %gt3A_225 = arith.cmpf ogt, %sub3A_218, %gt3A_224 : f32
      %jit3A_226 = arith.constant 0x7FC00000 : f32
      %broadcast_in_dim3A_227 = vector.broadcast %jit3A_226 : f32 to vector<1x1xf32>
      %select_n3A_228 = arith.select %gt3A_225, %div3A_223, %broadcast_in_dim3A_227 : vector<1x1xf32>
      %sub3A_229 = vector.broadcast %div3A_205 : vector<1x1xf32> to vector<1x256xf32>
      %sub3A_230 = arith.subf %div3A_193, %sub3A_229 : vector<1x256xf32>
      %add3A_231 = arith.constant 9.99999974E-6 : f32
      %add3A_232 = vector.broadcast %add3A_231 : f32 to vector<1x1xf32>
      %add3A_233 = arith.addf %select_n3A_228, %add3A_232 : vector<1x1xf32>
      %sqrt3A_234 = math.sqrt %add3A_233 : vector<1x1xf32>
      %div3A_235 = vector.broadcast %sqrt3A_234 : vector<1x1xf32> to vector<1x256xf32>
      %div3A_236 = arith.divf %sub3A_230, %div3A_235 : vector<1x256xf32>
      %mul3A_237 = arith.mulf %div3A_236, %get3A_196 : vector<1x256xf32>
      %add3A_238 = arith.addf %mul3A_237, %get3A_199 : vector<1x256xf32>
      %get3A_239 = arith.constant 0 : index
      %get3A_240 = arith.constant 0 : index
      %get3A_241 = vector.load %arg21[%get3A_239, %get3A_240] : memref<256x256xbf16, #tpu.memory_space<vmem>>, vector<256x256xbf16>
      %convert_element_type3A_242 = arith.truncf %add3A_238 : vector<1x256xf32> to vector<1x256xbf16>
      %dot_general3A_243 = arith.constant dense<0.000000e+00> : vector<1x256xf32>
      %dot_general3A_244 = tpu.matmul %convert_element_type3A_242, %get3A_241, %dot_general3A_243 {dimension_numbers = #tpu.dot_dimension_numbers<[1], [0], [0], [1], [0, 0, 1, 1], [], []>, transpose_lhs_hint = false} : vector<1x256xbf16>, vector<256x256xbf16>, vector<1x256xf32> -> vector<1x256xf32>
      %get3A_245 = arith.constant 0 : index
      %get3A_246 = arith.constant 0 : index
      %get3A_247 = vector.load %arg22[%get3A_245, %get3A_246] : memref<1x256xf32, #tpu.memory_space<vmem>>, vector<1x256xf32>
      %add3A_248 = arith.addf %dot_general3A_244, %get3A_247 : vector<1x256xf32>
      %max3A_249 = arith.constant 0.000000e+00 : f32
      %max3A_250 = vector.broadcast %max3A_249 : f32 to vector<1x256xf32>
      %max3A_251 = arith.maximumf %add3A_248, %max3A_250 : vector<1x256xf32>
      %get3A_252 = arith.constant 0 : index
      %get3A_253 = arith.constant 0 : index
      %get3A_254 = vector.load %arg23[%get3A_252, %get3A_253] : memref<256x256xbf16, #tpu.memory_space<vmem>>, vector<256x256xbf16>
      %convert_element_type3A_255 = arith.truncf %max3A_251 : vector<1x256xf32> to vector<1x256xbf16>
      %dot_general3A_256 = arith.constant dense<0.000000e+00> : vector<1x256xf32>
      %dot_general3A_257 = tpu.matmul %convert_element_type3A_255, %get3A_254, %dot_general3A_256 {dimension_numbers = #tpu.dot_dimension_numbers<[1], [0], [0], [1], [0, 0, 1, 1], [], []>, transpose_lhs_hint = false} : vector<1x256xbf16>, vector<256x256xbf16>, vector<1x256xf32> -> vector<1x256xf32>
      %add3A_258 = arith.addf %div3A_193, %dot_general3A_257 : vector<1x256xf32>
      %get3A_259 = arith.constant 0 : index
      %get3A_260 = arith.constant 0 : index
      %get3A_261 = vector.load %arg24[%get3A_259, %get3A_260] : memref<1x256xf32, #tpu.memory_space<vmem>>, vector<1x256xf32>
      %add3A_262 = arith.addf %add3A_258, %get3A_261 : vector<1x256xf32>
      %swap3A_263 = arith.constant 0 : index
      %swap3A_264 = arith.constant 0 : index
      %swap3A_265 = vector.load %arg33[%swap3A_263, %swap3A_264] : memref<1x256xf32, #tpu.memory_space<vmem>>, vector<1x256xf32>
      tpu.vector_store %arg33[%swap3A_263, %swap3A_264], %add3A_262 {strides = array<i32>} : memref<1x256xf32, #tpu.memory_space<vmem>>, vector<1x256xf32>,
      %get3A_266 = arith.constant 0 : index
      %get3A_267 = arith.constant 0 : index
      %get3A_268 = vector.load %arg25[%get3A_266, %get3A_267] : memref<4x128xf32, #tpu.memory_space<vmem>>, vector<4x128xf32>
      %get3A_269 = arith.constant 0 : index
      %get3A_270 = arith.constant 0 : index
      %get3A_271 = vector.load %arg26[%get3A_269, %get3A_270] : memref<128x256xf32, #tpu.memory_space<vmem>>, vector<128x256xf32>
      %dot_general3A_272 = arith.constant dense<0.000000e+00> : vector<4x256xf32>
      %dot_general3A_273 = tpu.matmul %get3A_268, %get3A_271, %dot_general3A_272 {dimension_numbers = #tpu.dot_dimension_numbers<[1], [0], [0], [1], [0, 0, 1, 1], [], []>, transpose_lhs_hint = false} : vector<4x128xf32>, vector<128x256xf32>, vector<4x256xf32> -> vector<4x256xf32>
      %get3A_274 = arith.constant 0 : index
      %get3A_275 = arith.constant 0 : index
      %get3A_276 = vector.load %arg27[%get3A_274, %get3A_275] : memref<1x256xf32, #tpu.memory_space<vmem>>, vector<1x256xf32>
      %add3A_277 = vector.broadcast %get3A_276 : vector<1x256xf32> to vector<4x256xf32>
      %add3A_278 = arith.addf %dot_general3A_273, %add3A_277 : vector<4x256xf32>
      %max3A_279 = arith.constant 0.000000e+00 : f32
      %max3A_280 = vector.broadcast %max3A_279 : f32 to vector<4x256xf32>
      %max3A_281 = arith.maximumf %add3A_278, %max3A_280 : vector<4x256xf32>
      %get3A_282 = arith.constant 0 : index
      %get3A_283 = arith.constant 0 : index
      %get3A_284 = vector.load %arg28[%get3A_282, %get3A_283] : memref<256x256xf32, #tpu.memory_space<vmem>>, vector<256x256xf32>
      %dot_general3A_285 = arith.constant dense<0.000000e+00> : vector<4x256xf32>
      %dot_general3A_286 = tpu.matmul %max3A_281, %get3A_284, %dot_general3A_285 {dimension_numbers = #tpu.dot_dimension_numbers<[1], [0], [0], [1], [0, 0, 1, 1], [], []>, transpose_lhs_hint = false} : vector<4x256xf32>, vector<256x256xf32>, vector<4x256xf32> -> vector<4x256xf32>
      %get3A_287 = arith.constant 0 : index
      %get3A_288 = arith.constant 0 : index
      %get3A_289 = vector.load %arg29[%get3A_287, %get3A_288] : memref<1x256xf32, #tpu.memory_space<vmem>>, vector<1x256xf32>
      %add3A_290 = vector.broadcast %get3A_289 : vector<1x256xf32> to vector<4x256xf32>
      %add3A_291 = arith.addf %dot_general3A_286, %add3A_290 : vector<4x256xf32>
      %swap3A_292 = arith.constant 0 : index
      %swap3A_293 = arith.constant 0 : index
      %swap3A_294 = vector.load %arg34[%swap3A_292, %swap3A_293] : memref<4x256xf32, #tpu.memory_space<vmem>>, vector<4x256xf32>
      tpu.vector_store %arg34[%swap3A_292, %swap3A_293], %add3A_291 {strides = array<i32>} : memref<4x256xf32, #tpu.memory_space<vmem>>, vector<4x256xf32>,
    } else {
    }
    return
  }
  func.func @transform_0(%arg0: i32) -> (i32, i32) {
    %c0_i32 = arith.constant 0 : i32
    %c0_i32_0 = arith.constant 0 : i32
    return %arg0, %c0_i32 : i32, i32
  }
  func.func @transform_1(%arg0: i32) -> (i32, i32) {
    %c0_i32 = arith.constant 0 : i32
    %c0_i32_0 = arith.constant 0 : i32
    %c0_i32_1 = arith.constant 0 : i32
    return %c0_i32, %c0_i32_0 : i32, i32
  }
  func.func @transform_2(%arg0: i32) -> (i32, i32) {
    %c0_i32 = arith.constant 0 : i32
    %c0_i32_0 = arith.constant 0 : i32
    %c0_i32_1 = arith.constant 0 : i32
    return %c0_i32, %c0_i32_0 : i32, i32
  }
  func.func @transform_3(%arg0: i32) -> (i32, i32) {
    %c0_i32 = arith.constant 0 : i32
    %c0_i32_0 = arith.constant 0 : i32
    %c0_i32_1 = arith.constant 0 : i32
    return %c0_i32, %c0_i32_0 : i32, i32
  }
  func.func @transform_4(%arg0: i32) -> (i32, i32) {
    %c0_i32 = arith.constant 0 : i32
    %c0_i32_0 = arith.constant 0 : i32
    %c0_i32_1 = arith.constant 0 : i32
    return %c0_i32, %c0_i32_0 : i32, i32
  }
  func.func @transform_5(%arg0: i32) -> (i32, i32) {
    %c0_i32 = arith.constant 0 : i32
    %c0_i32_0 = arith.constant 0 : i32
    %c0_i32_1 = arith.constant 0 : i32
    return %c0_i32, %c0_i32_0 : i32, i32
  }
  func.func @transform_6(%arg0: i32) -> (i32, i32) {
    %c0_i32 = arith.constant 0 : i32
    %c0_i32_0 = arith.constant 0 : i32
    %c0_i32_1 = arith.constant 0 : i32
    return %c0_i32, %c0_i32_0 : i32, i32
  }
  func.func @transform_7(%arg0: i32) -> (i32, i32) {
    %c0_i32 = arith.constant 0 : i32
    %c0_i32_0 = arith.constant 0 : i32
    %c0_i32_1 = arith.constant 0 : i32
    return %c0_i32, %c0_i32_0 : i32, i32
  }
  func.func @transform_8(%arg0: i32) -> (i32, i32) {
    %c0_i32 = arith.constant 0 : i32
    %c0_i32_0 = arith.constant 0 : i32
    %c0_i32_1 = arith.constant 0 : i32
    return %c0_i32, %c0_i32_0 : i32, i32
  }
  func.func @transform_9(%arg0: i32) -> (i32, i32) {
    %c0_i32 = arith.constant 0 : i32
    %c0_i32_0 = arith.constant 0 : i32
    %c0_i32_1 = arith.constant 0 : i32
    return %c0_i32, %c0_i32_0 : i32, i32
  }
  func.func @transform_10(%arg0: i32) -> (i32, i32) {
    %c0_i32 = arith.constant 0 : i32
    %c0_i32_0 = arith.constant 0 : i32
    %c0_i32_1 = arith.constant 0 : i32
    return %c0_i32, %c0_i32_0 : i32, i32
  }
  func.func @transform_11(%arg0: i32) -> (i32, i32) {
    %c0_i32 = arith.constant 0 : i32
    %c0_i32_0 = arith.constant 0 : i32
    %c0_i32_1 = arith.constant 0 : i32
    return %c0_i32, %c0_i32_0 : i32, i32
  }
  func.func @transform_12(%arg0: i32) -> (i32, i32) {
    %c0_i32 = arith.constant 0 : i32
    %c0_i32_0 = arith.constant 0 : i32
    %c0_i32_1 = arith.constant 0 : i32
    return %c0_i32, %c0_i32_0 : i32, i32
  }
  func.func @transform_13(%arg0: i32) -> (i32, i32) {
    %c0_i32 = arith.constant 0 : i32
    %c0_i32_0 = arith.constant 0 : i32
    %c0_i32_1 = arith.constant 0 : i32
    return %c0_i32, %c0_i32_0 : i32, i32
  }
  func.func @transform_14(%arg0: i32) -> (i32, i32) {
    %c0_i32 = arith.constant 0 : i32
    %c0_i32_0 = arith.constant 0 : i32
    %c0_i32_1 = arith.constant 0 : i32
    return %c0_i32, %c0_i32_0 : i32, i32
  }
  func.func @transform_15(%arg0: i32) -> (i32, i32) {
    %c0_i32 = arith.constant 0 : i32
    %c0_i32_0 = arith.constant 0 : i32
    %c0_i32_1 = arith.constant 0 : i32
    return %c0_i32, %c0_i32_0 : i32, i32
  }
  func.func @transform_16(%arg0: i32) -> (i32, i32) {
    %c0_i32 = arith.constant 0 : i32
    %c0_i32_0 = arith.constant 0 : i32
    %c0_i32_1 = arith.constant 0 : i32
    return %c0_i32, %c0_i32_0 : i32, i32
  }
  func.func @transform_17(%arg0: i32) -> (i32, i32) {
    %c0_i32 = arith.constant 0 : i32
    %c0_i32_0 = arith.constant 0 : i32
    %c0_i32_1 = arith.constant 0 : i32
    return %c0_i32, %c0_i32_0 : i32, i32
  }
  func.func @transform_18(%arg0: i32) -> (i32, i32) {
    %c0_i32 = arith.constant 0 : i32
    %c0_i32_0 = arith.constant 0 : i32
    %c0_i32_1 = arith.constant 0 : i32
    return %c0_i32, %c0_i32_0 : i32, i32
  }
  func.func @transform_19(%arg0: i32) -> (i32, i32) {
    %c0_i32 = arith.constant 0 : i32
    %c0_i32_0 = arith.constant 0 : i32
    %c0_i32_1 = arith.constant 0 : i32
    return %c0_i32, %c0_i32_0 : i32, i32
  }
  func.func @transform_20(%arg0: i32) -> (i32, i32) {
    %c0_i32 = arith.constant 0 : i32
    %c0_i32_0 = arith.constant 0 : i32
    %c0_i32_1 = arith.constant 0 : i32
    return %c0_i32, %c0_i32_0 : i32, i32
  }
  func.func @transform_21(%arg0: i32) -> (i32, i32) {
    %c0_i32 = arith.constant 0 : i32
    %c0_i32_0 = arith.constant 0 : i32
    %c0_i32_1 = arith.constant 0 : i32
    return %c0_i32, %c0_i32_0 : i32, i32
  }
  func.func @transform_22(%arg0: i32) -> (i32, i32) {
    %c0_i32 = arith.constant 0 : i32
    %c0_i32_0 = arith.constant 0 : i32
    %c0_i32_1 = arith.constant 0 : i32
    return %c0_i32, %c0_i32_0 : i32, i32
  }
  func.func @transform_23(%arg0: i32) -> (i32, i32) {
    %c0_i32 = arith.constant 0 : i32
    %c0_i32_0 = arith.constant 0 : i32
    %c0_i32_1 = arith.constant 0 : i32
    return %c0_i32, %c0_i32_0 : i32, i32
  }
  func.func @transform_24(%arg0: i32) -> (i32, i32) {
    %c0_i32 = arith.constant 0 : i32
    %c0_i32_0 = arith.constant 0 : i32
    %c0_i32_1 = arith.constant 0 : i32
    return %c0_i32, %c0_i32_0 : i32, i32
  }
  func.func @transform_25(%arg0: i32) -> (i32, i32) {
    %c0_i32 = arith.constant 0 : i32
    %c0_i32_0 = arith.constant 0 : i32
    %c0_i32_1 = arith.constant 0 : i32
    return %c0_i32, %c0_i32_0 : i32, i32
  }
  func.func @transform_26(%arg0: i32) -> (i32, i32) {
    %c0_i32 = arith.constant 0 : i32
    %c0_i32_0 = arith.constant 0 : i32
    %c0_i32_1 = arith.constant 0 : i32
    return %c0_i32, %c0_i32_0 : i32, i32
  }
  func.func @transform_27(%arg0: i32) -> (i32, i32) {
    %c0_i32 = arith.constant 0 : i32
    %c0_i32_0 = arith.constant 0 : i32
    %c0_i32_1 = arith.constant 0 : i32
    return %c0_i32, %c0_i32_0 : i32, i32
  }
  func.func @transform_28(%arg0: i32) -> (i32, i32) {
    %c0_i32 = arith.constant 0 : i32
    %c0_i32_0 = arith.constant 0 : i32
    %c0_i32_1 = arith.constant 0 : i32
    return %c0_i32, %c0_i32_0 : i32, i32
  }
  func.func @transform_29(%arg0: i32) -> (i32, i32) {
    %c0_i32 = arith.constant 0 : i32
    %c0_i32_0 = arith.constant 0 : i32
    return %arg0, %c0_i32 : i32, i32
  }
  func.func @transform_30(%arg0: i32) -> (i32, i32) {
    %c0_i32 = arith.constant 0 : i32
    %c0_i32_0 = arith.constant 0 : i32
    return %arg0, %c0_i32 : i32, i32
  }
  func.func @transform_31(%arg0: i32) -> (i32, i32) {
    %c0_i32 = arith.constant 0 : i32
    %c0_i32_0 = arith.constant 0 : i32
    return %arg0, %c0_i32 : i32, i32
  }
  func.func @transform_32(%arg0: i32) -> (i32, i32) {
    %c0_i32 = arith.constant 0 : i32
    %c0_i32_0 = arith.constant 0 : i32
    %c0_i32_1 = arith.constant 0 : i32
    return %c0_i32, %c0_i32_0 : i32, i32
  }
  func.func @transform_33(%arg0: i32) -> (i32, i32) {
    %c0_i32 = arith.constant 0 : i32
    %c0_i32_0 = arith.constant 0 : i32
    %c0_i32_1 = arith.constant 0 : i32
    return %c0_i32, %c0_i32_0 : i32, i32
  }
}

module attributes {stable_mosaic.version = 14 : i64} {
  func.func @_node_body(%arg0: i32, %arg1: memref<2000x256xf32, #tpu.memory_space<vmem>>, %arg2: memref<1x256xf32, #tpu.memory_space<vmem>>, %arg3: memref<4x256xf32, #tpu.memory_space<vmem>>, %arg4: memref<1x256xf32, #tpu.memory_space<vmem>>, %arg5: memref<1x256xf32, #tpu.memory_space<vmem>>, %arg6: memref<256x256xbf16, #tpu.memory_space<vmem>>, %arg7: memref<1x256xf32, #tpu.memory_space<vmem>>, %arg8: memref<256x256xbf16, #tpu.memory_space<vmem>>, %arg9: memref<1x256xf32, #tpu.memory_space<vmem>>, %arg10: memref<1x256xf32, #tpu.memory_space<vmem>>, %arg11: memref<1x256xf32, #tpu.memory_space<vmem>>, %arg12: memref<256x256xbf16, #tpu.memory_space<vmem>>, %arg13: memref<1x256xf32, #tpu.memory_space<vmem>>, %arg14: memref<256x256xbf16, #tpu.memory_space<vmem>>, %arg15: memref<1x256xf32, #tpu.memory_space<vmem>>, %arg16: memref<2000x256xf32, #tpu.memory_space<vmem>>) attributes {dimension_semantics = [#tpu.dimension_semantics<arbitrary>], iteration_bounds = array<i64: 5>, scalar_prefetch = 0 : i64, scratch_operands = 0 : i64, tpu.core_type = #tpu.core_type<tc>, window_params = [{transform_indices = @transform_0, window_bounds = array<i64: 2000, 256>}, {pipeline_mode = #tpu.pipeline_mode<synchronous>, transform_indices = @transform_1, window_bounds = array<i64: 1, 256>}, {pipeline_mode = #tpu.pipeline_mode<synchronous>, transform_indices = @transform_2, window_bounds = array<i64: 4, 256>}, {pipeline_mode = #tpu.pipeline_mode<synchronous>, transform_indices = @transform_3, window_bounds = array<i64: 1, 256>}, {pipeline_mode = #tpu.pipeline_mode<synchronous>, transform_indices = @transform_4, window_bounds = array<i64: 1, 256>}, {pipeline_mode = #tpu.pipeline_mode<synchronous>, transform_indices = @transform_5, window_bounds = array<i64: 256, 256>}, {pipeline_mode = #tpu.pipeline_mode<synchronous>, transform_indices = @transform_6, window_bounds = array<i64: 1, 256>}, {pipeline_mode = #tpu.pipeline_mode<synchronous>, transform_indices = @transform_7, window_bounds = array<i64: 256, 256>}, {pipeline_mode = #tpu.pipeline_mode<synchronous>, transform_indices = @transform_8, window_bounds = array<i64: 1, 256>}, {pipeline_mode = #tpu.pipeline_mode<synchronous>, transform_indices = @transform_9, window_bounds = array<i64: 1, 256>}, {pipeline_mode = #tpu.pipeline_mode<synchronous>, transform_indices = @transform_10, window_bounds = array<i64: 1, 256>}, {pipeline_mode = #tpu.pipeline_mode<synchronous>, transform_indices = @transform_11, window_bounds = array<i64: 256, 256>}, {pipeline_mode = #tpu.pipeline_mode<synchronous>, transform_indices = @transform_12, window_bounds = array<i64: 1, 256>}, {pipeline_mode = #tpu.pipeline_mode<synchronous>, transform_indices = @transform_13, window_bounds = array<i64: 256, 256>}, {pipeline_mode = #tpu.pipeline_mode<synchronous>, transform_indices = @transform_14, window_bounds = array<i64: 1, 256>}, {transform_indices = @transform_15, window_bounds = array<i64: 2000, 256>}]} {
    %get3A = arith.constant 0 : index
    %get3A_0 = arith.constant 0 : index
    %get3A_1 = vector.load %arg1[%get3A, %get3A_0] : memref<2000x256xf32, #tpu.memory_space<vmem>>, vector<2000x256xf32>
    %get3A_2 = arith.constant 0 : index
    %get3A_3 = arith.constant 0 : index
    %get3A_4 = vector.load %arg4[%get3A_2, %get3A_3] : memref<1x256xf32, #tpu.memory_space<vmem>>, vector<1x256xf32>
    %get3A_5 = arith.constant 0 : index
    %get3A_6 = arith.constant 0 : index
    %get3A_7 = vector.load %arg5[%get3A_5, %get3A_6] : memref<1x256xf32, #tpu.memory_space<vmem>>, vector<1x256xf32>
    %reduce_sum3A = arith.constant dense<0.000000e+00> : vector<2000xf32>
    %reduce_sum3A_8 = vector.multi_reduction <add>, %get3A_1, %reduce_sum3A [1] : vector<2000x256xf32> to vector<2000xf32>
    %broadcast_in_dim3A = vector.shape_cast %reduce_sum3A_8 : vector<2000xf32> to vector<2000x1xf32>
    %div3A = arith.constant 2.560000e+02 : f32
    %div3A_9 = vector.broadcast %div3A : f32 to vector<2000x1xf32>
    %div3A_10 = arith.divf %broadcast_in_dim3A, %div3A_9 : vector<2000x1xf32>
    %jit3A = arith.constant 0 : i32
    %reduce_sum3A_11 = arith.constant dense<0.000000e+00> : vector<2000xf32>
    %reduce_sum3A_12 = vector.multi_reduction <add>, %get3A_1, %reduce_sum3A_11 [1] : vector<2000x256xf32> to vector<2000xf32>
    %broadcast_in_dim3A_13 = vector.shape_cast %reduce_sum3A_12 : vector<2000xf32> to vector<2000x1xf32>
    %div3A_14 = arith.constant 2.560000e+02 : f32
    %div3A_15 = vector.broadcast %div3A_14 : f32 to vector<2000x1xf32>
    %div3A_16 = arith.divf %broadcast_in_dim3A_13, %div3A_15 : vector<2000x1xf32>
    %sub3A = vector.broadcast %div3A_16 : vector<2000x1xf32> to vector<2000x256xf32>
    %sub3A_17 = arith.subf %get3A_1, %sub3A : vector<2000x256xf32>
    %square3A = arith.mulf %sub3A_17, %sub3A_17 : vector<2000x256xf32>
    %convert_element_type3A = arith.sitofp %jit3A : i32 to f32
    %sub3A_18 = arith.constant 2.560000e+02 : f32
    %sub3A_19 = arith.subf %sub3A_18, %convert_element_type3A : f32
    %reduce_sum3A_20 = arith.constant dense<0.000000e+00> : vector<2000xf32>
    %reduce_sum3A_21 = vector.multi_reduction <add>, %square3A, %reduce_sum3A_20 [1] : vector<2000x256xf32> to vector<2000xf32>
    %broadcast_in_dim3A_22 = vector.shape_cast %reduce_sum3A_21 : vector<2000xf32> to vector<2000x1xf32>
    %div3A_23 = vector.broadcast %sub3A_19 : f32 to vector<2000x1xf32>
    %div3A_24 = arith.divf %broadcast_in_dim3A_22, %div3A_23 : vector<2000x1xf32>
    %gt3A = arith.constant 0.000000e+00 : f32
    %gt3A_25 = arith.cmpf ogt, %sub3A_19, %gt3A : f32
    %jit3A_26 = arith.constant 0x7FC00000 : f32
    %broadcast_in_dim3A_27 = vector.broadcast %jit3A_26 : f32 to vector<2000x1xf32>
    %select_n3A = arith.select %gt3A_25, %div3A_24, %broadcast_in_dim3A_27 : vector<2000x1xf32>
    %sub3A_28 = vector.broadcast %div3A_10 : vector<2000x1xf32> to vector<2000x256xf32>
    %sub3A_29 = arith.subf %get3A_1, %sub3A_28 : vector<2000x256xf32>
    %add3A = arith.constant 9.99999974E-6 : f32
    %add3A_30 = vector.broadcast %add3A : f32 to vector<2000x1xf32>
    %add3A_31 = arith.addf %select_n3A, %add3A_30 : vector<2000x1xf32>
    %sqrt3A = math.sqrt %add3A_31 : vector<2000x1xf32>
    %div3A_32 = vector.broadcast %sqrt3A : vector<2000x1xf32> to vector<2000x256xf32>
    %div3A_33 = arith.divf %sub3A_29, %div3A_32 : vector<2000x256xf32>
    %mul3A = vector.broadcast %get3A_4 : vector<1x256xf32> to vector<2000x256xf32>
    %mul3A_34 = arith.mulf %div3A_33, %mul3A : vector<2000x256xf32>
    %add3A_35 = vector.broadcast %get3A_7 : vector<1x256xf32> to vector<2000x256xf32>
    %add3A_36 = arith.addf %mul3A_34, %add3A_35 : vector<2000x256xf32>
    %get3A_37 = arith.constant 0 : index
    %get3A_38 = arith.constant 0 : index
    %get3A_39 = vector.load %arg6[%get3A_37, %get3A_38] : memref<256x256xbf16, #tpu.memory_space<vmem>>, vector<256x256xbf16>
    %convert_element_type3A_40 = arith.truncf %add3A_36 : vector<2000x256xf32> to vector<2000x256xbf16>
    %dot_general3A = arith.constant dense<0.000000e+00> : vector<2000x256xf32>
    %dot_general3A_41 = tpu.matmul %convert_element_type3A_40, %get3A_39, %dot_general3A {dimension_numbers = #tpu.dot_dimension_numbers<[1], [0], [0], [1], [0, 0, 1, 1], [], []>, transpose_lhs_hint = false} : vector<2000x256xbf16>, vector<256x256xbf16>, vector<2000x256xf32> -> vector<2000x256xf32>
    %get3A_42 = arith.constant 0 : index
    %get3A_43 = arith.constant 0 : index
    %get3A_44 = vector.load %arg7[%get3A_42, %get3A_43] : memref<1x256xf32, #tpu.memory_space<vmem>>, vector<1x256xf32>
    %add3A_45 = vector.broadcast %get3A_44 : vector<1x256xf32> to vector<2000x256xf32>
    %add3A_46 = arith.addf %dot_general3A_41, %add3A_45 : vector<2000x256xf32>
    %max3A = arith.constant 0.000000e+00 : f32
    %max3A_47 = vector.broadcast %max3A : f32 to vector<2000x256xf32>
    %max3A_48 = arith.maximumf %add3A_46, %max3A_47 : vector<2000x256xf32>
    %get3A_49 = arith.constant 0 : index
    %get3A_50 = arith.constant 0 : index
    %get3A_51 = vector.load %arg8[%get3A_49, %get3A_50] : memref<256x256xbf16, #tpu.memory_space<vmem>>, vector<256x256xbf16>
    %convert_element_type3A_52 = arith.truncf %max3A_48 : vector<2000x256xf32> to vector<2000x256xbf16>
    %dot_general3A_53 = arith.constant dense<0.000000e+00> : vector<2000x256xf32>
    %dot_general3A_54 = tpu.matmul %convert_element_type3A_52, %get3A_51, %dot_general3A_53 {dimension_numbers = #tpu.dot_dimension_numbers<[1], [0], [0], [1], [0, 0, 1, 1], [], []>, transpose_lhs_hint = false} : vector<2000x256xbf16>, vector<256x256xbf16>, vector<2000x256xf32> -> vector<2000x256xf32>
    %add3A_55 = arith.addf %get3A_1, %dot_general3A_54 : vector<2000x256xf32>
    %get3A_56 = arith.constant 0 : index
    %get3A_57 = arith.constant 0 : index
    %get3A_58 = vector.load %arg9[%get3A_56, %get3A_57] : memref<1x256xf32, #tpu.memory_space<vmem>>, vector<1x256xf32>
    %add3A_59 = vector.broadcast %get3A_58 : vector<1x256xf32> to vector<2000x256xf32>
    %add3A_60 = arith.addf %add3A_55, %add3A_59 : vector<2000x256xf32>
    %get3A_61 = arith.constant 0 : index
    %get3A_62 = arith.constant 0 : index
    %get3A_63 = vector.load %arg2[%get3A_61, %get3A_62] : memref<1x256xf32, #tpu.memory_space<vmem>>, vector<1x256xf32>
    %add3A_64 = vector.broadcast %get3A_63 : vector<1x256xf32> to vector<2000x256xf32>
    %add3A_65 = arith.addf %add3A_64, %add3A_60 : vector<2000x256xf32>
    %get3A_66 = arith.constant 0 : index
    %get3A_67 = arith.constant 0 : index
    %get3A_68 = vector.load %arg10[%get3A_66, %get3A_67] : memref<1x256xf32, #tpu.memory_space<vmem>>, vector<1x256xf32>
    %get3A_69 = arith.constant 0 : index
    %get3A_70 = arith.constant 0 : index
    %get3A_71 = vector.load %arg11[%get3A_69, %get3A_70] : memref<1x256xf32, #tpu.memory_space<vmem>>, vector<1x256xf32>
    %reduce_sum3A_72 = arith.constant dense<0.000000e+00> : vector<2000xf32>
    %reduce_sum3A_73 = vector.multi_reduction <add>, %add3A_65, %reduce_sum3A_72 [1] : vector<2000x256xf32> to vector<2000xf32>
    %broadcast_in_dim3A_74 = vector.shape_cast %reduce_sum3A_73 : vector<2000xf32> to vector<2000x1xf32>
    %div3A_75 = arith.constant 2.560000e+02 : f32
    %div3A_76 = vector.broadcast %div3A_75 : f32 to vector<2000x1xf32>
    %div3A_77 = arith.divf %broadcast_in_dim3A_74, %div3A_76 : vector<2000x1xf32>
    %jit3A_78 = arith.constant 0 : i32
    %reduce_sum3A_79 = arith.constant dense<0.000000e+00> : vector<2000xf32>
    %reduce_sum3A_80 = vector.multi_reduction <add>, %add3A_65, %reduce_sum3A_79 [1] : vector<2000x256xf32> to vector<2000xf32>
    %broadcast_in_dim3A_81 = vector.shape_cast %reduce_sum3A_80 : vector<2000xf32> to vector<2000x1xf32>
    %div3A_82 = arith.constant 2.560000e+02 : f32
    %div3A_83 = vector.broadcast %div3A_82 : f32 to vector<2000x1xf32>
    %div3A_84 = arith.divf %broadcast_in_dim3A_81, %div3A_83 : vector<2000x1xf32>
    %sub3A_85 = vector.broadcast %div3A_84 : vector<2000x1xf32> to vector<2000x256xf32>
    %sub3A_86 = arith.subf %add3A_65, %sub3A_85 : vector<2000x256xf32>
    %square3A_87 = arith.mulf %sub3A_86, %sub3A_86 : vector<2000x256xf32>
    %convert_element_type3A_88 = arith.sitofp %jit3A_78 : i32 to f32
    %sub3A_89 = arith.constant 2.560000e+02 : f32
    %sub3A_90 = arith.subf %sub3A_89, %convert_element_type3A_88 : f32
    %reduce_sum3A_91 = arith.constant dense<0.000000e+00> : vector<2000xf32>
    %reduce_sum3A_92 = vector.multi_reduction <add>, %square3A_87, %reduce_sum3A_91 [1] : vector<2000x256xf32> to vector<2000xf32>
    %broadcast_in_dim3A_93 = vector.shape_cast %reduce_sum3A_92 : vector<2000xf32> to vector<2000x1xf32>
    %div3A_94 = vector.broadcast %sub3A_90 : f32 to vector<2000x1xf32>
    %div3A_95 = arith.divf %broadcast_in_dim3A_93, %div3A_94 : vector<2000x1xf32>
    %gt3A_96 = arith.constant 0.000000e+00 : f32
    %gt3A_97 = arith.cmpf ogt, %sub3A_90, %gt3A_96 : f32
    %jit3A_98 = arith.constant 0x7FC00000 : f32
    %broadcast_in_dim3A_99 = vector.broadcast %jit3A_98 : f32 to vector<2000x1xf32>
    %select_n3A_100 = arith.select %gt3A_97, %div3A_95, %broadcast_in_dim3A_99 : vector<2000x1xf32>
    %sub3A_101 = vector.broadcast %div3A_77 : vector<2000x1xf32> to vector<2000x256xf32>
    %sub3A_102 = arith.subf %add3A_65, %sub3A_101 : vector<2000x256xf32>
    %add3A_103 = arith.constant 9.99999974E-6 : f32
    %add3A_104 = vector.broadcast %add3A_103 : f32 to vector<2000x1xf32>
    %add3A_105 = arith.addf %select_n3A_100, %add3A_104 : vector<2000x1xf32>
    %sqrt3A_106 = math.sqrt %add3A_105 : vector<2000x1xf32>
    %div3A_107 = vector.broadcast %sqrt3A_106 : vector<2000x1xf32> to vector<2000x256xf32>
    %div3A_108 = arith.divf %sub3A_102, %div3A_107 : vector<2000x256xf32>
    %mul3A_109 = vector.broadcast %get3A_68 : vector<1x256xf32> to vector<2000x256xf32>
    %mul3A_110 = arith.mulf %div3A_108, %mul3A_109 : vector<2000x256xf32>
    %add3A_111 = vector.broadcast %get3A_71 : vector<1x256xf32> to vector<2000x256xf32>
    %add3A_112 = arith.addf %mul3A_110, %add3A_111 : vector<2000x256xf32>
    %get3A_113 = arith.constant 0 : index
    %get3A_114 = arith.constant 0 : index
    %get3A_115 = vector.load %arg12[%get3A_113, %get3A_114] : memref<256x256xbf16, #tpu.memory_space<vmem>>, vector<256x256xbf16>
    %convert_element_type3A_116 = arith.truncf %add3A_112 : vector<2000x256xf32> to vector<2000x256xbf16>
    %dot_general3A_117 = arith.constant dense<0.000000e+00> : vector<2000x256xf32>
    %dot_general3A_118 = tpu.matmul %convert_element_type3A_116, %get3A_115, %dot_general3A_117 {dimension_numbers = #tpu.dot_dimension_numbers<[1], [0], [0], [1], [0, 0, 1, 1], [], []>, transpose_lhs_hint = false} : vector<2000x256xbf16>, vector<256x256xbf16>, vector<2000x256xf32> -> vector<2000x256xf32>
    %get3A_119 = arith.constant 0 : index
    %get3A_120 = arith.constant 0 : index
    %get3A_121 = vector.load %arg13[%get3A_119, %get3A_120] : memref<1x256xf32, #tpu.memory_space<vmem>>, vector<1x256xf32>
    %add3A_122 = vector.broadcast %get3A_121 : vector<1x256xf32> to vector<2000x256xf32>
    %add3A_123 = arith.addf %dot_general3A_118, %add3A_122 : vector<2000x256xf32>
    %max3A_124 = arith.constant 0.000000e+00 : f32
    %max3A_125 = vector.broadcast %max3A_124 : f32 to vector<2000x256xf32>
    %max3A_126 = arith.maximumf %add3A_123, %max3A_125 : vector<2000x256xf32>
    %get3A_127 = arith.constant 0 : index
    %get3A_128 = arith.constant 0 : index
    %get3A_129 = vector.load %arg14[%get3A_127, %get3A_128] : memref<256x256xbf16, #tpu.memory_space<vmem>>, vector<256x256xbf16>
    %convert_element_type3A_130 = arith.truncf %max3A_126 : vector<2000x256xf32> to vector<2000x256xbf16>
    %dot_general3A_131 = arith.constant dense<0.000000e+00> : vector<2000x256xf32>
    %dot_general3A_132 = tpu.matmul %convert_element_type3A_130, %get3A_129, %dot_general3A_131 {dimension_numbers = #tpu.dot_dimension_numbers<[1], [0], [0], [1], [0, 0, 1, 1], [], []>, transpose_lhs_hint = false} : vector<2000x256xbf16>, vector<256x256xbf16>, vector<2000x256xf32> -> vector<2000x256xf32>
    %add3A_133 = arith.addf %add3A_65, %dot_general3A_132 : vector<2000x256xf32>
    %get3A_134 = arith.constant 0 : index
    %get3A_135 = arith.constant 0 : index
    %get3A_136 = vector.load %arg15[%get3A_134, %get3A_135] : memref<1x256xf32, #tpu.memory_space<vmem>>, vector<1x256xf32>
    %add3A_137 = vector.broadcast %get3A_136 : vector<1x256xf32> to vector<2000x256xf32>
    %add3A_138 = arith.addf %add3A_133, %add3A_137 : vector<2000x256xf32>
    %get3A_139 = arith.constant 1 : index
    %get3A_140 = arith.constant 0 : index
    %get3A_141 = vector.load %arg3[%get3A_139, %get3A_140] : memref<4x256xf32, #tpu.memory_space<vmem>>, vector<1x256xf32>
    %add3A_142 = vector.broadcast %get3A_141 : vector<1x256xf32> to vector<2000x256xf32>
    %add3A_143 = arith.addf %add3A_138, %add3A_142 : vector<2000x256xf32>
    %swap3A = arith.constant 0 : index
    %swap3A_144 = arith.constant 0 : index
    %swap3A_145 = vector.load %arg16[%swap3A, %swap3A_144] : memref<2000x256xf32, #tpu.memory_space<vmem>>, vector<2000x256xf32>
    tpu.vector_store %arg16[%swap3A, %swap3A_144], %add3A_143 {strides = array<i32>} : memref<2000x256xf32, #tpu.memory_space<vmem>>, vector<2000x256xf32>,
    return
  }
  func.func @transform_0(%arg0: i32) -> (i32, i32) {
    %c0_i32 = arith.constant 0 : i32
    %c0_i32_0 = arith.constant 0 : i32
    return %arg0, %c0_i32 : i32, i32
  }
  func.func @transform_1(%arg0: i32) -> (i32, i32) {
    %c0_i32 = arith.constant 0 : i32
    %c0_i32_0 = arith.constant 0 : i32
    %c0_i32_1 = arith.constant 0 : i32
    return %c0_i32, %c0_i32_0 : i32, i32
  }
  func.func @transform_2(%arg0: i32) -> (i32, i32) {
    %c0_i32 = arith.constant 0 : i32
    %c0_i32_0 = arith.constant 0 : i32
    %c0_i32_1 = arith.constant 0 : i32
    return %c0_i32, %c0_i32_0 : i32, i32
  }
  func.func @transform_3(%arg0: i32) -> (i32, i32) {
    %c0_i32 = arith.constant 0 : i32
    %c0_i32_0 = arith.constant 0 : i32
    %c0_i32_1 = arith.constant 0 : i32
    return %c0_i32, %c0_i32_0 : i32, i32
  }
  func.func @transform_4(%arg0: i32) -> (i32, i32) {
    %c0_i32 = arith.constant 0 : i32
    %c0_i32_0 = arith.constant 0 : i32
    %c0_i32_1 = arith.constant 0 : i32
    return %c0_i32, %c0_i32_0 : i32, i32
  }
  func.func @transform_5(%arg0: i32) -> (i32, i32) {
    %c0_i32 = arith.constant 0 : i32
    %c0_i32_0 = arith.constant 0 : i32
    %c0_i32_1 = arith.constant 0 : i32
    return %c0_i32, %c0_i32_0 : i32, i32
  }
  func.func @transform_6(%arg0: i32) -> (i32, i32) {
    %c0_i32 = arith.constant 0 : i32
    %c0_i32_0 = arith.constant 0 : i32
    %c0_i32_1 = arith.constant 0 : i32
    return %c0_i32, %c0_i32_0 : i32, i32
  }
  func.func @transform_7(%arg0: i32) -> (i32, i32) {
    %c0_i32 = arith.constant 0 : i32
    %c0_i32_0 = arith.constant 0 : i32
    %c0_i32_1 = arith.constant 0 : i32
    return %c0_i32, %c0_i32_0 : i32, i32
  }
  func.func @transform_8(%arg0: i32) -> (i32, i32) {
    %c0_i32 = arith.constant 0 : i32
    %c0_i32_0 = arith.constant 0 : i32
    %c0_i32_1 = arith.constant 0 : i32
    return %c0_i32, %c0_i32_0 : i32, i32
  }
  func.func @transform_9(%arg0: i32) -> (i32, i32) {
    %c0_i32 = arith.constant 0 : i32
    %c0_i32_0 = arith.constant 0 : i32
    %c0_i32_1 = arith.constant 0 : i32
    return %c0_i32, %c0_i32_0 : i32, i32
  }
  func.func @transform_10(%arg0: i32) -> (i32, i32) {
    %c0_i32 = arith.constant 0 : i32
    %c0_i32_0 = arith.constant 0 : i32
    %c0_i32_1 = arith.constant 0 : i32
    return %c0_i32, %c0_i32_0 : i32, i32
  }
  func.func @transform_11(%arg0: i32) -> (i32, i32) {
    %c0_i32 = arith.constant 0 : i32
    %c0_i32_0 = arith.constant 0 : i32
    %c0_i32_1 = arith.constant 0 : i32
    return %c0_i32, %c0_i32_0 : i32, i32
  }
  func.func @transform_12(%arg0: i32) -> (i32, i32) {
    %c0_i32 = arith.constant 0 : i32
    %c0_i32_0 = arith.constant 0 : i32
    %c0_i32_1 = arith.constant 0 : i32
    return %c0_i32, %c0_i32_0 : i32, i32
  }
  func.func @transform_13(%arg0: i32) -> (i32, i32) {
    %c0_i32 = arith.constant 0 : i32
    %c0_i32_0 = arith.constant 0 : i32
    %c0_i32_1 = arith.constant 0 : i32
    return %c0_i32, %c0_i32_0 : i32, i32
  }
  func.func @transform_14(%arg0: i32) -> (i32, i32) {
    %c0_i32 = arith.constant 0 : i32
    %c0_i32_0 = arith.constant 0 : i32
    %c0_i32_1 = arith.constant 0 : i32
    return %c0_i32, %c0_i32_0 : i32, i32
  }
  func.func @transform_15(%arg0: i32) -> (i32, i32) {
    %c0_i32 = arith.constant 0 : i32
    %c0_i32_0 = arith.constant 0 : i32
    return %arg0, %c0_i32 : i32, i32
  }
}

module attributes {stable_mosaic.version = 14 : i64} {
  func.func @_edge_body(%arg0: i32, %arg1: memref<2000x144xf32, #tpu.memory_space<vmem>>, %arg2: memref<2000x144xf32, #tpu.memory_space<vmem>>, %arg3: memref<1x1x2000xi32, #tpu.memory_space<vmem>>, %arg4: memref<1x256xf32, #tpu.memory_space<vmem>>, %arg5: memref<4x256xf32, #tpu.memory_space<vmem>>, %arg6: memref<4x128xf32, #tpu.memory_space<vmem>>, %arg7: memref<1x256xf32, #tpu.memory_space<vmem>>, %arg8: memref<1x256xf32, #tpu.memory_space<vmem>>, %arg9: memref<256x256xbf16, #tpu.memory_space<vmem>>, %arg10: memref<1x256xf32, #tpu.memory_space<vmem>>, %arg11: memref<256x256xbf16, #tpu.memory_space<vmem>>, %arg12: memref<1x256xf32, #tpu.memory_space<vmem>>, %arg13: memref<1x256xf32, #tpu.memory_space<vmem>>, %arg14: memref<1x256xf32, #tpu.memory_space<vmem>>, %arg15: memref<256x256xbf16, #tpu.memory_space<vmem>>, %arg16: memref<4x256xf32, #tpu.memory_space<vmem>>, %arg17: memref<256x256xbf16, #tpu.memory_space<vmem>>, %arg18: memref<1x256xf32, #tpu.memory_space<vmem>>, %arg19: memref<2000x256xf32, #tpu.memory_space<vmem>>) attributes {dimension_semantics = [#tpu.dimension_semantics<arbitrary>], iteration_bounds = array<i64: 5>, scalar_prefetch = 0 : i64, scratch_operands = 0 : i64, tpu.core_type = #tpu.core_type<tc>, window_params = [{transform_indices = @transform_0, window_bounds = array<i64: 2000, 144>}, {transform_indices = @transform_1, window_bounds = array<i64: 2000, 144>}, {transform_indices = @transform_2, window_bounds = array<i64: 1, 1, 2000>}, {pipeline_mode = #tpu.pipeline_mode<synchronous>, transform_indices = @transform_3, window_bounds = array<i64: 1, 256>}, {pipeline_mode = #tpu.pipeline_mode<synchronous>, transform_indices = @transform_4, window_bounds = array<i64: 4, 256>}, {pipeline_mode = #tpu.pipeline_mode<synchronous>, transform_indices = @transform_5, window_bounds = array<i64: 4, 128>}, {pipeline_mode = #tpu.pipeline_mode<synchronous>, transform_indices = @transform_6, window_bounds = array<i64: 1, 256>}, {pipeline_mode = #tpu.pipeline_mode<synchronous>, transform_indices = @transform_7, window_bounds = array<i64: 1, 256>}, {pipeline_mode = #tpu.pipeline_mode<synchronous>, transform_indices = @transform_8, window_bounds = array<i64: 256, 256>}, {pipeline_mode = #tpu.pipeline_mode<synchronous>, transform_indices = @transform_9, window_bounds = array<i64: 1, 256>}, {pipeline_mode = #tpu.pipeline_mode<synchronous>, transform_indices = @transform_10, window_bounds = array<i64: 256, 256>}, {pipeline_mode = #tpu.pipeline_mode<synchronous>, transform_indices = @transform_11, window_bounds = array<i64: 1, 256>}, {pipeline_mode = #tpu.pipeline_mode<synchronous>, transform_indices = @transform_12, window_bounds = array<i64: 1, 256>}, {pipeline_mode = #tpu.pipeline_mode<synchronous>, transform_indices = @transform_13, window_bounds = array<i64: 1, 256>}, {pipeline_mode = #tpu.pipeline_mode<synchronous>, transform_indices = @transform_14, window_bounds = array<i64: 256, 256>}, {pipeline_mode = #tpu.pipeline_mode<synchronous>, transform_indices = @transform_15, window_bounds = array<i64: 4, 256>}, {pipeline_mode = #tpu.pipeline_mode<synchronous>, transform_indices = @transform_16, window_bounds = array<i64: 256, 256>}, {pipeline_mode = #tpu.pipeline_mode<synchronous>, transform_indices = @transform_17, window_bounds = array<i64: 1, 256>}, {transform_indices = @transform_18, window_bounds = array<i64: 2000, 256>}]} {
    %get3A = arith.constant 0 : index
    %get3A_0 = arith.constant 0 : index
    %get3A_1 = vector.load %arg1[%get3A, %get3A_0] : memref<2000x144xf32, #tpu.memory_space<vmem>>, vector<2000x144xf32>
    %get3A_2 = arith.constant 0 : index
    %get3A_3 = arith.constant 0 : index
    %get3A_4 = vector.load %arg2[%get3A_2, %get3A_3] : memref<2000x144xf32, #tpu.memory_space<vmem>>, vector<2000x144xf32>
    %slice3A = vector.extract_strided_slice %get3A_1 {offsets = [0, 128], sizes = [2000, 4], strides = [1, 1]} : vector<2000x144xf32> to vector<2000x4xf32>
    %get3A_5 = arith.constant 0 : index
    %get3A_6 = arith.constant 0 : index
    %get3A_7 = vector.load %arg6[%get3A_5, %get3A_6] : memref<4x128xf32, #tpu.memory_space<vmem>>, vector<4x128xf32>
    %dot_general3A = arith.constant dense<0.000000e+00> : vector<2000x128xf32>
    %dot_general3A_8 = tpu.matmul %slice3A, %get3A_7, %dot_general3A {dimension_numbers = #tpu.dot_dimension_numbers<[1], [0], [0], [1], [0, 0, 1, 1], [], []>, transpose_lhs_hint = false} : vector<2000x4xf32>, vector<4x128xf32>, vector<2000x128xf32> -> vector<2000x128xf32>
    %slice3A_9 = vector.extract_strided_slice %get3A_4 {offsets = [0, 128], sizes = [2000, 4], strides = [1, 1]} : vector<2000x144xf32> to vector<2000x4xf32>
    %get3A_10 = arith.constant 0 : index
    %get3A_11 = arith.constant 0 : index
    %get3A_12 = vector.load %arg6[%get3A_10, %get3A_11] : memref<4x128xf32, #tpu.memory_space<vmem>>, vector<4x128xf32>
    %dot_general3A_13 = arith.constant dense<0.000000e+00> : vector<2000x128xf32>
    %dot_general3A_14 = tpu.matmul %slice3A_9, %get3A_12, %dot_general3A_13 {dimension_numbers = #tpu.dot_dimension_numbers<[1], [0], [0], [1], [0, 0, 1, 1], [], []>, transpose_lhs_hint = false} : vector<2000x4xf32>, vector<4x128xf32>, vector<2000x128xf32> -> vector<2000x128xf32>
    %slice3A_15 = vector.extract_strided_slice %get3A_1 {offsets = [0, 0], sizes = [2000, 128], strides = [1, 1]} : vector<2000x144xf32> to vector<2000x128xf32>
    %add3A = arith.constant 1.000000e-16 : f32
    %add3A_16 = vector.broadcast %add3A : f32 to vector<2000x128xf32>
    %add3A_17 = arith.addf %dot_general3A_8, %add3A_16 : vector<2000x128xf32>
    %div3A = arith.divf %slice3A_15, %add3A_17 : vector<2000x128xf32>
    %slice3A_18 = vector.extract_strided_slice %get3A_4 {offsets = [0, 0], sizes = [2000, 128], strides = [1, 1]} : vector<2000x144xf32> to vector<2000x128xf32>
    %add3A_19 = arith.constant 1.000000e-16 : f32
    %add3A_20 = vector.broadcast %add3A_19 : f32 to vector<2000x128xf32>
    %add3A_21 = arith.addf %dot_general3A_14, %add3A_20 : vector<2000x128xf32>
    %div3A_22 = arith.divf %slice3A_18, %add3A_21 : vector<2000x128xf32>
    %concatenate3A = tpu.concatenate %div3A, %div3A_22 in 1 : vector<2000x128xf32>, vector<2000x128xf32> -> vector<2000x256xf32>
    %get3A_23 = arith.constant 0 : index
    %get3A_24 = arith.constant 0 : index
    %get3A_25 = vector.load %arg7[%get3A_23, %get3A_24] : memref<1x256xf32, #tpu.memory_space<vmem>>, vector<1x256xf32>
    %get3A_26 = arith.constant 0 : index
    %get3A_27 = arith.constant 0 : index
    %get3A_28 = vector.load %arg8[%get3A_26, %get3A_27] : memref<1x256xf32, #tpu.memory_space<vmem>>, vector<1x256xf32>
    %reduce_sum3A = arith.constant dense<0.000000e+00> : vector<2000xf32>
    %reduce_sum3A_29 = vector.multi_reduction <add>, %concatenate3A, %reduce_sum3A [1] : vector<2000x256xf32> to vector<2000xf32>
    %broadcast_in_dim3A = vector.shape_cast %reduce_sum3A_29 : vector<2000xf32> to vector<2000x1xf32>
    %div3A_30 = arith.constant 2.560000e+02 : f32
    %div3A_31 = vector.broadcast %div3A_30 : f32 to vector<2000x1xf32>
    %div3A_32 = arith.divf %broadcast_in_dim3A, %div3A_31 : vector<2000x1xf32>
    %jit3A = arith.constant 0 : i32
    %reduce_sum3A_33 = arith.constant dense<0.000000e+00> : vector<2000xf32>
    %reduce_sum3A_34 = vector.multi_reduction <add>, %concatenate3A, %reduce_sum3A_33 [1] : vector<2000x256xf32> to vector<2000xf32>
    %broadcast_in_dim3A_35 = vector.shape_cast %reduce_sum3A_34 : vector<2000xf32> to vector<2000x1xf32>
    %div3A_36 = arith.constant 2.560000e+02 : f32
    %div3A_37 = vector.broadcast %div3A_36 : f32 to vector<2000x1xf32>
    %div3A_38 = arith.divf %broadcast_in_dim3A_35, %div3A_37 : vector<2000x1xf32>
    %sub3A = vector.broadcast %div3A_38 : vector<2000x1xf32> to vector<2000x256xf32>
    %sub3A_39 = arith.subf %concatenate3A, %sub3A : vector<2000x256xf32>
    %square3A = arith.mulf %sub3A_39, %sub3A_39 : vector<2000x256xf32>
    %convert_element_type3A = arith.sitofp %jit3A : i32 to f32
    %sub3A_40 = arith.constant 2.560000e+02 : f32
    %sub3A_41 = arith.subf %sub3A_40, %convert_element_type3A : f32
    %reduce_sum3A_42 = arith.constant dense<0.000000e+00> : vector<2000xf32>
    %reduce_sum3A_43 = vector.multi_reduction <add>, %square3A, %reduce_sum3A_42 [1] : vector<2000x256xf32> to vector<2000xf32>
    %broadcast_in_dim3A_44 = vector.shape_cast %reduce_sum3A_43 : vector<2000xf32> to vector<2000x1xf32>
    %div3A_45 = vector.broadcast %sub3A_41 : f32 to vector<2000x1xf32>
    %div3A_46 = arith.divf %broadcast_in_dim3A_44, %div3A_45 : vector<2000x1xf32>
    %gt3A = arith.constant 0.000000e+00 : f32
    %gt3A_47 = arith.cmpf ogt, %sub3A_41, %gt3A : f32
    %jit3A_48 = arith.constant 0x7FC00000 : f32
    %broadcast_in_dim3A_49 = vector.broadcast %jit3A_48 : f32 to vector<2000x1xf32>
    %select_n3A = arith.select %gt3A_47, %div3A_46, %broadcast_in_dim3A_49 : vector<2000x1xf32>
    %sub3A_50 = vector.broadcast %div3A_32 : vector<2000x1xf32> to vector<2000x256xf32>
    %sub3A_51 = arith.subf %concatenate3A, %sub3A_50 : vector<2000x256xf32>
    %add3A_52 = arith.constant 9.99999974E-6 : f32
    %add3A_53 = vector.broadcast %add3A_52 : f32 to vector<2000x1xf32>
    %add3A_54 = arith.addf %select_n3A, %add3A_53 : vector<2000x1xf32>
    %sqrt3A = math.sqrt %add3A_54 : vector<2000x1xf32>
    %div3A_55 = vector.broadcast %sqrt3A : vector<2000x1xf32> to vector<2000x256xf32>
    %div3A_56 = arith.divf %sub3A_51, %div3A_55 : vector<2000x256xf32>
    %mul3A = vector.broadcast %get3A_25 : vector<1x256xf32> to vector<2000x256xf32>
    %mul3A_57 = arith.mulf %div3A_56, %mul3A : vector<2000x256xf32>
    %add3A_58 = vector.broadcast %get3A_28 : vector<1x256xf32> to vector<2000x256xf32>
    %add3A_59 = arith.addf %mul3A_57, %add3A_58 : vector<2000x256xf32>
    %get3A_60 = arith.constant 0 : index
    %get3A_61 = arith.constant 0 : index
    %get3A_62 = vector.load %arg9[%get3A_60, %get3A_61] : memref<256x256xbf16, #tpu.memory_space<vmem>>, vector<256x256xbf16>
    %convert_element_type3A_63 = arith.truncf %add3A_59 : vector<2000x256xf32> to vector<2000x256xbf16>
    %dot_general3A_64 = arith.constant dense<0.000000e+00> : vector<2000x256xf32>
    %dot_general3A_65 = tpu.matmul %convert_element_type3A_63, %get3A_62, %dot_general3A_64 {dimension_numbers = #tpu.dot_dimension_numbers<[1], [0], [0], [1], [0, 0, 1, 1], [], []>, transpose_lhs_hint = false} : vector<2000x256xbf16>, vector<256x256xbf16>, vector<2000x256xf32> -> vector<2000x256xf32>
    %get3A_66 = arith.constant 0 : index
    %get3A_67 = arith.constant 0 : index
    %get3A_68 = vector.load %arg10[%get3A_66, %get3A_67] : memref<1x256xf32, #tpu.memory_space<vmem>>, vector<1x256xf32>
    %add3A_69 = vector.broadcast %get3A_68 : vector<1x256xf32> to vector<2000x256xf32>
    %add3A_70 = arith.addf %dot_general3A_65, %add3A_69 : vector<2000x256xf32>
    %max3A = arith.constant 0.000000e+00 : f32
    %max3A_71 = vector.broadcast %max3A : f32 to vector<2000x256xf32>
    %max3A_72 = arith.maximumf %add3A_70, %max3A_71 : vector<2000x256xf32>
    %get3A_73 = arith.constant 0 : index
    %get3A_74 = arith.constant 0 : index
    %get3A_75 = vector.load %arg11[%get3A_73, %get3A_74] : memref<256x256xbf16, #tpu.memory_space<vmem>>, vector<256x256xbf16>
    %convert_element_type3A_76 = arith.truncf %max3A_72 : vector<2000x256xf32> to vector<2000x256xbf16>
    %dot_general3A_77 = arith.constant dense<0.000000e+00> : vector<2000x256xf32>
    %dot_general3A_78 = tpu.matmul %convert_element_type3A_76, %get3A_75, %dot_general3A_77 {dimension_numbers = #tpu.dot_dimension_numbers<[1], [0], [0], [1], [0, 0, 1, 1], [], []>, transpose_lhs_hint = false} : vector<2000x256xbf16>, vector<256x256xbf16>, vector<2000x256xf32> -> vector<2000x256xf32>
    %add3A_79 = arith.addf %concatenate3A, %dot_general3A_78 : vector<2000x256xf32>
    %get3A_80 = arith.constant 0 : index
    %get3A_81 = arith.constant 0 : index
    %get3A_82 = vector.load %arg12[%get3A_80, %get3A_81] : memref<1x256xf32, #tpu.memory_space<vmem>>, vector<1x256xf32>
    %add3A_83 = vector.broadcast %get3A_82 : vector<1x256xf32> to vector<2000x256xf32>
    %add3A_84 = arith.addf %add3A_79, %add3A_83 : vector<2000x256xf32>
    %get3A_85 = arith.constant 0 : index
    %get3A_86 = arith.constant 0 : index
    %get3A_87 = vector.load %arg4[%get3A_85, %get3A_86] : memref<1x256xf32, #tpu.memory_space<vmem>>, vector<1x256xf32>
    %add3A_88 = vector.broadcast %get3A_87 : vector<1x256xf32> to vector<2000x256xf32>
    %add3A_89 = arith.addf %add3A_88, %add3A_84 : vector<2000x256xf32>
    %get3A_90 = arith.constant 0 : index
    %get3A_91 = arith.constant 0 : index
    %get3A_92 = arith.constant 0 : index
    %get3A_93 = vector.load %arg3[%get3A_90, %get3A_91, %get3A_92] : memref<1x1x2000xi32, #tpu.memory_space<vmem>>, vector<1x1x2000xi32>
    %get3A_94 = vector.shape_cast %get3A_93 : vector<1x1x2000xi32> to vector<2000xi32>
    %broadcast_in_dim3A_95 = vector.shape_cast %get3A_94 : vector<2000xi32> to vector<2000x1xi32>
    %iota3A = tpu.iota {dimensions = array<i32: 1>} : vector<2000x4xi32>
    %eq3A = vector.broadcast %broadcast_in_dim3A_95 : vector<2000x1xi32> to vector<2000x4xi32>
    %eq3A_96 = arith.cmpi eq, %eq3A, %iota3A : vector<2000x4xi32>
    %convert_element_type3A_97 = arith.extui %eq3A_96 : vector<2000x4xi1> to vector<2000x4xi32>
    %convert_element_type3A_98 = arith.sitofp %convert_element_type3A_97 : vector<2000x4xi32> to vector<2000x4xf32>
    %get3A_99 = arith.constant 0 : index
    %get3A_100 = arith.constant 0 : index
    %get3A_101 = vector.load %arg16[%get3A_99, %get3A_100] : memref<4x256xf32, #tpu.memory_space<vmem>>, vector<4x256xf32>
    %dot_general3A_102 = arith.constant dense<0.000000e+00> : vector<2000x256xf32>
    %dot_general3A_103 = tpu.matmul %convert_element_type3A_98, %get3A_101, %dot_general3A_102 {dimension_numbers = #tpu.dot_dimension_numbers<[1], [0], [0], [1], [0, 0, 1, 1], [], []>, transpose_lhs_hint = false} : vector<2000x4xf32>, vector<4x256xf32>, vector<2000x256xf32> -> vector<2000x256xf32>
    %get3A_104 = arith.constant 0 : index
    %get3A_105 = arith.constant 0 : index
    %get3A_106 = vector.load %arg5[%get3A_104, %get3A_105] : memref<4x256xf32, #tpu.memory_space<vmem>>, vector<4x256xf32>
    %dot_general3A_107 = arith.constant dense<0.000000e+00> : vector<2000x256xf32>
    %dot_general3A_108 = tpu.matmul %convert_element_type3A_98, %get3A_106, %dot_general3A_107 {dimension_numbers = #tpu.dot_dimension_numbers<[1], [0], [0], [1], [0, 0, 1, 1], [], []>, transpose_lhs_hint = false} : vector<2000x4xf32>, vector<4x256xf32>, vector<2000x256xf32> -> vector<2000x256xf32>
    %get3A_109 = arith.constant 0 : index
    %get3A_110 = arith.constant 0 : index
    %get3A_111 = vector.load %arg13[%get3A_109, %get3A_110] : memref<1x256xf32, #tpu.memory_space<vmem>>, vector<1x256xf32>
    %get3A_112 = arith.constant 0 : index
    %get3A_113 = arith.constant 0 : index
    %get3A_114 = vector.load %arg14[%get3A_112, %get3A_113] : memref<1x256xf32, #tpu.memory_space<vmem>>, vector<1x256xf32>
    %reduce_sum3A_115 = arith.constant dense<0.000000e+00> : vector<2000xf32>
    %reduce_sum3A_116 = vector.multi_reduction <add>, %add3A_89, %reduce_sum3A_115 [1] : vector<2000x256xf32> to vector<2000xf32>
    %broadcast_in_dim3A_117 = vector.shape_cast %reduce_sum3A_116 : vector<2000xf32> to vector<2000x1xf32>
    %div3A_118 = arith.constant 2.560000e+02 : f32
    %div3A_119 = vector.broadcast %div3A_118 : f32 to vector<2000x1xf32>
    %div3A_120 = arith.divf %broadcast_in_dim3A_117, %div3A_119 : vector<2000x1xf32>
    %jit3A_121 = arith.constant 0 : i32
    %reduce_sum3A_122 = arith.constant dense<0.000000e+00> : vector<2000xf32>
    %reduce_sum3A_123 = vector.multi_reduction <add>, %add3A_89, %reduce_sum3A_122 [1] : vector<2000x256xf32> to vector<2000xf32>
    %broadcast_in_dim3A_124 = vector.shape_cast %reduce_sum3A_123 : vector<2000xf32> to vector<2000x1xf32>
    %div3A_125 = arith.constant 2.560000e+02 : f32
    %div3A_126 = vector.broadcast %div3A_125 : f32 to vector<2000x1xf32>
    %div3A_127 = arith.divf %broadcast_in_dim3A_124, %div3A_126 : vector<2000x1xf32>
    %sub3A_128 = vector.broadcast %div3A_127 : vector<2000x1xf32> to vector<2000x256xf32>
    %sub3A_129 = arith.subf %add3A_89, %sub3A_128 : vector<2000x256xf32>
    %square3A_130 = arith.mulf %sub3A_129, %sub3A_129 : vector<2000x256xf32>
    %convert_element_type3A_131 = arith.sitofp %jit3A_121 : i32 to f32
    %sub3A_132 = arith.constant 2.560000e+02 : f32
    %sub3A_133 = arith.subf %sub3A_132, %convert_element_type3A_131 : f32
    %reduce_sum3A_134 = arith.constant dense<0.000000e+00> : vector<2000xf32>
    %reduce_sum3A_135 = vector.multi_reduction <add>, %square3A_130, %reduce_sum3A_134 [1] : vector<2000x256xf32> to vector<2000xf32>
    %broadcast_in_dim3A_136 = vector.shape_cast %reduce_sum3A_135 : vector<2000xf32> to vector<2000x1xf32>
    %div3A_137 = vector.broadcast %sub3A_133 : f32 to vector<2000x1xf32>
    %div3A_138 = arith.divf %broadcast_in_dim3A_136, %div3A_137 : vector<2000x1xf32>
    %gt3A_139 = arith.constant 0.000000e+00 : f32
    %gt3A_140 = arith.cmpf ogt, %sub3A_133, %gt3A_139 : f32
    %jit3A_141 = arith.constant 0x7FC00000 : f32
    %broadcast_in_dim3A_142 = vector.broadcast %jit3A_141 : f32 to vector<2000x1xf32>
    %select_n3A_143 = arith.select %gt3A_140, %div3A_138, %broadcast_in_dim3A_142 : vector<2000x1xf32>
    %sub3A_144 = vector.broadcast %div3A_120 : vector<2000x1xf32> to vector<2000x256xf32>
    %sub3A_145 = arith.subf %add3A_89, %sub3A_144 : vector<2000x256xf32>
    %add3A_146 = arith.constant 9.99999974E-6 : f32
    %add3A_147 = vector.broadcast %add3A_146 : f32 to vector<2000x1xf32>
    %add3A_148 = arith.addf %select_n3A_143, %add3A_147 : vector<2000x1xf32>
    %sqrt3A_149 = math.sqrt %add3A_148 : vector<2000x1xf32>
    %div3A_150 = vector.broadcast %sqrt3A_149 : vector<2000x1xf32> to vector<2000x256xf32>
    %div3A_151 = arith.divf %sub3A_145, %div3A_150 : vector<2000x256xf32>
    %mul3A_152 = vector.broadcast %get3A_111 : vector<1x256xf32> to vector<2000x256xf32>
    %mul3A_153 = arith.mulf %div3A_151, %mul3A_152 : vector<2000x256xf32>
    %add3A_154 = vector.broadcast %get3A_114 : vector<1x256xf32> to vector<2000x256xf32>
    %add3A_155 = arith.addf %mul3A_153, %add3A_154 : vector<2000x256xf32>
    %get3A_156 = arith.constant 0 : index
    %get3A_157 = arith.constant 0 : index
    %get3A_158 = vector.load %arg15[%get3A_156, %get3A_157] : memref<256x256xbf16, #tpu.memory_space<vmem>>, vector<256x256xbf16>
    %convert_element_type3A_159 = arith.truncf %add3A_155 : vector<2000x256xf32> to vector<2000x256xbf16>
    %dot_general3A_160 = arith.constant dense<0.000000e+00> : vector<2000x256xf32>
    %dot_general3A_161 = tpu.matmul %convert_element_type3A_159, %get3A_158, %dot_general3A_160 {dimension_numbers = #tpu.dot_dimension_numbers<[1], [0], [0], [1], [0, 0, 1, 1], [], []>, transpose_lhs_hint = false} : vector<2000x256xbf16>, vector<256x256xbf16>, vector<2000x256xf32> -> vector<2000x256xf32>
    %add3A_162 = arith.addf %dot_general3A_161, %dot_general3A_103 : vector<2000x256xf32>
    %max3A_163 = arith.constant 0.000000e+00 : f32
    %max3A_164 = vector.broadcast %max3A_163 : f32 to vector<2000x256xf32>
    %max3A_165 = arith.maximumf %add3A_162, %max3A_164 : vector<2000x256xf32>
    %get3A_166 = arith.constant 0 : index
    %get3A_167 = arith.constant 0 : index
    %get3A_168 = vector.load %arg17[%get3A_166, %get3A_167] : memref<256x256xbf16, #tpu.memory_space<vmem>>, vector<256x256xbf16>
    %convert_element_type3A_169 = arith.truncf %max3A_165 : vector<2000x256xf32> to vector<2000x256xbf16>
    %dot_general3A_170 = arith.constant dense<0.000000e+00> : vector<2000x256xf32>
    %dot_general3A_171 = tpu.matmul %convert_element_type3A_169, %get3A_168, %dot_general3A_170 {dimension_numbers = #tpu.dot_dimension_numbers<[1], [0], [0], [1], [0, 0, 1, 1], [], []>, transpose_lhs_hint = false} : vector<2000x256xbf16>, vector<256x256xbf16>, vector<2000x256xf32> -> vector<2000x256xf32>
    %add3A_172 = arith.addf %add3A_89, %dot_general3A_171 : vector<2000x256xf32>
    %get3A_173 = arith.constant 0 : index
    %get3A_174 = arith.constant 0 : index
    %get3A_175 = vector.load %arg18[%get3A_173, %get3A_174] : memref<1x256xf32, #tpu.memory_space<vmem>>, vector<1x256xf32>
    %add3A_176 = vector.broadcast %get3A_175 : vector<1x256xf32> to vector<2000x256xf32>
    %add3A_177 = arith.addf %add3A_172, %add3A_176 : vector<2000x256xf32>
    %add3A_178 = arith.addf %add3A_177, %dot_general3A_108 : vector<2000x256xf32>
    %swap3A = arith.constant 0 : index
    %swap3A_179 = arith.constant 0 : index
    %swap3A_180 = vector.load %arg19[%swap3A, %swap3A_179] : memref<2000x256xf32, #tpu.memory_space<vmem>>, vector<2000x256xf32>
    tpu.vector_store %arg19[%swap3A, %swap3A_179], %add3A_178 {strides = array<i32>} : memref<2000x256xf32, #tpu.memory_space<vmem>>, vector<2000x256xf32>,
    return
  }
  func.func @transform_0(%arg0: i32) -> (i32, i32) {
    %c0_i32 = arith.constant 0 : i32
    %c0_i32_0 = arith.constant 0 : i32
    return %arg0, %c0_i32 : i32, i32
  }
  func.func @transform_1(%arg0: i32) -> (i32, i32) {
    %c0_i32 = arith.constant 0 : i32
    %c0_i32_0 = arith.constant 0 : i32
    return %arg0, %c0_i32 : i32, i32
  }
  func.func @transform_2(%arg0: i32) -> (i32, i32, i32) {
    %c0_i32 = arith.constant 0 : i32
    %c0_i32_0 = arith.constant 0 : i32
    %c0_i32_1 = arith.constant 0 : i32
    return %arg0, %c0_i32, %c0_i32_0 : i32, i32, i32
  }
  func.func @transform_3(%arg0: i32) -> (i32, i32) {
    %c0_i32 = arith.constant 0 : i32
    %c0_i32_0 = arith.constant 0 : i32
    %c0_i32_1 = arith.constant 0 : i32
    return %c0_i32, %c0_i32_0 : i32, i32
  }
  func.func @transform_4(%arg0: i32) -> (i32, i32) {
    %c0_i32 = arith.constant 0 : i32
    %c0_i32_0 = arith.constant 0 : i32
    %c0_i32_1 = arith.constant 0 : i32
    return %c0_i32, %c0_i32_0 : i32, i32
  }
  func.func @transform_5(%arg0: i32) -> (i32, i32) {
    %c0_i32 = arith.constant 0 : i32
    %c0_i32_0 = arith.constant 0 : i32
    %c0_i32_1 = arith.constant 0 : i32
    return %c0_i32, %c0_i32_0 : i32, i32
  }
  func.func @transform_6(%arg0: i32) -> (i32, i32) {
    %c0_i32 = arith.constant 0 : i32
    %c0_i32_0 = arith.constant 0 : i32
    %c0_i32_1 = arith.constant 0 : i32
    return %c0_i32, %c0_i32_0 : i32, i32
  }
  func.func @transform_7(%arg0: i32) -> (i32, i32) {
    %c0_i32 = arith.constant 0 : i32
    %c0_i32_0 = arith.constant 0 : i32
    %c0_i32_1 = arith.constant 0 : i32
    return %c0_i32, %c0_i32_0 : i32, i32
  }
  func.func @transform_8(%arg0: i32) -> (i32, i32) {
    %c0_i32 = arith.constant 0 : i32
    %c0_i32_0 = arith.constant 0 : i32
    %c0_i32_1 = arith.constant 0 : i32
    return %c0_i32, %c0_i32_0 : i32, i32
  }
  func.func @transform_9(%arg0: i32) -> (i32, i32) {
    %c0_i32 = arith.constant 0 : i32
    %c0_i32_0 = arith.constant 0 : i32
    %c0_i32_1 = arith.constant 0 : i32
    return %c0_i32, %c0_i32_0 : i32, i32
  }
  func.func @transform_10(%arg0: i32) -> (i32, i32) {
    %c0_i32 = arith.constant 0 : i32
    %c0_i32_0 = arith.constant 0 : i32
    %c0_i32_1 = arith.constant 0 : i32
    return %c0_i32, %c0_i32_0 : i32, i32
  }
  func.func @transform_11(%arg0: i32) -> (i32, i32) {
    %c0_i32 = arith.constant 0 : i32
    %c0_i32_0 = arith.constant 0 : i32
    %c0_i32_1 = arith.constant 0 : i32
    return %c0_i32, %c0_i32_0 : i32, i32
  }
  func.func @transform_12(%arg0: i32) -> (i32, i32) {
    %c0_i32 = arith.constant 0 : i32
    %c0_i32_0 = arith.constant 0 : i32
    %c0_i32_1 = arith.constant 0 : i32
    return %c0_i32, %c0_i32_0 : i32, i32
  }
  func.func @transform_13(%arg0: i32) -> (i32, i32) {
    %c0_i32 = arith.constant 0 : i32
    %c0_i32_0 = arith.constant 0 : i32
    %c0_i32_1 = arith.constant 0 : i32
    return %c0_i32, %c0_i32_0 : i32, i32
  }
  func.func @transform_14(%arg0: i32) -> (i32, i32) {
    %c0_i32 = arith.constant 0 : i32
    %c0_i32_0 = arith.constant 0 : i32
    %c0_i32_1 = arith.constant 0 : i32
    return %c0_i32, %c0_i32_0 : i32, i32
  }
  func.func @transform_15(%arg0: i32) -> (i32, i32) {
    %c0_i32 = arith.constant 0 : i32
    %c0_i32_0 = arith.constant 0 : i32
    %c0_i32_1 = arith.constant 0 : i32
    return %c0_i32, %c0_i32_0 : i32, i32
  }
  func.func @transform_16(%arg0: i32) -> (i32, i32) {
    %c0_i32 = arith.constant 0 : i32
    %c0_i32_0 = arith.constant 0 : i32
    %c0_i32_1 = arith.constant 0 : i32
    return %c0_i32, %c0_i32_0 : i32, i32
  }
  func.func @transform_17(%arg0: i32) -> (i32, i32) {
    %c0_i32 = arith.constant 0 : i32
    %c0_i32_0 = arith.constant 0 : i32
    %c0_i32_1 = arith.constant 0 : i32
    return %c0_i32, %c0_i32_0 : i32, i32
  }
  func.func @transform_18(%arg0: i32) -> (i32, i32) {
    %c0_i32 = arith.constant 0 : i32
    %c0_i32_0 = arith.constant 0 : i32
    return %arg0, %c0_i32 : i32, i32
  }
}

</mosaic_0001>

<sc_bundles>
// kernel: kernel.6.cloned.1.call-start
scs
__scs_entry_jumppad:
0x0: {  	(pc) =	sbr.rel $0x88, $3  }
0x1: {  	(tag) =	ssettag $0x0;
	lr =	simm.s32 $0x1  }
0x2: {  	[smem:$0x3F7C] =	sst lr;
	_ =	strace $0xD0000000  }
0x3: {  	_ = 	snop  }
0x4: {  	_ = 	snop  }
0x5: {  	_ = 	snop  }
0x6: {  	_ = 	snop  }
0x7: {  	_ = 	snop  }
__scs_overlays_trampoline_lowered:
0x8: {  	[smem:$0x3F8B] =	sst s0  }
0x9: {  	[smem:$0x3F8C] =	sst s1  }
0xa: {  	[smem:$0x3F8D] =	sst s2  }
0xb: {  	[smem:$0x3F8E] =	sst s3  }
0xc: {  	[smem:$0x3F8F] =	sst s4  }
0xd: {  	[smem:$0x3F90] =	sst s5  }
0xe: {  	[smem:$0x3F91] =	sst s6  }
0xf: {  	[smem:$0x3F92] =	sst s7  }
0x10: {  	[smem:$0x3F93] =	sst s8  }
0x11: {  	[smem:$0x3F94] =	sst s9;
	s0 =	simm.s32 @!p0 $0x0  }
0x12: {  	s1 =	sld [smem:$0x3F7A];
	s0 =	simm.s32 @p0 $0x1  }
0x13: {  	[smem:$0x3F95] =	sst s0;
	s0 =	simm.s32 @!p1 $0x0  }
0x14: {  	s2 =	sld [smem:$0x3F79];
	s0 =	simm.s32 @p1 $0x1  }
0x15: {  	[smem:$0x3F96] =	sst s0;
	s0 =	simm.s32 @!p2 $0x0  }
0x16: {  	s3 =	sld [smem:$0x3FDB];
	s0 =	simm.s32 @p2 $0x1  }
0x17: {  	s4 =	simm.s32 $0x1BF5;
	[smem:$0x3F98] =	sst s0  }
0x18: {  	s0 =	sld [smem:$0x3F7B];
	_ =	swait.ge [sflag:s4], $0x0  }
0x19: {  	s7 =	sld [smem:$0x3F7C]  }
0x1a: {  	s8 =	sadd.s32 $0xFFFFE003, lr  }
0x1b: {  	s9 =	sadd.s32 $0xFFFFFEF7, lr;
	s5 =	simm.s32 $0xFFFFFFFF;
	p2 =	slt.u32 s8, $0xFFFFF086  }
0x1c: {  	p1 =	slt.u32 s9, $0xF7A;
	s5 =	simm.s32 @!p2 $0x0  }
0x1d: {  	s5 =	simm.s32 @p1 $0x1;
	p0 =	seq.s32 s7, s2  }
0x1e: {  	s7 =	smul.u32 @!p0 $0xF7A, s2;
	p2 =	seq.s32 @!p0 s5, $0x0  }
0x1f: {  	s9 =	smul.u32 $0xF7A, s1;
	s8 =	simm.s32 @!p0 $0x1BF5;
	p2 =	por !p2, p0  }
0x20: {  	[sflag:s8] =	ssyncset.s32 @!p0 $0xFFFFF086;
	s6 =	sadd.s32 @!p0 s3, s7;
	s7 =	simm.s32 @!p0 $0x108  }
0x21: {  	s3 =	sadd.s32 s3, s9;
	s6 =	sadd.s32 @!p0 $0x88, s6;
	s7 =	simm.s32 @p2 $0x1082  }
0x22: {  	[simem:s7], [sflag:s8] =	dma.local @!p0 [hbm:s6], $0xF7A  }
0x23: {  	s9 =	sor.u32 $0xD0000000, s2;
	s6 =	simm.s32 $0x108;
	_ =	swait.ge @!p0 [sflag:s8], $0x0  }
0x24: {  	s3 =	sadd.s32 $0x88, s3;
	s6 =	simm.s32 @!p1 $0x1082;
	[sflag:s4] =	ssyncset.s32 $0xFFFFF086  }
0x25: {  	[simem:s6], [sflag:s4] =	dma.local [hbm:s3], $0xF7A  }
0x26: {  	[smem:$0x3F7C] =	sst s1;
	(tag) =	ssettag s2;
	_ =	strace s9  }
0x27: {  	s1 =	sld [smem:$0x3F8C]  }
0x28: {  	s2 =	sld [smem:$0x3F8D]  }
0x29: {  	s4 =	sld [smem:$0x3F8F]  }
0x2a: {  	p0 =	seq.s32 s5, $0x0;
	s5 =	sld [smem:$0x3F90]  }
0x2b: {  	s6 =	sld [smem:$0x3F91]  }
0x2c: {  	s7 =	sld [smem:$0x3F92]  }
0x2d: {  	s3 =	simm.s32 $0x108;
	s8 =	sld [smem:$0x3F93]  }
0x2e: {  	s3 =	simm.s32 @!p0 $0x1082;
	s9 =	sld [smem:$0x3F94]  }
0x2f: {  	lr =	sadd.s32 s0, s3;
	s0 =	sld [smem:$0x3F8B]  }
0x30: {  	s3 =	sld [smem:$0x3F8E]  }
0x31: {  	[smem:$0x3F97] =	sst s10  }
0x32: {  	s10 =	sld [smem:$0x3F95];
	_ =	sdelay $0x3  }
0x33: {  	p0 =	seq.s32 s10, $0x1;
	s10 =	sld [smem:$0x3F97];
	_ =	sdelay $0x3  }
0x34: {  	[smem:$0x3F97] =	sst s10  }
0x35: {  	s10 =	sld [smem:$0x3F96];
	_ =	sdelay $0x3  }
0x36: {  	p1 =	seq.s32 s10, $0x1;
	s10 =	sld [smem:$0x3F97];
	_ =	sdelay $0x3  }
0x37: {  	[smem:$0x3F97] =	sst s10  }
0x38: {  	s10 =	sld [smem:$0x3F98]  }
0x39: {  	_ = 	snop;
	(pc) =	sbr.ind lr, $3  }
0x3a: {  	_ = 	snop  }
0x3b: {  	_ = 	snop  }
0x3c: {  	p2 =	seq.s32 s10, $0x1;
	s10 =	sld [smem:$0x3F97]  }
0x3d: {  	_ =	shalt  }
0x3e: {  	_ =	shalt  }
0x3f: {  	_ =	shalt  }
0x40: {  	_ =	shalt  }
0x41: {  	_ =	shalt  }
0x42: {  	_ =	shalt  }
0x43: {  	_ =	shalt  }
0x44: {  	_ =	shalt  }
0x45: {  	_ =	shalt  }
0x46: {  	_ =	shalt  }
0x47: {  	_ =	shalt  }
0x48: {  	_ =	shalt  }
0x49: {  	_ =	shalt  }
0x4a: {  	_ =	shalt  }
0x4b: {  	_ =	shalt  }
0x4c: {  	_ =	shalt  }
0x4d: {  	_ =	shalt  }
0x4e: {  	_ =	shalt  }
0x4f: {  	_ =	shalt  }
0x50: {  	_ =	shalt  }
0x51: {  	_ =	shalt  }
0x52: {  	_ =	shalt  }
0x53: {  	_ =	shalt  }
0x54: {  	_ =	shalt  }
0x55: {  	_ =	shalt  }
0x56: {  	_ =	shalt  }
0x57: {  	_ =	shalt  }
0x58: {  	_ =	shalt  }
0x59: {  	_ =	shalt  }
0x5a: {  	_ =	shalt  }
0x5b: {  	_ =	shalt  }
0x5c: {  	_ =	shalt  }
0x5d: {  	_ =	shalt  }
0x5e: {  	_ =	shalt  }
0x5f: {  	_ =	shalt  }
0x60: {  	_ =	shalt  }
0x61: {  	_ =	shalt  }
0x62: {  	_ =	shalt  }
0x63: {  	_ =	shalt  }
0x64: {  	_ =	shalt  }
0x65: {  	_ =	shalt  }
0x66: {  	_ =	shalt  }
0x67: {  	_ =	shalt  }
0x68: {  	_ =	shalt  }
0x69: {  	_ =	shalt  }
0x6a: {  	_ =	shalt  }
0x6b: {  	_ =	shalt  }
0x6c: {  	_ =	shalt  }
0x6d: {  	_ =	shalt  }
0x6e: {  	_ =	shalt  }
0x6f: {  	_ =	shalt  }
0x70: {  	_ =	shalt  }
0x71: {  	_ =	shalt  }
0x72: {  	_ =	shalt  }
0x73: {  	_ =	shalt  }
0x74: {  	_ =	shalt  }
0x75: {  	_ =	shalt  }
0x76: {  	_ =	shalt  }
0x77: {  	_ =	shalt  }
0x78: {  	_ =	shalt  }
0x79: {  	_ =	shalt  }
0x7a: {  	_ =	shalt  }
0x7b: {  	_ =	shalt  }
0x7c: {  	_ =	shalt  }
0x7d: {  	_ =	shalt  }
0x7e: {  	_ =	shalt  }
0x7f: {  	_ =	shalt  }
0x80: {  	_ =	shalt  }
0x81: {  	_ =	shalt  }
0x82: {  	_ =	shalt  }
0x83: {  	_ =	shalt  }
0x84: {  	_ =	shalt  }
0x85: {  	_ =	shalt  }
0x86: {  	_ =	shalt  }
0x87: {  	_ =	shalt  }
.Lfunc_end0:
.L_simem_size_0:
called_computation_lowered:
.L_overlay_start_0:
0x88: {  	s2 =	sld [smem:$0x3FD9]  }
0x89: {  	s3 =	sld [smem:$0x3FFE];
	_ =	sdelay $0x1  }
0x8a: {  	s1 =	srdreg.scid  }
0x8b: {  	s0 =	sand.u32 $0x1, s1  }
0x8c: {  	s16 =	sshll.u32 s0, $0xA;
	s2 =	sadd.s32 s3, s2  }
0x8d: {  	s2 =	sadd.s32 s2, s16  }
0x8e: {  	[smem:$0x3FA3] =	sst s2  }
0x8f: {  	_ = 	snop  }
0x90: {  	(tm) =	ssettm $0x1  }
0x91: {  	s17 =	sld [smem:$0x3FFB];
	_ =	sdelay $0x3  }
0x92: {  	_ =	strace s17  }
0x93: {  	s2 =	sld [smem:$0x3FFC];
	_ =	sdelay $0x3  }
0x94: {  	_ =	strace s2  }
0x95: {  	s2 =	sld [smem:$0x3FFD];
	_ =	sdelay $0x3  }
0x96: {  	_ =	strace s2  }
0x97: {  	_ =	strace $0x8FFFFFFF  }
0x98: {  	s18 =	sld [smem:$0x3FDB];
	_ =	sdelay $0x1  }
0x99: {  	s19 =	simm.s32 $_scs_section_size  }
0x9a: {  	s4 =	simm.s32 $_size__tile_overlayer_lowered;
	s5 =	simm.s32 $_tile_overlayer_lowered  }
0x9b: {  	s22 =	simm.s32 $0x1BFF;
	s21 =	sshll.u32 s5, $0x1;
	s2 =	sadd.s32 s19, s18  }
0x9c: {  	s6 =	simm.s32 $0x0;
	s20 =	sshll.u32 s4, $0x1;
	s4 =	sadd.s32 s21, s2  }
0x9d: {  	[timem:s6], [sflag:s22] =	dma.local [hbm:s4], s20  }
0x9e: {  	_ =	swait.ge [sflag:s22], s20  }
0x9f: {  	s3 =	ssub.s32 $0x0, s20;
	[sflag:s22] =	ssyncset.done $0x0  }
0xa0: {  	[sflag:s22] =	ssyncadd.s32 s3;
	_ =	sdelay $0x1  }
0xa1: {  	s23 =	simm.s32 $0x1B8B  }
0xa2: {  	_ =	swait.ge [sflag:s23], $0x1  }
0xa3: {  	[sflag:s23] =	ssyncset.done $0x0  }
0xa4: {  	s25 =	simm.s32 $0x1B8E;
	s24 =	sld [smem:$0x3FFE];
	[sflag:s23] =	ssyncadd.s32 $0xFFFFFFFF  }
0xa5: {  	s26 =	simm.s32 $execute0_lowered;
	[smem:$0x3FD2] =	sst s25  }
0xa6: {  	s4 =	sshll.u32 s26, $0x1;
	_ =	strace $0x80000046;
	[dreg:$0x1] =	wrdreg $0xFFFFFFFF  }
0xa7: {  	s28 =	simm.s32 $_size_execute0_lowered;
	s2 =	sadd.s32 s2, s4;
	[dreg:$0x0] =	wrdreg $0x0  }
0xa8: {  	s4 =	sshll.u32 s28, $0x1;
	[dreg:$0x2] =	wrdreg s2  }
0xa9: {  	[dreg:$0x3] =	wrdreg s4  }
0xaa: {  	[dreg:$0x4] =	wrdreg $0xC0  }
0xab: {  	_ =	task [dreg:s6], $0x5FFFF  }
0xac: {  	[dreg:$0x1] =	wrdreg $0xFFFFFFFF  }
0xad: {  	[dreg:$0x0] =	wrdreg $0x60  }
0xae: {  	[dreg:$0x2] =	wrdreg s24  }
0xaf: {  	[dreg:$0x3] =	wrdreg $0x0  }
0xb0: {  	[dreg:$0x4] =	wrdreg $0x9  }
0xb1: {  	_ =	task.clear_ibuf [dreg:s6], $0x5FFFF;
	_ =	strace $0x90000046  }
0xb2: {  	s29 =	simm.s32 $0x9;
	_ =	strace $0x80000048  }
0xb3: {  	_ =	swait.ge [sflag:s29], $0x1  }
0xb4: {  	[sflag:s29] =	ssyncadd.s32 $0xFFFFFFFF  }
0xb5: {  	_ =	strace $0x90000048  }
0xb6: {  	_ =	sfence  }
0xb7: {  	s30 =	sld [smem:$0x0];
	_ =	sdelay $0x2  }
0xb8: {  	s31 =	sshll.u32 s1, $0xD;
	s1 =	sshrl.u32 s1, $0x2  }
0xb9: {  	s3 =	sand.u32 $0x4000, s31;
	s1 =	sadd.s32 s1, s30  }
0xba: {  	s0 =	sor.u32 s3, s0;
	s1 =	sshll.u32 s1, $0x11  }
0xbb: {  	s0 =	sor.u32 s1, s0  }
0xbc: {  	s0 =	sadd.s32 $0x8F2B, s0  }
0xbd: {  	[sflag:s0] =	ssyncadd.remote.s32 $0x1  }
0xbe: {  	_ =	sfence.sel $0xFFFF  }
0xbf: {  	[dreg:$0x0] =	wrdreg $0xFFFFFFFF;
	(pc) =	sbr.abs _section_cstart, $3  }
0xc0: {  	[dreg:$0x1] =	wrdreg $0xFFFFFFFF  }
0xc1: {  	_ =	task.clear_ibuf [dreg:s6], $0x2FFFF;
	_ =	strace $0x9FFFFFFF  }
0xc2: {  	(tm) =	ssettm $0x7FFFFFFF  }
0xc3: {  	_ =	shalt  }
tec
execute0_lowered:
.L_overlay_start_1:
0x0: {  	(tag) =	ssettag $0x1  }
0x1: {  	s0 =	rddreg [dreg:$0x0]  }
0x2: {  	s1 =	rddreg [dreg:$0x1]  }
0x3: {  	s2 =	simm.s32 $0x0;
	s9 =	stileid.u32;
	s3 =	srdreg.scid  }
0x4: {  	s28 =	simm.s32 $0x1AD60;
	s29 =	simm.s32 $0x1;
	s30 =	simm.s32 $0x18820  }
0x5: {  	s31 =	simm.s32 $0x188E0;
	s11 =	simm.s32 $0x0;
	[smem:$0x7FF] =	sst s2  }
0x6: {  	s4 =	sadd.s32 $0x5600, s0;
	s19 =	smul.u32 $0x4F8, s9;
	s5 =	sadd.s32 $0x31600, s0  }
0x7: {  	s3 =	sand.u32 $0x1, s3;
	s6 =	smul.u32 $0x58080, s9;
	s7 =	sadd.s32 $0x62600, s0  }
0x8: {  	s10 =	smul.u32 $0x16020, s9;
	_ =	strace $0x80000047;
	[dreg:$0x3] =	wrdreg s7  }
0x9: {  	s20 =	ssub.s32 $0x2, s3;
	p0 =	sne.s32 s3, $0x0;
	s3 =	simm.s32 $0x2  }
0xa: {  	s7 =	simm.s32 $0x3;
	s2 =	sadd.s32 s19, s0;
	s8 =	sshrl.u32 s20, $0x1  }
0xb: {  	s6 =	sshrl.u32 s6, $0x2;
	s0 =	sadd.s32 $0x8E800, s0;
	s9 =	sadd.s32 s10, s1  }
0xc: {  	s19 =	sshrl.u32 s10, $0x3;
	s10 =	simm.s32 $0x6;
	[dreg:$0x4] =	wrdreg s0  }
0xd: {  	s21 =	ssub.s32 s20, s8;
	s6 =	sadd.s32 s6, s1;
	s2 =	sadd.s32 $0x5D600, s2  }
0xe: {  	s0 =	simm.s32 $0x1D160;
	s8 =	simm.s32 $0x5;
	[dreg:$0x5] =	wrdreg s2  }
0xf: {  	s22 =	sadd.s32 $0x2400, s6;
	s23 =	sadd.s32 $0x4800, s6;
	s24 =	sadd.s32 $0x6C00, s6  }
0x10: {  	s25 =	sadd.s32 $0x9000, s6;
	s26 =	sadd.s32 $0xB400, s6;
	s15 =	sadd.s32 $0xD800, s6  }
0x11: {  	s16 =	sadd.s32 $0xFC00, s6;
	s17 =	sadd.s32 $0x12000, s6;
	[dreg:$0x6] =	wrdreg s22  }
.Ltmp0:
0x12: {  	s18 =	sadd.s32 $0x14400, s6;
	[dreg:$0x7] =	wrdreg s23;
	(pc) =	sbr.rel .LBB2_1-.Ltmp0, $4  }
0x13: {  	s20 =	smax.u32 s21, $0x1;
	s6 =	simm.s32 $0x188A0;
	[dreg:$0x8] =	wrdreg s24  }
0x14: {  	s21 =	simm.s32 $0x4;
	s2 =	simm.s32 $0x18920;
	[dreg:$0x9] =	wrdreg s25  }
0x15: {  	[dreg:$0xa] =	wrdreg s26;
	s22 =	simm.s32 $0x7;
	s23 =	simm.s32 $0x18960  }
0x16: {  	v0 =	vimm.f32 $0.0e+00;
	s24 =	simm.s32 $0x40;
	s25 =	simm.s32 $0x187E0;
	s26 =	simm.s32 $0x18860  }
.LBB2_10:
0x17: {  	s12 =	rddreg [dreg:$0x4]  }
.LBB2_11:
0x18: {  	_ =	swait.ge [sflag:s7], $0x2400  }
0x19: {  	[sflag:s7] =	ssyncset.done $0x0  }
0x1a: {  	[sflag:s7] =	ssyncadd.s32 $0xFFFFDC00  }
0x1b: {  	[spmem:s1] =	stream.indirect.scatter.add.f32 [tilespmem:s0], [sflag:$0x6], $0x90, s2, s24, $0xb8;
	[tilespmem:$0x1F560] =	vst v63  }
0x1c: {  	_ =	swait.ge [sflag:s21], $0x2400  }
0x1d: {  	[sflag:s21] =	ssyncset.done $0x0  }
0x1e: {  	[sflag:s21] =	ssyncadd.s32 $0xFFFFDC00  }
0x1f: {  	_ =	swait.ge [sflag:s8], $0x2400  }
0x20: {  	[sflag:s8] =	ssyncset.done $0x0  }
0x21: {  	[sflag:s8] =	ssyncadd.s32 $0xFFFFDC00  }
0x22: {  	s12 =	sadd.s32 s12, s19;
	s13 =	stileid.u32;
	_ =	swait.ge [sflag:s10], $0x2400  }
0x23: {  	s14 =	sshrl.u32 s9, $0x3;
	s11 =	sadd.s32 $0x1, s11;
	[sflag:s10] =	ssyncset.done $0x0  }
0x24: {  	s13 =	sshll.u32 s13, $0x6;
	p1 =	sne.s32 s11, s20;
	[sflag:s10] =	ssyncadd.s32 $0xFFFFDC00  }
.Ltmp1:
0x25: {  	s13 =	sor.u32 $0x1C07, s13;
	[bflag:$0x0] =	sbarrier.arrive $0xFFFF;
	(pc) =	sbr.rel @!p1 .LBB2_12-.Ltmp1, $4  }
0x26: {  	[hbm:s12], [sflag:s13] =	dma.local [spmem:s14], $0x2C04  }
0x27: {  	_ =	swait.ge [sflag:s22], $0x2C04  }
0x28: {  	[sflag:s22] =	ssyncset.done $0x0  }
0x29: {  	[sflag:s22] =	ssyncadd.s32 $0xFFFFD3FC  }
.LBB2_1:
0x2a: {  	s12 =	simm.s32 $0x0;
	s13 =	rddreg [dreg:$0x5];
	s14 =	simm.s32 $0x16020  }
0x2b: {  	[tilespmem:s14], [sflag:$0x7] =	stream.linear.gather [hbm4b:s13+s12], $0x27C0, $0x38;
	[tilespmem:$0x1F560] =	vst v63  }
0x2c: {  	_ =	swait.ge [sflag:s22], $0x27C0  }
0x2d: {  	[sflag:s22] =	ssyncset.done $0x0  }
0x2e: {  	s12 =	simm.s32 $0x0;
	s13 =	simm.s32 $0x240;
	[sflag:s22] =	ssyncadd.s32 $0xFFFFD840  }
.LBB2_2:
0x2f: {  	p1 =	sne.s32 s13, $0x8DC0;
	[tilespmem:s12+$0x189E0] =	vst v0  }
0x30: {  	[tilespmem:s12+$0x18960] =	vst v0  }
0x31: {  	[tilespmem:s12+$0x18970] =	vst v0  }
0x32: {  	[tilespmem:s12+$0x18980] =	vst v0  }
.Ltmp2:
0x33: {  	[tilespmem:s12+$0x18990] =	vst v0;
	(pc) =	sbr.rel @p1 .LBB2_2-.Ltmp2, $4  }
0x34: {  	[tilespmem:s12+$0x189A0] =	vst v0  }
0x35: {  	[tilespmem:s12+$0x189B0] =	vst v0  }
0x36: {  	[tilespmem:s12+$0x189C0] =	vst v0  }
0x37: {  	[tilespmem:s12+$0x189D0] =	vst v0;
	s12 =	sshra.s32 s13, $0x2;
	s13 =	sadd.s32 $0x240, s13  }
0x38: {  	[tilespmem:s12+$0x189E0] =	vst v0  }
0x39: {  	[tilespmem:s12+$0x18960] =	vst v0  }
0x3a: {  	[tilespmem:s12+$0x18970] =	vst v0  }
0x3b: {  	[tilespmem:s12+$0x18980] =	vst v0  }
0x3c: {  	[tilespmem:s12+$0x18990] =	vst v0  }
0x3d: {  	[tilespmem:s12+$0x189A0] =	vst v0  }
0x3e: {  	[tilespmem:s12+$0x189B0] =	vst v0  }
0x3f: {  	[tilespmem:s12+$0x189C0] =	vst v0  }
0x40: {  	[tilespmem:s12+$0x189D0] =	vst v0  }
0x41: {  	[spmem:s9] =	stream.linear.scatter [tilespmem:s23], [sflag:$0x7], $0x2400, $0x38;
	[tilespmem:$0x1F560] =	vst v63  }
0x42: {  	_ =	swait.ge [sflag:s22], $0x2400  }
0x43: {  	[sflag:s22] =	ssyncset.done $0x0  }
0x44: {  	s14 =	rddreg [dreg:$0x6];
	[sflag:s22] =	ssyncadd.s32 $0xFFFFDC00  }
0x45: {  	[spmem:s14] =	stream.linear.scatter [tilespmem:s23], [sflag:$0x7], $0x2400, $0x38;
	[tilespmem:$0x1F560] =	vst v63  }
0x46: {  	_ =	swait.ge [sflag:s22], $0x2400  }
0x47: {  	[sflag:s22] =	ssyncset.done $0x0  }
0x48: {  	s13 =	rddreg [dreg:$0x7];
	[sflag:s22] =	ssyncadd.s32 $0xFFFFDC00  }
0x49: {  	[spmem:s13] =	stream.linear.scatter [tilespmem:s23], [sflag:$0x7], $0x2400, $0x38;
	[tilespmem:$0x1F560] =	vst v63  }
0x4a: {  	_ =	swait.ge [sflag:s22], $0x2400  }
0x4b: {  	[sflag:s22] =	ssyncset.done $0x0  }
0x4c: {  	s14 =	rddreg [dreg:$0x8];
	[sflag:s22] =	ssyncadd.s32 $0xFFFFDC00  }
0x4d: {  	[spmem:s14] =	stream.linear.scatter [tilespmem:s23], [sflag:$0x7], $0x2400, $0x38;
	[tilespmem:$0x1F560] =	vst v63  }
0x4e: {  	_ =	swait.ge [sflag:s22], $0x2400  }
0x4f: {  	[sflag:s22] =	ssyncset.done $0x0  }
0x50: {  	s13 =	rddreg [dreg:$0x9];
	[sflag:s22] =	ssyncadd.s32 $0xFFFFDC00  }
0x51: {  	[spmem:s13] =	stream.linear.scatter [tilespmem:s23], [sflag:$0x7], $0x2400, $0x38;
	[tilespmem:$0x1F560] =	vst v63  }
0x52: {  	_ =	swait.ge [sflag:s22], $0x2400  }
0x53: {  	[sflag:s22] =	ssyncset.done $0x0  }
0x54: {  	s14 =	rddreg [dreg:$0xa];
	[sflag:s22] =	ssyncadd.s32 $0xFFFFDC00  }
0x55: {  	[spmem:s14] =	stream.linear.scatter [tilespmem:s23], [sflag:$0x7], $0x2400, $0x38;
	[tilespmem:$0x1F560] =	vst v63  }
0x56: {  	_ =	swait.ge [sflag:s22], $0x2400  }
0x57: {  	[sflag:s22] =	ssyncset.done $0x0  }
0x58: {  	[sflag:s22] =	ssyncadd.s32 $0xFFFFDC00  }
0x59: {  	[spmem:s15] =	stream.linear.scatter [tilespmem:s23], [sflag:$0x7], $0x2400, $0x38;
	[tilespmem:$0x1F560] =	vst v63  }
0x5a: {  	_ =	swait.ge [sflag:s22], $0x2400  }
0x5b: {  	[sflag:s22] =	ssyncset.done $0x0  }
0x5c: {  	[sflag:s22] =	ssyncadd.s32 $0xFFFFDC00  }
0x5d: {  	[spmem:s16] =	stream.linear.scatter [tilespmem:s23], [sflag:$0x7], $0x2400, $0x38;
	[tilespmem:$0x1F560] =	vst v63  }
0x5e: {  	_ =	swait.ge [sflag:s22], $0x2400  }
0x5f: {  	[sflag:s22] =	ssyncset.done $0x0  }
0x60: {  	[sflag:s22] =	ssyncadd.s32 $0xFFFFDC00  }
0x61: {  	[spmem:s17] =	stream.linear.scatter [tilespmem:s23], [sflag:$0x7], $0x2400, $0x38;
	[tilespmem:$0x1F560] =	vst v63  }
0x62: {  	_ =	swait.ge [sflag:s22], $0x2400  }
0x63: {  	[sflag:s22] =	ssyncset.done $0x0  }
0x64: {  	[sflag:s22] =	ssyncadd.s32 $0xFFFFDC00  }
0x65: {  	[spmem:s18] =	stream.linear.scatter [tilespmem:s23], [sflag:$0x7], $0x1C20, $0x38;
	[tilespmem:$0x1F560] =	vst v63  }
0x66: {  	_ =	swait.ge [sflag:s22], $0x1C20  }
0x67: {  	[sflag:s22] =	ssyncset.done $0x0  }
0x68: {  	[sflag:s22] =	ssyncadd.s32 $0xFFFFE3E0  }
0x69: {  	[bflag:$0x0] =	sbarrier.arrive $0xFFFF  }
0x6a: {  	v1 =	vld [tilespmem:$0x16020];
	_ =	sdelay $0x1  }
0x6b: {  	v2 =	vld [tilespmem:$0x16030];
	_ =	sdelay $0x1  }
0x6c: {  	v3 =	vld [tilespmem:$0x16040]  }
0x6d: {  	v4 =	vshrl.u32 v1, $0x10  }
0x6e: {  	v62 =	vld [tilespmem:$0x16050];
	v1 =	vand.u32 $0xFFFF, v1;
	[tilespmem:$0x187E0] =	vst v4  }
0x6f: {  	[tilespmem:$0x18820] =	vst v1;
	v1 =	vshrl.u32 v2, $0x10  }
0x70: {  	[tilespmem:$0x187F0] =	vst v1;
	v1 =	vand.u32 $0xFFFF, v2;
	v2 =	vld [tilespmem:$0x16060]  }
0x71: {  	[tilespmem:$0x18830] =	vst v1;
	v1 =	vshrl.u32 v3, $0x10  }
0x72: {  	[tilespmem:$0x18800] =	vst v1;
	v1 =	vand.u32 $0xFFFF, v3;
	v3 =	vld [tilespmem:$0x16070]  }
0x73: {  	[tilespmem:$0x18840] =	vst v1;
	v1 =	vshrl.u32 v62, $0x10  }
0x74: {  	v63 =	vld [tilespmem:$0x16080];
	[tilespmem:$0x18810] =	vst v1;
	v1 =	vand.u32 $0xFFFF, v62  }
0x75: {  	[tilespmem:$0x18850] =	vst v1;
	v1 =	vshrl.u32 v2, $0x10  }
0x76: {  	[tilespmem:$0x18860] =	vst v1;
	v1 =	vand.u32 $0xFFFF, v2;
	v2 =	vld [tilespmem:$0x16090]  }
0x77: {  	[tilespmem:$0x188A0] =	vst v1;
	v1 =	vshrl.u32 v3, $0x10  }
0x78: {  	[tilespmem:$0x18870] =	vst v1;
	v1 =	vand.u32 $0xFFFF, v3  }
.Ltmp3:
0x79: {  	[tilespmem:$0x188B0] =	vst v1;
	v1 =	vshrl.u32 v63, $0x10;
	(pc) =	sbr.rel @p0 .LBB2_8-.Ltmp3, $4  }
0x7a: {  	[tilespmem:$0x18880] =	vst v1;
	v1 =	vand.u32 $0xFFFF, v63  }
0x7b: {  	[tilespmem:$0x188C0] =	vst v1;
	v1 =	vshrl.u32 v2, $0x10  }
0x7c: {  	[tilespmem:$0x18890] =	vst v1;
	v1 =	vand.u32 $0xFFFF, v2  }
0x7d: {  	[tilespmem:$0x188D0] =	vst v1  }
0x7e: {  	[tilespmem:s23], [sflag:$0x1] =	stream.indirect.gather [hbm4b:s4+s24], $0x90, s25, s24, $0xb8;
	[tilespmem:$0x1F560] =	vst v63  }
0x7f: {  	s12 =	simm.s32 $0x0  }
0x80: {  	[tilespmem:s28], [sflag:$0x2] =	stream.indirect.gather [hbm4b:s4+s24], $0x90, s26, s24, $0xb8;
	[tilespmem:$0x1F560] =	vst v63  }
.LBB2_5:
0x81: {  	_ =	swait.ge [sflag:s29], $0x2400  }
0x82: {  	p1 =	seq.s32 s12, $0x0;
	[sflag:s29] =	ssyncset.done $0x0  }
0x83: {  	s13 =	simm.s32 @!p1 $0x6;
	[sflag:s29] =	ssyncadd.s32 $0xFFFFDC00  }
0x84: {  	[spmem:s1] =	stream.indirect.scatter.add.f32 [tilespmem:s23], [sflag:$0x4], $0x90, s30, s24, $0xb8;
	[tilespmem:$0x1F560] =	vst v63  }
0x85: {  	_ =	swait.ge @!p1 [sflag:s13], $0x2400  }
0x86: {  	[sflag:s13] =	ssyncset.done @!p1 $0x0  }
0x87: {  	[sflag:s13] =	ssyncadd.s32 @!p1 $0xFFFFDC00;
	s13 =	sshra.s32 s12, $0x2  }
0x88: {  	v1 =	vld [tilespmem:s13+$0x160A0];
	_ =	sdelay $0x4  }
0x89: {  	v2 =	vshrl.u32 v1, $0x10  }
0x8a: {  	v1 =	vand.u32 $0xFFFF, v1;
	[tilespmem:$0x188E0] =	vst v2  }
0x8b: {  	[tilespmem:$0x18920] =	vst v1  }
0x8c: {  	v1 =	vld [tilespmem:s13+$0x160B0];
	_ =	sdelay $0x4  }
0x8d: {  	v2 =	vshrl.u32 v1, $0x10  }
0x8e: {  	v1 =	vand.u32 $0xFFFF, v1;
	[tilespmem:$0x188F0] =	vst v2  }
0x8f: {  	[tilespmem:$0x18930] =	vst v1  }
0x90: {  	v1 =	vld [tilespmem:s13+$0x160C0];
	_ =	sdelay $0x4  }
0x91: {  	v2 =	vshrl.u32 v1, $0x10  }
0x92: {  	v1 =	vand.u32 $0xFFFF, v1;
	[tilespmem:$0x18900] =	vst v2  }
0x93: {  	[tilespmem:$0x18940] =	vst v1  }
0x94: {  	v1 =	vld [tilespmem:s13+$0x160D0];
	_ =	sdelay $0x4  }
0x95: {  	v2 =	vshrl.u32 v1, $0x10  }
0x96: {  	v1 =	vand.u32 $0xFFFF, v1;
	[tilespmem:$0x18910] =	vst v2  }
0x97: {  	p1 =	seq.s32 s12, $0x9C00;
	[tilespmem:$0x18950] =	vst v1  }
0x98: {  	[tilespmem:s0], [sflag:$0x3] =	stream.indirect.gather [hbm4b:s4+s24], $0x90, s31, s24, $0xb8;
	[tilespmem:$0x1F560] =	vst v63  }
.Ltmp4:
0x99: {  	_ = 	snop;
	(pc) =	sbr.rel @p1 .LBB2_6-.Ltmp4, $4  }
0x9a: {  	_ =	swait.ge [sflag:s3], $0x2400  }
0x9b: {  	[sflag:s3] =	ssyncset.done $0x0  }
0x9c: {  	[sflag:s3] =	ssyncadd.s32 $0xFFFFDC00  }
0x9d: {  	[spmem:s1] =	stream.indirect.scatter.add.f32 [tilespmem:s28], [sflag:$0x5], $0x90, s6, s24, $0xb8;
	[tilespmem:$0x1F560] =	vst v63  }
0x9e: {  	_ =	swait.ge [sflag:s21], $0x2400  }
0x9f: {  	[sflag:s21] =	ssyncset.done $0x0  }
0xa0: {  	[sflag:s21] =	ssyncadd.s32 $0xFFFFDC00  }
0xa1: {  	v1 =	vld [tilespmem:s13+$0x160E0];
	_ =	sdelay $0x4  }
0xa2: {  	v2 =	vshrl.u32 v1, $0x10  }
0xa3: {  	v1 =	vand.u32 $0xFFFF, v1;
	[tilespmem:$0x187E0] =	vst v2  }
0xa4: {  	[tilespmem:$0x18820] =	vst v1  }
0xa5: {  	v1 =	vld [tilespmem:s13+$0x160F0];
	_ =	sdelay $0x4  }
0xa6: {  	v2 =	vshrl.u32 v1, $0x10  }
0xa7: {  	v1 =	vand.u32 $0xFFFF, v1;
	[tilespmem:$0x187F0] =	vst v2  }
0xa8: {  	[tilespmem:$0x18830] =	vst v1  }
0xa9: {  	v1 =	vld [tilespmem:s13+$0x16100];
	_ =	sdelay $0x4  }
0xaa: {  	v2 =	vshrl.u32 v1, $0x10  }
0xab: {  	v1 =	vand.u32 $0xFFFF, v1;
	[tilespmem:$0x18800] =	vst v2  }
0xac: {  	[tilespmem:$0x18840] =	vst v1  }
0xad: {  	v1 =	vld [tilespmem:s13+$0x16110];
	_ =	sdelay $0x4  }
0xae: {  	v2 =	vshrl.u32 v1, $0x10  }
0xaf: {  	v1 =	vand.u32 $0xFFFF, v1;
	[tilespmem:$0x18810] =	vst v2  }
0xb0: {  	[tilespmem:$0x18850] =	vst v1  }
0xb1: {  	[tilespmem:s23], [sflag:$0x1] =	stream.indirect.gather [hbm4b:s4+s24], $0x90, s25, s24, $0xb8;
	[tilespmem:$0x1F560] =	vst v63  }
0xb2: {  	_ =	swait.ge [sflag:s7], $0x2400  }
0xb3: {  	[sflag:s7] =	ssyncset.done $0x0  }
0xb4: {  	[sflag:s7] =	ssyncadd.s32 $0xFFFFDC00  }
0xb5: {  	[spmem:s1] =	stream.indirect.scatter.add.f32 [tilespmem:s0], [sflag:$0x6], $0x90, s2, s24, $0xb8;
	[tilespmem:$0x1F560] =	vst v63  }
0xb6: {  	_ =	swait.ge [sflag:s8], $0x2400  }
0xb7: {  	[sflag:s8] =	ssyncset.done $0x0  }
0xb8: {  	[sflag:s8] =	ssyncadd.s32 $0xFFFFDC00  }
0xb9: {  	v1 =	vld [tilespmem:s13+$0x16120];
	_ =	sdelay $0x4  }
0xba: {  	v2 =	vshrl.u32 v1, $0x10  }
0xbb: {  	v1 =	vand.u32 $0xFFFF, v1;
	[tilespmem:$0x18860] =	vst v2  }
0xbc: {  	[tilespmem:$0x188A0] =	vst v1  }
0xbd: {  	v1 =	vld [tilespmem:s13+$0x16130];
	_ =	sdelay $0x4  }
0xbe: {  	v2 =	vshrl.u32 v1, $0x10  }
0xbf: {  	v1 =	vand.u32 $0xFFFF, v1;
	[tilespmem:$0x18870] =	vst v2  }
0xc0: {  	[tilespmem:$0x188B0] =	vst v1  }
0xc1: {  	v1 =	vld [tilespmem:s13+$0x16140];
	_ =	sdelay $0x4  }
0xc2: {  	v2 =	vshrl.u32 v1, $0x10  }
0xc3: {  	v1 =	vand.u32 $0xFFFF, v1;
	[tilespmem:$0x18880] =	vst v2  }
0xc4: {  	[tilespmem:$0x188C0] =	vst v1  }
0xc5: {  	v1 =	vld [tilespmem:s13+$0x16150];
	_ =	sdelay $0x3  }
.Ltmp5:
0xc6: {  	_ = 	snop;
	(pc) =	sbr.rel .LBB2_5-.Ltmp5, $4  }
0xc7: {  	v2 =	vshrl.u32 v1, $0x10  }
0xc8: {  	v1 =	vand.u32 $0xFFFF, v1;
	[tilespmem:$0x18890] =	vst v2  }
0xc9: {  	s12 =	sadd.s32 $0x300, s12;
	[tilespmem:$0x188D0] =	vst v1  }
0xca: {  	[tilespmem:s28], [sflag:$0x2] =	stream.indirect.gather [hbm4b:s4+s24], $0x90, s26, s24, $0xb8;
	[tilespmem:$0x1F560] =	vst v63  }
.LBB2_8:
0xcb: {  	[tilespmem:s23], [sflag:$0x1] =	stream.indirect.gather [hbm4b:s5+s24], $0x90, s25, s24, $0xb8;
	[tilespmem:$0x1F560] =	vst v63  }
0xcc: {  	s12 =	simm.s32 $0x0  }
0xcd: {  	[tilespmem:s28], [sflag:$0x2] =	stream.indirect.gather [hbm4b:s5+s24], $0x90, s26, s24, $0xb8;
	[tilespmem:$0x1F560] =	vst v63  }
.LBB2_9:
0xce: {  	_ =	swait.ge [sflag:s29], $0x2400  }
0xcf: {  	p1 =	seq.s32 s12, $0x0;
	[sflag:s29] =	ssyncset.done $0x0  }
0xd0: {  	s13 =	simm.s32 @!p1 $0x6;
	[sflag:s29] =	ssyncadd.s32 $0xFFFFDC00  }
0xd1: {  	[spmem:s1] =	stream.indirect.scatter.add.f32 [tilespmem:s23], [sflag:$0x4], $0x90, s30, s24, $0xb8;
	[tilespmem:$0x1F560] =	vst v63  }
0xd2: {  	_ =	swait.ge @!p1 [sflag:s13], $0x2400  }
0xd3: {  	[sflag:s13] =	ssyncset.done @!p1 $0x0  }
0xd4: {  	[sflag:s13] =	ssyncadd.s32 @!p1 $0xFFFFDC00;
	s13 =	sshra.s32 s12, $0x2  }
0xd5: {  	v1 =	vld [tilespmem:s13+$0x160A0];
	_ =	sdelay $0x4  }
0xd6: {  	v2 =	vshrl.u32 v1, $0x10  }
0xd7: {  	v1 =	vand.u32 $0xFFFF, v1;
	[tilespmem:$0x188E0] =	vst v2  }
0xd8: {  	[tilespmem:$0x18920] =	vst v1  }
0xd9: {  	v1 =	vld [tilespmem:s13+$0x160B0];
	_ =	sdelay $0x4  }
0xda: {  	v2 =	vshrl.u32 v1, $0x10  }
0xdb: {  	v1 =	vand.u32 $0xFFFF, v1;
	[tilespmem:$0x188F0] =	vst v2  }
0xdc: {  	[tilespmem:$0x18930] =	vst v1  }
0xdd: {  	v1 =	vld [tilespmem:s13+$0x160C0];
	_ =	sdelay $0x4  }
0xde: {  	v2 =	vshrl.u32 v1, $0x10  }
0xdf: {  	v1 =	vand.u32 $0xFFFF, v1;
	[tilespmem:$0x18900] =	vst v2  }
0xe0: {  	[tilespmem:$0x18940] =	vst v1  }
0xe1: {  	v1 =	vld [tilespmem:s13+$0x160D0];
	_ =	sdelay $0x4  }
0xe2: {  	v2 =	vshrl.u32 v1, $0x10  }
0xe3: {  	v1 =	vand.u32 $0xFFFF, v1;
	[tilespmem:$0x18910] =	vst v2  }
0xe4: {  	p1 =	seq.s32 s12, $0x9C00;
	[tilespmem:$0x18950] =	vst v1  }
0xe5: {  	[tilespmem:s0], [sflag:$0x3] =	stream.indirect.gather [hbm4b:s5+s24], $0x90, s31, s24, $0xb8;
	[tilespmem:$0x1F560] =	vst v63  }
.Ltmp6:
0xe6: {  	_ = 	snop;
	(pc) =	sbr.rel @p1 .LBB2_10-.Ltmp6, $4  }
0xe7: {  	_ =	swait.ge [sflag:s3], $0x2400  }
0xe8: {  	[sflag:s3] =	ssyncset.done $0x0  }
0xe9: {  	[sflag:s3] =	ssyncadd.s32 $0xFFFFDC00  }
0xea: {  	[spmem:s1] =	stream.indirect.scatter.add.f32 [tilespmem:s28], [sflag:$0x5], $0x90, s6, s24, $0xb8;
	[tilespmem:$0x1F560] =	vst v63  }
0xeb: {  	_ =	swait.ge [sflag:s21], $0x2400  }
0xec: {  	[sflag:s21] =	ssyncset.done $0x0  }
0xed: {  	[sflag:s21] =	ssyncadd.s32 $0xFFFFDC00  }
0xee: {  	v1 =	vld [tilespmem:s13+$0x160E0];
	_ =	sdelay $0x4  }
0xef: {  	v2 =	vshrl.u32 v1, $0x10  }
0xf0: {  	v1 =	vand.u32 $0xFFFF, v1;
	[tilespmem:$0x187E0] =	vst v2  }
0xf1: {  	[tilespmem:$0x18820] =	vst v1  }
0xf2: {  	v1 =	vld [tilespmem:s13+$0x160F0];
	_ =	sdelay $0x4  }
0xf3: {  	v2 =	vshrl.u32 v1, $0x10  }
0xf4: {  	v1 =	vand.u32 $0xFFFF, v1;
	[tilespmem:$0x187F0] =	vst v2  }
0xf5: {  	[tilespmem:$0x18830] =	vst v1  }
0xf6: {  	v1 =	vld [tilespmem:s13+$0x16100];
	_ =	sdelay $0x4  }
0xf7: {  	v2 =	vshrl.u32 v1, $0x10  }
0xf8: {  	v1 =	vand.u32 $0xFFFF, v1;
	[tilespmem:$0x18800] =	vst v2  }
0xf9: {  	[tilespmem:$0x18840] =	vst v1  }
0xfa: {  	v1 =	vld [tilespmem:s13+$0x16110];
	_ =	sdelay $0x4  }
0xfb: {  	v2 =	vshrl.u32 v1, $0x10  }
0xfc: {  	v1 =	vand.u32 $0xFFFF, v1;
	[tilespmem:$0x18810] =	vst v2  }
0xfd: {  	[tilespmem:$0x18850] =	vst v1  }
0xfe: {  	[tilespmem:s23], [sflag:$0x1] =	stream.indirect.gather [hbm4b:s5+s24], $0x90, s25, s24, $0xb8;
	[tilespmem:$0x1F560] =	vst v63  }
0xff: {  	_ =	swait.ge [sflag:s7], $0x2400  }
0x100: {  	[sflag:s7] =	ssyncset.done $0x0  }
0x101: {  	[sflag:s7] =	ssyncadd.s32 $0xFFFFDC00  }
0x102: {  	[spmem:s1] =	stream.indirect.scatter.add.f32 [tilespmem:s0], [sflag:$0x6], $0x90, s2, s24, $0xb8;
	[tilespmem:$0x1F560] =	vst v63  }
0x103: {  	_ =	swait.ge [sflag:s8], $0x2400  }
0x104: {  	[sflag:s8] =	ssyncset.done $0x0  }
0x105: {  	[sflag:s8] =	ssyncadd.s32 $0xFFFFDC00  }
0x106: {  	v1 =	vld [tilespmem:s13+$0x16120];
	_ =	sdelay $0x4  }
0x107: {  	v2 =	vshrl.u32 v1, $0x10  }
0x108: {  	v1 =	vand.u32 $0xFFFF, v1;
	[tilespmem:$0x18860] =	vst v2  }
0x109: {  	[tilespmem:$0x188A0] =	vst v1  }
0x10a: {  	v1 =	vld [tilespmem:s13+$0x16130];
	_ =	sdelay $0x4  }
0x10b: {  	v2 =	vshrl.u32 v1, $0x10  }
0x10c: {  	v1 =	vand.u32 $0xFFFF, v1;
	[tilespmem:$0x18870] =	vst v2  }
0x10d: {  	[tilespmem:$0x188B0] =	vst v1  }
0x10e: {  	v1 =	vld [tilespmem:s13+$0x16140];
	_ =	sdelay $0x4  }
0x10f: {  	v2 =	vshrl.u32 v1, $0x10  }
0x110: {  	v1 =	vand.u32 $0xFFFF, v1;
	[tilespmem:$0x18880] =	vst v2  }
0x111: {  	[tilespmem:$0x188C0] =	vst v1  }
0x112: {  	v1 =	vld [tilespmem:s13+$0x16150];
	_ =	sdelay $0x3  }
.Ltmp7:
0x113: {  	_ = 	snop;
	(pc) =	sbr.rel .LBB2_9-.Ltmp7, $4  }
0x114: {  	v2 =	vshrl.u32 v1, $0x10  }
0x115: {  	v1 =	vand.u32 $0xFFFF, v1;
	[tilespmem:$0x18890] =	vst v2  }
0x116: {  	s12 =	sadd.s32 $0x300, s12;
	[tilespmem:$0x188D0] =	vst v1  }
0x117: {  	[tilespmem:s28], [sflag:$0x2] =	stream.indirect.gather [hbm4b:s5+s24], $0x90, s26, s24, $0xb8;
	[tilespmem:$0x1F560] =	vst v63  }
.LBB2_6:
.Ltmp8:
0x118: {  	(pc) =	sbr.rel .LBB2_11-.Ltmp8, $2  }
0x119: {  	_ =	sdelay $0x2  }
0x11a: {  	s12 =	rddreg [dreg:$0x3]  }
.LBB2_12:
0x11b: {  	_ =	sfence.sel $0x180000  }
0x11c: {  	[bflag:$0x0] =	sbarrier.arrive $0xFFFF  }
0x11d: {  	_ =	strace $0x90000047  }
0x11e: {  	s0 =	stileid.u32;
	[bflag:$0x2] =	sbarrier.arrive $0xFFFF  }
0x11f: {  	p0 =	sne.s32 s0, $0x0;
	s0 =	rddreg [dreg:$0x2]  }
0x120: {  	s0 =	sadd.s32 @!p0 $0x100000, s0  }
0x121: {  	[sflag:s0] =	ssyncadd.tile.s32 @!p0 $0x1;
	_ =	shalt  }
.Lfunc_end2:
_tile_overlayer_lowered:
.L_overlay_start_2:
0x122: {  	(tag) =	ssettag $0x2  }
0x123: {  	s0 =	rddreg [dreg:$0x0];
	s2 =	stileid.u32  }
0x124: {  	s1 =	rddreg [dreg:$0x1];
	p0 =	sne.s32 s2, $0x0  }
0x125: {  	s3 =	rddreg [dreg:$0x2];
	[bflag:$0x3] =	sbarrier.arrive $0xFFFF;
	s2 =	simm.s32 @!p0 $0x1C07  }
0x126: {  	[timem:s3], [sflag:s2] =	dma.local @!p0 [hbm:s0], s1  }
0x127: {  	s0 =	simm.s32 @!p0 $0x7  }
0x128: {  	_ =	swait.ge @!p0 [sflag:s0], s1  }
0x129: {  	s1 =	ssub.s32 @!p0 $0x0, s1;
	[sflag:s0] =	ssyncset.done @!p0 $0x0  }
0x12a: {  	[sflag:s0] =	ssyncadd.s32 @!p0 s1  }
0x12b: {  	[bflag:$0x3] =	sbarrier.arrive $0xFFFF  }
0x12c: {  	_ =	shalt  }

</sc_bundles>
